<compile_context>
chip_gen: v7x
topology: tpu7x:2x2x1
jax: 0.10.2.dev20260603
libtpu: 0.0.44.dev20260713+nightly
codegen_flags: <defaults>
</compile_context>

<pallas_src>
import functools

import jax
import jax.numpy as jnp
from jax import lax
from jax.experimental import pallas as pl
from jax.experimental.pallas import tpu as pltpu
from jax.experimental.pallas import tpu_sc as plsc

_E = 8
_R = 16
_SCALING = 32.0 / 16.0
_TB = 512

_BF16_DOT = jax.lax.Precision.DEFAULT


def _router_block(x_ref, rw_ref, logits_ref, logits_t_ref):
    x = x_ref[0]
    rw = rw_ref[...]
    logits_ref[...] = jax.lax.dot_general(
        x, rw, (((1,), (1,)), ((), ())),
        precision=_BF16_DOT, preferred_element_type=jnp.float32)
    logits_t_ref[...] = jax.lax.dot_general(
        rw, x, (((1,), (1,)), ((), ())),
        precision=_BF16_DOT, preferred_element_type=jnp.float32)


def _make_sc_mask(t):
    info = plsc.get_sparse_core_info()
    nc, ns = info.num_cores, info.num_subcores
    tpw = 128
    nact = t // tpw
    mesh = plsc.VectorSubcoreMesh(core_axis_name="c", subcore_axis_name="s")

    @functools.partial(
        pl.kernel, mesh=mesh,
        out_type=jax.ShapeDtypeStruct((_E, t), jnp.float32),
        scratch_types=[
            pltpu.VMEM((_E, tpw), jnp.float32),
            pltpu.VMEM((_E, tpw), jnp.float32),
        ],
    )
    def sc_mask(logits_t_hbm, out_hbm, lv, mv):
        wid = lax.axis_index("s") * nc + lax.axis_index("c")
        base = jnp.minimum(wid, nact - 1) * tpw
        pltpu.sync_copy(logits_t_hbm.at[:, pl.ds(base, tpw)], lv)
        lo = jnp.full((16,), -3.0e38, jnp.float32)
        for chunk in range(tpw // 16):
            sl = pl.ds(chunk * 16, 16)
            le = [lv[e, sl] for e in range(_E)]
            m1 = le[0]
            for e in range(1, _E):
                m1 = jnp.maximum(m1, le[e])
            i1 = jnp.full((16,), float(_E), jnp.float32)
            for e in range(_E - 1, -1, -1):
                ev = jnp.full((16,), float(e), jnp.float32)
                i1 = jnp.where(le[e] == m1, ev, i1)
            m2 = lo
            for e in range(_E):
                ev = jnp.full((16,), float(e), jnp.float32)
                l2e = jnp.where(i1 == ev, lo, le[e])
                m2 = jnp.maximum(m2, l2e)
            i2 = jnp.full((16,), float(_E), jnp.float32)
            for e in range(_E - 1, -1, -1):
                ev = jnp.full((16,), float(e), jnp.float32)
                keep = jnp.where(i1 == ev, i2, ev)
                i2 = jnp.where(le[e] == m2, keep, i2)
            one = jnp.full((16,), 1.0, jnp.float32)
            zero = jnp.full((16,), 0.0, jnp.float32)
            for e in range(_E):
                ev = jnp.full((16,), float(e), jnp.float32)
                hit1 = jnp.where(i1 == ev, one, zero)
                hit2 = jnp.where(i2 == ev, one, zero)
                mv[e, sl] = jnp.maximum(hit1, hit2)
        @pl.when(wid < nact)
        def _():
            pltpu.sync_copy(mv, out_hbm.at[:, pl.ds(base, tpw)])

    return sc_mask


def _moe_block(x_ref, mask_t_ref, w1_ref, w3_ref, w2_ref, a_ref, b_ref,
               out_ref):
    x = x_ref[0]
    mt = mask_t_ref[...]

    expand = (jax.lax.broadcasted_iota(jnp.int32, (_E, _E * _R), 1) // _R
              == jax.lax.broadcasted_iota(jnp.int32, (_E, _E * _R), 0)
              ).astype(jnp.float32)
    mask128 = jax.lax.dot_general(mt, expand, (((0,), (0,)), ((), ())),
                                  precision=_BF16_DOT)

    h1 = jax.lax.dot_general(x, w1_ref[...], (((1,), (1,)), ((), ())),
                             precision=_BF16_DOT)
    h3 = jax.lax.dot_general(x, w3_ref[...], (((1,), (1,)), ((), ())),
                             precision=_BF16_DOT)
    h = jax.nn.silu(h1) * h3
    ex = jax.lax.dot_general(h, w2_ref[...], (((1,), (1,)), ((), ())),
                             precision=_BF16_DOT)

    z = jax.lax.dot_general(x, a_ref[...], (((1,), (1,)), ((), ())),
                            precision=_BF16_DOT)
    zm = z * mask128
    lora = jax.lax.dot_general(zm, b_ref[...], (((1,), (0,)), ((), ())),
                               precision=_BF16_DOT)

    out_ref[0] = ex + _SCALING * lora


@functools.partial(jax.jit, static_argnames=())
def kernel(hidden_states, router_w, w1, w2, w3, lora_A, lora_B):
    bs, sl, hd = hidden_states.shape
    t = bs * sl
    ffn = w1.shape[0]
    e, r, d = lora_A.shape

    a_cat = lora_A.reshape(e * r, d)
    b_cat = lora_B.transpose(0, 2, 1).reshape(e * r, d)

    const = lambda i: (0, 0)

    logits, logits_t = pl.pallas_call(
        _router_block,
        grid=(t // _TB,),
        in_specs=[
            pl.BlockSpec((1, _TB, hd), lambda i: (0, i, 0)),
            pl.BlockSpec((_E, hd), const),
        ],
        out_specs=[
            pl.BlockSpec((_TB, _E), lambda i: (i, 0)),
            pl.BlockSpec((_E, _TB), lambda i: (0, i)),
        ],
        out_shape=[
            jax.ShapeDtypeStruct((t, _E), jnp.float32),
            jax.ShapeDtypeStruct((_E, t), jnp.float32),
        ],
        compiler_params=pltpu.CompilerParams(
            dimension_semantics=("arbitrary",)),
    )(hidden_states, router_w)

    mask_t = _make_sc_mask(t)(logits_t)

    final = pl.pallas_call(
        _moe_block,
        grid=(t // _TB,),
        in_specs=[
            pl.BlockSpec((1, _TB, hd), lambda i: (0, i, 0)),
            pl.BlockSpec((_E, _TB), lambda i: (0, i)),
            pl.BlockSpec((ffn, hd), const),
            pl.BlockSpec((ffn, hd), const),
            pl.BlockSpec((hd, ffn), const),
            pl.BlockSpec((e * r, hd), const),
            pl.BlockSpec((e * r, hd), const),
        ],
        out_specs=pl.BlockSpec((1, _TB, hd), lambda i: (0, i, 0)),
        out_shape=jax.ShapeDtypeStruct((bs, sl, hd), jnp.float32),
        compiler_params=pltpu.CompilerParams(
            dimension_semantics=("arbitrary",)),
    )(hidden_states, mask_t, w1, w3, w2, a_cat, b_cat)

    return final, logits

# --- scband reference (transcript-rebuilt; emitter-appended) ---
"""Pipeline reference for scband-evemixtral-sparse-block-46162308497852 (READ-ONLY COPY).

The authoritative reference and input builder live on the scoring server;
editing this copy changes nothing except your own understanding.
"""

import jax, jax.numpy as jnp
import numpy as np

E = 8
TOPK = 2
D = 1024
FFN = 2048
R = 16
ALPHA = 32
SCALING = ALPHA / R
B = 1
S = 2048


def setup_inputs(seed: int = 0) -> dict:
    key = jax.random.key(seed)
    ks = jax.random.split(key, 7)
    hidden_states = jax.random.normal(ks[0], (B, S, D), dtype=jnp.float32)
    router_w = jax.random.normal(ks[1], (E, D), dtype=jnp.float32) * 0.02
    w1 = jax.random.normal(ks[2], (FFN, D), dtype=jnp.float32) * 0.02
    w3 = jax.random.normal(ks[3], (FFN, D), dtype=jnp.float32) * 0.02
    w2 = jax.random.normal(ks[4], (D, FFN), dtype=jnp.float32) * 0.02
    lora_A = jax.random.normal(ks[5], (E, R, D), dtype=jnp.float32) * 0.02
    lora_B = jax.random.normal(ks[6], (E, D, R), dtype=jnp.float32) * 0.02
    return {
        "hidden_states": hidden_states,
        "router_w": router_w,
        "w1": w1,
        "w2": w2,
        "w3": w3,
        "lora_A": lora_A,
        "lora_B": lora_B,
    }


def reference(hidden_states, router_w, w1, w2, w3, lora_A, lora_B):
    bs, sl, hd = hidden_states.shape
    x = hidden_states.reshape(-1, hd)
    # router
    router_logits = x @ router_w.T
    rw = jax.nn.softmax(router_logits.astype(jnp.float32), axis=1)
    routing_weights, selected_experts = jax.lax.top_k(rw, TOPK)
    routing_weights = routing_weights / jnp.sum(routing_weights, axis=-1, keepdims=True)
    routing_weights = routing_weights.astype(x.dtype)
    # shared (merged) MixtralBlockSparseTop2MLP expert: w2(silu(w1(x)) * w3(x))
    h = jax.nn.silu(x @ w1.T) * (x @ w3.T)
    ex_out = h @ w2.T
    final = jnp.zeros_like(x)
    for e in range(E):
        mask = (selected_experts == e)  # [T, top_k]; top_k indices are distinct
        w_e = jnp.sum(routing_weights * mask.astype(x.dtype), axis=-1)  # [T]
        active = jnp.any(mask, axis=-1).astype(x.dtype)  # [T]
        lora = ((x @ lora_A[e].T) @ lora_B[e].T) * SCALING
        final = final + ex_out * w_e[:, None] + lora * active[:, None]
    final = final.reshape(bs, sl, hd)
    return (final, router_logits)

if __name__ == "__main__":
    import jax
    _d = setup_inputs()
    print(jax.jit(kernel)(*tuple(_d.values())))

</pallas_src>

<mosaic_0001>
#map = affine_map<(d0, d1) -> (0, 0)>
module attributes {stable_mosaic.version = 14 : i64} {
  func.func @sc_mask(%arg0: i32, %arg1: i32, %arg2: memref<8x2048xf32, #tpu.memory_space<hbm>>, %arg3: memref<8x2048xf32, #tpu.memory_space<hbm>>, %arg4: memref<8x128xf32, #tpu.memory_space<vmem>>, %arg5: memref<8x128xf32, #tpu.memory_space<vmem>>) attributes {dimension_semantics = [#tpu.dimension_semantics<core_parallel>, #tpu.dimension_semantics<subcore_parallel>], iteration_bounds = array<i64: 2, 16>, scalar_prefetch = 0 : i64, scratch_operands = 2 : i64, tpu.core_type = #tpu.core_type<sc_vector_subcore>, window_params = [{transform_indices = #map}, {transform_indices = #map}]} {
    %mul3A = arith.constant 2 : i32
    %mul3A_0 = arith.muli %arg1, %mul3A : i32
    %add3A = arith.addi %mul3A_0, %arg0 : i32
    %min3A = arith.constant 15 : i32
    %min3A_1 = arith.minsi %add3A, %min3A : i32
    %mul3A_2 = arith.constant 128 : i32
    %mul3A_3 = arith.muli %min3A_1, %mul3A_2 : i32
    "tpu.region"() ({
      %run_scoped3A = tpu.sem_alloc : memref<!tpu.dma_semaphore, #tpu.memory_space<semaphore_mem>>
      %dma_start3A = arith.constant 0 : i32
      %dma_start3A_2234 = tpu.memref_slice %arg2[%dma_start3A, %mul3A_3] : memref<8x2048xf32, #tpu.memory_space<hbm>> -> memref<8x128xf32, #tpu.memory_space<hbm>>
      %dma_start3A_2235 = arith.constant 0 : i32
      %dma_start3A_2236 = tpu.memref_slice %arg2[%dma_start3A_2235, %mul3A_3] : memref<8x2048xf32, #tpu.memory_space<hbm>> -> memref<8x128xf32, #tpu.memory_space<hbm>>
      tpu.enqueue_dma source(%dma_start3A_2236 : memref<8x128xf32, #tpu.memory_space<hbm>>) target(%arg4 : memref<8x128xf32, #tpu.memory_space<vmem>>) target_semaphore(%run_scoped3A : memref<!tpu.dma_semaphore, #tpu.memory_space<semaphore_mem>>)
      %dma_wait3A = arith.constant 0 : i32
      %dma_wait3A_2237 = tpu.memref_slice %arg2[%dma_wait3A, %mul3A_3] : memref<8x2048xf32, #tpu.memory_space<hbm>> -> memref<8x128xf32, #tpu.memory_space<hbm>>
      %dma_wait3A_2238 = arith.constant 0 : i32
      %dma_wait3A_2239 = tpu.memref_slice %arg2[%dma_wait3A_2238, %mul3A_3] : memref<8x2048xf32, #tpu.memory_space<hbm>> -> memref<8x128xf32, #tpu.memory_space<hbm>>
      tpu.wait_dma2 semaphore(%run_scoped3A : memref<!tpu.dma_semaphore, #tpu.memory_space<semaphore_mem>>) src(%dma_wait3A_2239 : memref<8x128xf32, #tpu.memory_space<hbm>>) dst(%arg4 : memref<8x128xf32, #tpu.memory_space<vmem>>)
      tpu.yield
    }) : () -> ()
    %broadcast_in_dim3A = arith.constant -3.000000e+38 : f32
    %broadcast_in_dim3A_4 = vector.broadcast %broadcast_in_dim3A : f32 to vector<16xf32>
    %get3A = arith.constant 0 : i32
    %get3A_5 = arith.index_cast %get3A : i32 to index
    %get3A_6 = arith.constant 0 : index
    %get3A_7 = tpu.vector_load %arg4[%get3A_5, %get3A_6] {strides = array<i32>} : memref<8x128xf32, #tpu.memory_space<vmem>>, vector<1x16xf32>,
    %get3A_8 = vector.shape_cast %get3A_7 : vector<1x16xf32> to vector<16xf32>
    %get3A_9 = arith.constant 1 : i32
    %get3A_10 = arith.index_cast %get3A_9 : i32 to index
    %get3A_11 = arith.constant 0 : index
    %get3A_12 = tpu.vector_load %arg4[%get3A_10, %get3A_11] {strides = array<i32>} : memref<8x128xf32, #tpu.memory_space<vmem>>, vector<1x16xf32>,
    %get3A_13 = vector.shape_cast %get3A_12 : vector<1x16xf32> to vector<16xf32>
    %get3A_14 = arith.constant 2 : i32
    %get3A_15 = arith.index_cast %get3A_14 : i32 to index
    %get3A_16 = arith.constant 0 : index
    %get3A_17 = tpu.vector_load %arg4[%get3A_15, %get3A_16] {strides = array<i32>} : memref<8x128xf32, #tpu.memory_space<vmem>>, vector<1x16xf32>,
    %get3A_18 = vector.shape_cast %get3A_17 : vector<1x16xf32> to vector<16xf32>
    %get3A_19 = arith.constant 3 : i32
    %get3A_20 = arith.index_cast %get3A_19 : i32 to index
    %get3A_21 = arith.constant 0 : index
    %get3A_22 = tpu.vector_load %arg4[%get3A_20, %get3A_21] {strides = array<i32>} : memref<8x128xf32, #tpu.memory_space<vmem>>, vector<1x16xf32>,
    %get3A_23 = vector.shape_cast %get3A_22 : vector<1x16xf32> to vector<16xf32>
    %get3A_24 = arith.constant 4 : i32
    %get3A_25 = arith.index_cast %get3A_24 : i32 to index
    %get3A_26 = arith.constant 0 : index
    %get3A_27 = tpu.vector_load %arg4[%get3A_25, %get3A_26] {strides = array<i32>} : memref<8x128xf32, #tpu.memory_space<vmem>>, vector<1x16xf32>,
    %get3A_28 = vector.shape_cast %get3A_27 : vector<1x16xf32> to vector<16xf32>
    %get3A_29 = arith.constant 5 : i32
    %get3A_30 = arith.index_cast %get3A_29 : i32 to index
    %get3A_31 = arith.constant 0 : index
    %get3A_32 = tpu.vector_load %arg4[%get3A_30, %get3A_31] {strides = array<i32>} : memref<8x128xf32, #tpu.memory_space<vmem>>, vector<1x16xf32>,
    %get3A_33 = vector.shape_cast %get3A_32 : vector<1x16xf32> to vector<16xf32>
    %get3A_34 = arith.constant 6 : i32
    %get3A_35 = arith.index_cast %get3A_34 : i32 to index
    %get3A_36 = arith.constant 0 : index
    %get3A_37 = tpu.vector_load %arg4[%get3A_35, %get3A_36] {strides = array<i32>} : memref<8x128xf32, #tpu.memory_space<vmem>>, vector<1x16xf32>,
    %get3A_38 = vector.shape_cast %get3A_37 : vector<1x16xf32> to vector<16xf32>
    %get3A_39 = arith.constant 7 : i32
    %get3A_40 = arith.index_cast %get3A_39 : i32 to index
    %get3A_41 = arith.constant 0 : index
    %get3A_42 = tpu.vector_load %arg4[%get3A_40, %get3A_41] {strides = array<i32>} : memref<8x128xf32, #tpu.memory_space<vmem>>, vector<1x16xf32>,
    %get3A_43 = vector.shape_cast %get3A_42 : vector<1x16xf32> to vector<16xf32>
    %max3A = arith.maximumf %get3A_8, %get3A_13 : vector<16xf32>
    %max3A_44 = arith.maximumf %max3A, %get3A_18 : vector<16xf32>
    %max3A_45 = arith.maximumf %max3A_44, %get3A_23 : vector<16xf32>
    %max3A_46 = arith.maximumf %max3A_45, %get3A_28 : vector<16xf32>
    %max3A_47 = arith.maximumf %max3A_46, %get3A_33 : vector<16xf32>
    %max3A_48 = arith.maximumf %max3A_47, %get3A_38 : vector<16xf32>
    %max3A_49 = arith.maximumf %max3A_48, %get3A_43 : vector<16xf32>
    %broadcast_in_dim3A_50 = arith.constant 8.000000e+00 : f32
    %broadcast_in_dim3A_51 = vector.broadcast %broadcast_in_dim3A_50 : f32 to vector<16xf32>
    %broadcast_in_dim3A_52 = arith.constant 7.000000e+00 : f32
    %broadcast_in_dim3A_53 = vector.broadcast %broadcast_in_dim3A_52 : f32 to vector<16xf32>
    %eq3A = arith.cmpf oeq, %get3A_43, %max3A_49 : vector<16xf32>
    %select_n3A = arith.select %eq3A, %broadcast_in_dim3A_53, %broadcast_in_dim3A_51 : vector<16xi1>, vector<16xf32>
    %broadcast_in_dim3A_54 = arith.constant 6.000000e+00 : f32
    %broadcast_in_dim3A_55 = vector.broadcast %broadcast_in_dim3A_54 : f32 to vector<16xf32>
    %eq3A_56 = arith.cmpf oeq, %get3A_38, %max3A_49 : vector<16xf32>
    %select_n3A_57 = arith.select %eq3A_56, %broadcast_in_dim3A_55, %select_n3A : vector<16xi1>, vector<16xf32>
    %broadcast_in_dim3A_58 = arith.constant 5.000000e+00 : f32
    %broadcast_in_dim3A_59 = vector.broadcast %broadcast_in_dim3A_58 : f32 to vector<16xf32>
    %eq3A_60 = arith.cmpf oeq, %get3A_33, %max3A_49 : vector<16xf32>
    %select_n3A_61 = arith.select %eq3A_60, %broadcast_in_dim3A_59, %select_n3A_57 : vector<16xi1>, vector<16xf32>
    %broadcast_in_dim3A_62 = arith.constant 4.000000e+00 : f32
    %broadcast_in_dim3A_63 = vector.broadcast %broadcast_in_dim3A_62 : f32 to vector<16xf32>
    %eq3A_64 = arith.cmpf oeq, %get3A_28, %max3A_49 : vector<16xf32>
    %select_n3A_65 = arith.select %eq3A_64, %broadcast_in_dim3A_63, %select_n3A_61 : vector<16xi1>, vector<16xf32>
    %broadcast_in_dim3A_66 = arith.constant 3.000000e+00 : f32
    %broadcast_in_dim3A_67 = vector.broadcast %broadcast_in_dim3A_66 : f32 to vector<16xf32>
    %eq3A_68 = arith.cmpf oeq, %get3A_23, %max3A_49 : vector<16xf32>
    %select_n3A_69 = arith.select %eq3A_68, %broadcast_in_dim3A_67, %select_n3A_65 : vector<16xi1>, vector<16xf32>
    %broadcast_in_dim3A_70 = arith.constant 2.000000e+00 : f32
    %broadcast_in_dim3A_71 = vector.broadcast %broadcast_in_dim3A_70 : f32 to vector<16xf32>
    %eq3A_72 = arith.cmpf oeq, %get3A_18, %max3A_49 : vector<16xf32>
    %select_n3A_73 = arith.select %eq3A_72, %broadcast_in_dim3A_71, %select_n3A_69 : vector<16xi1>, vector<16xf32>
    %broadcast_in_dim3A_74 = arith.constant 1.000000e+00 : f32
    %broadcast_in_dim3A_75 = vector.broadcast %broadcast_in_dim3A_74 : f32 to vector<16xf32>
    %eq3A_76 = arith.cmpf oeq, %get3A_13, %max3A_49 : vector<16xf32>
    %select_n3A_77 = arith.select %eq3A_76, %broadcast_in_dim3A_75, %select_n3A_73 : vector<16xi1>, vector<16xf32>
    %broadcast_in_dim3A_78 = arith.constant 0.000000e+00 : f32
    %broadcast_in_dim3A_79 = vector.broadcast %broadcast_in_dim3A_78 : f32 to vector<16xf32>
    %eq3A_80 = arith.cmpf oeq, %get3A_8, %max3A_49 : vector<16xf32>
    %select_n3A_81 = arith.select %eq3A_80, %broadcast_in_dim3A_79, %select_n3A_77 : vector<16xi1>, vector<16xf32>
    %broadcast_in_dim3A_82 = arith.constant 0.000000e+00 : f32
    %broadcast_in_dim3A_83 = vector.broadcast %broadcast_in_dim3A_82 : f32 to vector<16xf32>
    %eq3A_84 = arith.cmpf oeq, %select_n3A_81, %broadcast_in_dim3A_83 : vector<16xf32>
    %select_n3A_85 = arith.select %eq3A_84, %broadcast_in_dim3A_4, %get3A_8 : vector<16xi1>, vector<16xf32>
    %max3A_86 = arith.maximumf %broadcast_in_dim3A_4, %select_n3A_85 : vector<16xf32>
    %broadcast_in_dim3A_87 = arith.constant 1.000000e+00 : f32
    %broadcast_in_dim3A_88 = vector.broadcast %broadcast_in_dim3A_87 : f32 to vector<16xf32>
    %eq3A_89 = arith.cmpf oeq, %select_n3A_81, %broadcast_in_dim3A_88 : vector<16xf32>
    %select_n3A_90 = arith.select %eq3A_89, %broadcast_in_dim3A_4, %get3A_13 : vector<16xi1>, vector<16xf32>
    %max3A_91 = arith.maximumf %max3A_86, %select_n3A_90 : vector<16xf32>
    %broadcast_in_dim3A_92 = arith.constant 2.000000e+00 : f32
    %broadcast_in_dim3A_93 = vector.broadcast %broadcast_in_dim3A_92 : f32 to vector<16xf32>
    %eq3A_94 = arith.cmpf oeq, %select_n3A_81, %broadcast_in_dim3A_93 : vector<16xf32>
    %select_n3A_95 = arith.select %eq3A_94, %broadcast_in_dim3A_4, %get3A_18 : vector<16xi1>, vector<16xf32>
    %max3A_96 = arith.maximumf %max3A_91, %select_n3A_95 : vector<16xf32>
    %broadcast_in_dim3A_97 = arith.constant 3.000000e+00 : f32
    %broadcast_in_dim3A_98 = vector.broadcast %broadcast_in_dim3A_97 : f32 to vector<16xf32>
    %eq3A_99 = arith.cmpf oeq, %select_n3A_81, %broadcast_in_dim3A_98 : vector<16xf32>
    %select_n3A_100 = arith.select %eq3A_99, %broadcast_in_dim3A_4, %get3A_23 : vector<16xi1>, vector<16xf32>
    %max3A_101 = arith.maximumf %max3A_96, %select_n3A_100 : vector<16xf32>
    %broadcast_in_dim3A_102 = arith.constant 4.000000e+00 : f32
    %broadcast_in_dim3A_103 = vector.broadcast %broadcast_in_dim3A_102 : f32 to vector<16xf32>
    %eq3A_104 = arith.cmpf oeq, %select_n3A_81, %broadcast_in_dim3A_103 : vector<16xf32>
    %select_n3A_105 = arith.select %eq3A_104, %broadcast_in_dim3A_4, %get3A_28 : vector<16xi1>, vector<16xf32>
    %max3A_106 = arith.maximumf %max3A_101, %select_n3A_105 : vector<16xf32>
    %broadcast_in_dim3A_107 = arith.constant 5.000000e+00 : f32
    %broadcast_in_dim3A_108 = vector.broadcast %broadcast_in_dim3A_107 : f32 to vector<16xf32>
    %eq3A_109 = arith.cmpf oeq, %select_n3A_81, %broadcast_in_dim3A_108 : vector<16xf32>
    %select_n3A_110 = arith.select %eq3A_109, %broadcast_in_dim3A_4, %get3A_33 : vector<16xi1>, vector<16xf32>
    %max3A_111 = arith.maximumf %max3A_106, %select_n3A_110 : vector<16xf32>
    %broadcast_in_dim3A_112 = arith.constant 6.000000e+00 : f32
    %broadcast_in_dim3A_113 = vector.broadcast %broadcast_in_dim3A_112 : f32 to vector<16xf32>
    %eq3A_114 = arith.cmpf oeq, %select_n3A_81, %broadcast_in_dim3A_113 : vector<16xf32>
    %select_n3A_115 = arith.select %eq3A_114, %broadcast_in_dim3A_4, %get3A_38 : vector<16xi1>, vector<16xf32>
    %max3A_116 = arith.maximumf %max3A_111, %select_n3A_115 : vector<16xf32>
    %broadcast_in_dim3A_117 = arith.constant 7.000000e+00 : f32
    %broadcast_in_dim3A_118 = vector.broadcast %broadcast_in_dim3A_117 : f32 to vector<16xf32>
    %eq3A_119 = arith.cmpf oeq, %select_n3A_81, %broadcast_in_dim3A_118 : vector<16xf32>
    %select_n3A_120 = arith.select %eq3A_119, %broadcast_in_dim3A_4, %get3A_43 : vector<16xi1>, vector<16xf32>
    %max3A_121 = arith.maximumf %max3A_116, %select_n3A_120 : vector<16xf32>
    %broadcast_in_dim3A_122 = arith.constant 8.000000e+00 : f32
    %broadcast_in_dim3A_123 = vector.broadcast %broadcast_in_dim3A_122 : f32 to vector<16xf32>
    %broadcast_in_dim3A_124 = arith.constant 7.000000e+00 : f32
    %broadcast_in_dim3A_125 = vector.broadcast %broadcast_in_dim3A_124 : f32 to vector<16xf32>
    %eq3A_126 = arith.cmpf oeq, %select_n3A_81, %broadcast_in_dim3A_125 : vector<16xf32>
    %select_n3A_127 = arith.select %eq3A_126, %broadcast_in_dim3A_123, %broadcast_in_dim3A_125 : vector<16xi1>, vector<16xf32>
    %eq3A_128 = arith.cmpf oeq, %get3A_43, %max3A_121 : vector<16xf32>
    %select_n3A_129 = arith.select %eq3A_128, %select_n3A_127, %broadcast_in_dim3A_123 : vector<16xi1>, vector<16xf32>
    %broadcast_in_dim3A_130 = arith.constant 6.000000e+00 : f32
    %broadcast_in_dim3A_131 = vector.broadcast %broadcast_in_dim3A_130 : f32 to vector<16xf32>
    %eq3A_132 = arith.cmpf oeq, %select_n3A_81, %broadcast_in_dim3A_131 : vector<16xf32>
    %select_n3A_133 = arith.select %eq3A_132, %select_n3A_129, %broadcast_in_dim3A_131 : vector<16xi1>, vector<16xf32>
    %eq3A_134 = arith.cmpf oeq, %get3A_38, %max3A_121 : vector<16xf32>
    %select_n3A_135 = arith.select %eq3A_134, %select_n3A_133, %select_n3A_129 : vector<16xi1>, vector<16xf32>
    %broadcast_in_dim3A_136 = arith.constant 5.000000e+00 : f32
    %broadcast_in_dim3A_137 = vector.broadcast %broadcast_in_dim3A_136 : f32 to vector<16xf32>
    %eq3A_138 = arith.cmpf oeq, %select_n3A_81, %broadcast_in_dim3A_137 : vector<16xf32>
    %select_n3A_139 = arith.select %eq3A_138, %select_n3A_135, %broadcast_in_dim3A_137 : vector<16xi1>, vector<16xf32>
    %eq3A_140 = arith.cmpf oeq, %get3A_33, %max3A_121 : vector<16xf32>
    %select_n3A_141 = arith.select %eq3A_140, %select_n3A_139, %select_n3A_135 : vector<16xi1>, vector<16xf32>
    %broadcast_in_dim3A_142 = arith.constant 4.000000e+00 : f32
    %broadcast_in_dim3A_143 = vector.broadcast %broadcast_in_dim3A_142 : f32 to vector<16xf32>
    %eq3A_144 = arith.cmpf oeq, %select_n3A_81, %broadcast_in_dim3A_143 : vector<16xf32>
    %select_n3A_145 = arith.select %eq3A_144, %select_n3A_141, %broadcast_in_dim3A_143 : vector<16xi1>, vector<16xf32>
    %eq3A_146 = arith.cmpf oeq, %get3A_28, %max3A_121 : vector<16xf32>
    %select_n3A_147 = arith.select %eq3A_146, %select_n3A_145, %select_n3A_141 : vector<16xi1>, vector<16xf32>
    %broadcast_in_dim3A_148 = arith.constant 3.000000e+00 : f32
    %broadcast_in_dim3A_149 = vector.broadcast %broadcast_in_dim3A_148 : f32 to vector<16xf32>
    %eq3A_150 = arith.cmpf oeq, %select_n3A_81, %broadcast_in_dim3A_149 : vector<16xf32>
    %select_n3A_151 = arith.select %eq3A_150, %select_n3A_147, %broadcast_in_dim3A_149 : vector<16xi1>, vector<16xf32>
    %eq3A_152 = arith.cmpf oeq, %get3A_23, %max3A_121 : vector<16xf32>
    %select_n3A_153 = arith.select %eq3A_152, %select_n3A_151, %select_n3A_147 : vector<16xi1>, vector<16xf32>
    %broadcast_in_dim3A_154 = arith.constant 2.000000e+00 : f32
    %broadcast_in_dim3A_155 = vector.broadcast %broadcast_in_dim3A_154 : f32 to vector<16xf32>
    %eq3A_156 = arith.cmpf oeq, %select_n3A_81, %broadcast_in_dim3A_155 : vector<16xf32>
    %select_n3A_157 = arith.select %eq3A_156, %select_n3A_153, %broadcast_in_dim3A_155 : vector<16xi1>, vector<16xf32>
    %eq3A_158 = arith.cmpf oeq, %get3A_18, %max3A_121 : vector<16xf32>
    %select_n3A_159 = arith.select %eq3A_158, %select_n3A_157, %select_n3A_153 : vector<16xi1>, vector<16xf32>
    %broadcast_in_dim3A_160 = arith.constant 1.000000e+00 : f32
    %broadcast_in_dim3A_161 = vector.broadcast %broadcast_in_dim3A_160 : f32 to vector<16xf32>
    %eq3A_162 = arith.cmpf oeq, %select_n3A_81, %broadcast_in_dim3A_161 : vector<16xf32>
    %select_n3A_163 = arith.select %eq3A_162, %select_n3A_159, %broadcast_in_dim3A_161 : vector<16xi1>, vector<16xf32>
    %eq3A_164 = arith.cmpf oeq, %get3A_13, %max3A_121 : vector<16xf32>
    %select_n3A_165 = arith.select %eq3A_164, %select_n3A_163, %select_n3A_159 : vector<16xi1>, vector<16xf32>
    %broadcast_in_dim3A_166 = arith.constant 0.000000e+00 : f32
    %broadcast_in_dim3A_167 = vector.broadcast %broadcast_in_dim3A_166 : f32 to vector<16xf32>
    %eq3A_168 = arith.cmpf oeq, %select_n3A_81, %broadcast_in_dim3A_167 : vector<16xf32>
    %select_n3A_169 = arith.select %eq3A_168, %select_n3A_165, %broadcast_in_dim3A_167 : vector<16xi1>, vector<16xf32>
    %eq3A_170 = arith.cmpf oeq, %get3A_8, %max3A_121 : vector<16xf32>
    %select_n3A_171 = arith.select %eq3A_170, %select_n3A_169, %select_n3A_165 : vector<16xi1>, vector<16xf32>
    %broadcast_in_dim3A_172 = arith.constant 1.000000e+00 : f32
    %broadcast_in_dim3A_173 = vector.broadcast %broadcast_in_dim3A_172 : f32 to vector<16xf32>
    %broadcast_in_dim3A_174 = arith.constant 0.000000e+00 : f32
    %broadcast_in_dim3A_175 = vector.broadcast %broadcast_in_dim3A_174 : f32 to vector<16xf32>
    %broadcast_in_dim3A_176 = arith.constant 0.000000e+00 : f32
    %broadcast_in_dim3A_177 = vector.broadcast %broadcast_in_dim3A_176 : f32 to vector<16xf32>
    %eq3A_178 = arith.cmpf oeq, %select_n3A_81, %broadcast_in_dim3A_177 : vector<16xf32>
    %select_n3A_179 = arith.select %eq3A_178, %broadcast_in_dim3A_173, %broadcast_in_dim3A_175 : vector<16xi1>, vector<16xf32>
    %eq3A_180 = arith.cmpf oeq, %select_n3A_171, %broadcast_in_dim3A_177 : vector<16xf32>
    %select_n3A_181 = arith.select %eq3A_180, %broadcast_in_dim3A_173, %broadcast_in_dim3A_175 : vector<16xi1>, vector<16xf32>
    %max3A_182 = arith.maximumf %select_n3A_179, %select_n3A_181 : vector<16xf32>
    %swap3A = arith.constant 0 : i32
    %swap3A_183 = arith.index_cast %swap3A : i32 to index
    %swap3A_184 = arith.constant 0 : index
    %swap3A_185 = tpu.vector_load %arg5[%swap3A_183, %swap3A_184] {strides = array<i32>} : memref<8x128xf32, #tpu.memory_space<vmem>>, vector<1x16xf32>,
    %swap3A_186 = vector.shape_cast %swap3A_185 : vector<1x16xf32> to vector<16xf32>
    %swap3A_187 = vector.shape_cast %max3A_182 : vector<16xf32> to vector<1x16xf32>
    tpu.vector_store %arg5[%swap3A_183, %swap3A_184], %swap3A_187 {strides = array<i32>} : memref<8x128xf32, #tpu.memory_space<vmem>>, vector<1x16xf32>,
    %broadcast_in_dim3A_188 = arith.constant 1.000000e+00 : f32
    %broadcast_in_dim3A_189 = vector.broadcast %broadcast_in_dim3A_188 : f32 to vector<16xf32>
    %eq3A_190 = arith.cmpf oeq, %select_n3A_81, %broadcast_in_dim3A_189 : vector<16xf32>
    %select_n3A_191 = arith.select %eq3A_190, %broadcast_in_dim3A_173, %broadcast_in_dim3A_175 : vector<16xi1>, vector<16xf32>
    %eq3A_192 = arith.cmpf oeq, %select_n3A_171, %broadcast_in_dim3A_189 : vector<16xf32>
    %select_n3A_193 = arith.select %eq3A_192, %broadcast_in_dim3A_173, %broadcast_in_dim3A_175 : vector<16xi1>, vector<16xf32>
    %max3A_194 = arith.maximumf %select_n3A_191, %select_n3A_193 : vector<16xf32>
    %swap3A_195 = arith.constant 1 : i32
    %swap3A_196 = arith.index_cast %swap3A_195 : i32 to index
    %swap3A_197 = arith.constant 0 : index
    %swap3A_198 = tpu.vector_load %arg5[%swap3A_196, %swap3A_197] {strides = array<i32>} : memref<8x128xf32, #tpu.memory_space<vmem>>, vector<1x16xf32>,
    %swap3A_199 = vector.shape_cast %swap3A_198 : vector<1x16xf32> to vector<16xf32>
    %swap3A_200 = vector.shape_cast %max3A_194 : vector<16xf32> to vector<1x16xf32>
    tpu.vector_store %arg5[%swap3A_196, %swap3A_197], %swap3A_200 {strides = array<i32>} : memref<8x128xf32, #tpu.memory_space<vmem>>, vector<1x16xf32>,
    %broadcast_in_dim3A_201 = arith.constant 2.000000e+00 : f32
    %broadcast_in_dim3A_202 = vector.broadcast %broadcast_in_dim3A_201 : f32 to vector<16xf32>
    %eq3A_203 = arith.cmpf oeq, %select_n3A_81, %broadcast_in_dim3A_202 : vector<16xf32>
    %select_n3A_204 = arith.select %eq3A_203, %broadcast_in_dim3A_173, %broadcast_in_dim3A_175 : vector<16xi1>, vector<16xf32>
    %eq3A_205 = arith.cmpf oeq, %select_n3A_171, %broadcast_in_dim3A_202 : vector<16xf32>
    %select_n3A_206 = arith.select %eq3A_205, %broadcast_in_dim3A_173, %broadcast_in_dim3A_175 : vector<16xi1>, vector<16xf32>
    %max3A_207 = arith.maximumf %select_n3A_204, %select_n3A_206 : vector<16xf32>
    %swap3A_208 = arith.constant 2 : i32
    %swap3A_209 = arith.index_cast %swap3A_208 : i32 to index
    %swap3A_210 = arith.constant 0 : index
    %swap3A_211 = tpu.vector_load %arg5[%swap3A_209, %swap3A_210] {strides = array<i32>} : memref<8x128xf32, #tpu.memory_space<vmem>>, vector<1x16xf32>,
    %swap3A_212 = vector.shape_cast %swap3A_211 : vector<1x16xf32> to vector<16xf32>
    %swap3A_213 = vector.shape_cast %max3A_207 : vector<16xf32> to vector<1x16xf32>
    tpu.vector_store %arg5[%swap3A_209, %swap3A_210], %swap3A_213 {strides = array<i32>} : memref<8x128xf32, #tpu.memory_space<vmem>>, vector<1x16xf32>,
    %broadcast_in_dim3A_214 = arith.constant 3.000000e+00 : f32
    %broadcast_in_dim3A_215 = vector.broadcast %broadcast_in_dim3A_214 : f32 to vector<16xf32>
    %eq3A_216 = arith.cmpf oeq, %select_n3A_81, %broadcast_in_dim3A_215 : vector<16xf32>
    %select_n3A_217 = arith.select %eq3A_216, %broadcast_in_dim3A_173, %broadcast_in_dim3A_175 : vector<16xi1>, vector<16xf32>
    %eq3A_218 = arith.cmpf oeq, %select_n3A_171, %broadcast_in_dim3A_215 : vector<16xf32>
    %select_n3A_219 = arith.select %eq3A_218, %broadcast_in_dim3A_173, %broadcast_in_dim3A_175 : vector<16xi1>, vector<16xf32>
    %max3A_220 = arith.maximumf %select_n3A_217, %select_n3A_219 : vector<16xf32>
    %swap3A_221 = arith.constant 3 : i32
    %swap3A_222 = arith.index_cast %swap3A_221 : i32 to index
    %swap3A_223 = arith.constant 0 : index
    %swap3A_224 = tpu.vector_load %arg5[%swap3A_222, %swap3A_223] {strides = array<i32>} : memref<8x128xf32, #tpu.memory_space<vmem>>, vector<1x16xf32>,
    %swap3A_225 = vector.shape_cast %swap3A_224 : vector<1x16xf32> to vector<16xf32>
    %swap3A_226 = vector.shape_cast %max3A_220 : vector<16xf32> to vector<1x16xf32>
    tpu.vector_store %arg5[%swap3A_222, %swap3A_223], %swap3A_226 {strides = array<i32>} : memref<8x128xf32, #tpu.memory_space<vmem>>, vector<1x16xf32>,
    %broadcast_in_dim3A_227 = arith.constant 4.000000e+00 : f32
    %broadcast_in_dim3A_228 = vector.broadcast %broadcast_in_dim3A_227 : f32 to vector<16xf32>
    %eq3A_229 = arith.cmpf oeq, %select_n3A_81, %broadcast_in_dim3A_228 : vector<16xf32>
    %select_n3A_230 = arith.select %eq3A_229, %broadcast_in_dim3A_173, %broadcast_in_dim3A_175 : vector<16xi1>, vector<16xf32>
    %eq3A_231 = arith.cmpf oeq, %select_n3A_171, %broadcast_in_dim3A_228 : vector<16xf32>
    %select_n3A_232 = arith.select %eq3A_231, %broadcast_in_dim3A_173, %broadcast_in_dim3A_175 : vector<16xi1>, vector<16xf32>
    %max3A_233 = arith.maximumf %select_n3A_230, %select_n3A_232 : vector<16xf32>
    %swap3A_234 = arith.constant 4 : i32
    %swap3A_235 = arith.index_cast %swap3A_234 : i32 to index
    %swap3A_236 = arith.constant 0 : index
    %swap3A_237 = tpu.vector_load %arg5[%swap3A_235, %swap3A_236] {strides = array<i32>} : memref<8x128xf32, #tpu.memory_space<vmem>>, vector<1x16xf32>,
    %swap3A_238 = vector.shape_cast %swap3A_237 : vector<1x16xf32> to vector<16xf32>
    %swap3A_239 = vector.shape_cast %max3A_233 : vector<16xf32> to vector<1x16xf32>
    tpu.vector_store %arg5[%swap3A_235, %swap3A_236], %swap3A_239 {strides = array<i32>} : memref<8x128xf32, #tpu.memory_space<vmem>>, vector<1x16xf32>,
    %broadcast_in_dim3A_240 = arith.constant 5.000000e+00 : f32
    %broadcast_in_dim3A_241 = vector.broadcast %broadcast_in_dim3A_240 : f32 to vector<16xf32>
    %eq3A_242 = arith.cmpf oeq, %select_n3A_81, %broadcast_in_dim3A_241 : vector<16xf32>
    %select_n3A_243 = arith.select %eq3A_242, %broadcast_in_dim3A_173, %broadcast_in_dim3A_175 : vector<16xi1>, vector<16xf32>
    %eq3A_244 = arith.cmpf oeq, %select_n3A_171, %broadcast_in_dim3A_241 : vector<16xf32>
    %select_n3A_245 = arith.select %eq3A_244, %broadcast_in_dim3A_173, %broadcast_in_dim3A_175 : vector<16xi1>, vector<16xf32>
    %max3A_246 = arith.maximumf %select_n3A_243, %select_n3A_245 : vector<16xf32>
    %swap3A_247 = arith.constant 5 : i32
    %swap3A_248 = arith.index_cast %swap3A_247 : i32 to index
    %swap3A_249 = arith.constant 0 : index
    %swap3A_250 = tpu.vector_load %arg5[%swap3A_248, %swap3A_249] {strides = array<i32>} : memref<8x128xf32, #tpu.memory_space<vmem>>, vector<1x16xf32>,
    %swap3A_251 = vector.shape_cast %swap3A_250 : vector<1x16xf32> to vector<16xf32>
    %swap3A_252 = vector.shape_cast %max3A_246 : vector<16xf32> to vector<1x16xf32>
    tpu.vector_store %arg5[%swap3A_248, %swap3A_249], %swap3A_252 {strides = array<i32>} : memref<8x128xf32, #tpu.memory_space<vmem>>, vector<1x16xf32>,
    %broadcast_in_dim3A_253 = arith.constant 6.000000e+00 : f32
    %broadcast_in_dim3A_254 = vector.broadcast %broadcast_in_dim3A_253 : f32 to vector<16xf32>
    %eq3A_255 = arith.cmpf oeq, %select_n3A_81, %broadcast_in_dim3A_254 : vector<16xf32>
    %select_n3A_256 = arith.select %eq3A_255, %broadcast_in_dim3A_173, %broadcast_in_dim3A_175 : vector<16xi1>, vector<16xf32>
    %eq3A_257 = arith.cmpf oeq, %select_n3A_171, %broadcast_in_dim3A_254 : vector<16xf32>
    %select_n3A_258 = arith.select %eq3A_257, %broadcast_in_dim3A_173, %broadcast_in_dim3A_175 : vector<16xi1>, vector<16xf32>
    %max3A_259 = arith.maximumf %select_n3A_256, %select_n3A_258 : vector<16xf32>
    %swap3A_260 = arith.constant 6 : i32
    %swap3A_261 = arith.index_cast %swap3A_260 : i32 to index
    %swap3A_262 = arith.constant 0 : index
    %swap3A_263 = tpu.vector_load %arg5[%swap3A_261, %swap3A_262] {strides = array<i32>} : memref<8x128xf32, #tpu.memory_space<vmem>>, vector<1x16xf32>,
    %swap3A_264 = vector.shape_cast %swap3A_263 : vector<1x16xf32> to vector<16xf32>
    %swap3A_265 = vector.shape_cast %max3A_259 : vector<16xf32> to vector<1x16xf32>
    tpu.vector_store %arg5[%swap3A_261, %swap3A_262], %swap3A_265 {strides = array<i32>} : memref<8x128xf32, #tpu.memory_space<vmem>>, vector<1x16xf32>,
    %broadcast_in_dim3A_266 = arith.constant 7.000000e+00 : f32
    %broadcast_in_dim3A_267 = vector.broadcast %broadcast_in_dim3A_266 : f32 to vector<16xf32>
    %eq3A_268 = arith.cmpf oeq, %select_n3A_81, %broadcast_in_dim3A_267 : vector<16xf32>
    %select_n3A_269 = arith.select %eq3A_268, %broadcast_in_dim3A_173, %broadcast_in_dim3A_175 : vector<16xi1>, vector<16xf32>
    %eq3A_270 = arith.cmpf oeq, %select_n3A_171, %broadcast_in_dim3A_267 : vector<16xf32>
    %select_n3A_271 = arith.select %eq3A_270, %broadcast_in_dim3A_173, %broadcast_in_dim3A_175 : vector<16xi1>, vector<16xf32>
    %max3A_272 = arith.maximumf %select_n3A_269, %select_n3A_271 : vector<16xf32>
    %swap3A_273 = arith.constant 7 : i32
    %swap3A_274 = arith.index_cast %swap3A_273 : i32 to index
    %swap3A_275 = arith.constant 0 : index
    %swap3A_276 = tpu.vector_load %arg5[%swap3A_274, %swap3A_275] {strides = array<i32>} : memref<8x128xf32, #tpu.memory_space<vmem>>, vector<1x16xf32>,
    %swap3A_277 = vector.shape_cast %swap3A_276 : vector<1x16xf32> to vector<16xf32>
    %swap3A_278 = vector.shape_cast %max3A_272 : vector<16xf32> to vector<1x16xf32>
    tpu.vector_store %arg5[%swap3A_274, %swap3A_275], %swap3A_278 {strides = array<i32>} : memref<8x128xf32, #tpu.memory_space<vmem>>, vector<1x16xf32>,
    %get3A_279 = arith.constant 0 : i32
    %get3A_280 = arith.index_cast %get3A_279 : i32 to index
    %get3A_281 = arith.constant 16 : index
    %get3A_282 = tpu.vector_load %arg4[%get3A_280, %get3A_281] {strides = array<i32>} : memref<8x128xf32, #tpu.memory_space<vmem>>, vector<1x16xf32>,
    %get3A_283 = vector.shape_cast %get3A_282 : vector<1x16xf32> to vector<16xf32>
    %get3A_284 = arith.constant 1 : i32
    %get3A_285 = arith.index_cast %get3A_284 : i32 to index
    %get3A_286 = arith.constant 16 : index
    %get3A_287 = tpu.vector_load %arg4[%get3A_285, %get3A_286] {strides = array<i32>} : memref<8x128xf32, #tpu.memory_space<vmem>>, vector<1x16xf32>,
    %get3A_288 = vector.shape_cast %get3A_287 : vector<1x16xf32> to vector<16xf32>
    %get3A_289 = arith.constant 2 : i32
    %get3A_290 = arith.index_cast %get3A_289 : i32 to index
    %get3A_291 = arith.constant 16 : index
    %get3A_292 = tpu.vector_load %arg4[%get3A_290, %get3A_291] {strides = array<i32>} : memref<8x128xf32, #tpu.memory_space<vmem>>, vector<1x16xf32>,
    %get3A_293 = vector.shape_cast %get3A_292 : vector<1x16xf32> to vector<16xf32>
    %get3A_294 = arith.constant 3 : i32
    %get3A_295 = arith.index_cast %get3A_294 : i32 to index
    %get3A_296 = arith.constant 16 : index
    %get3A_297 = tpu.vector_load %arg4[%get3A_295, %get3A_296] {strides = array<i32>} : memref<8x128xf32, #tpu.memory_space<vmem>>, vector<1x16xf32>,
    %get3A_298 = vector.shape_cast %get3A_297 : vector<1x16xf32> to vector<16xf32>
    %get3A_299 = arith.constant 4 : i32
    %get3A_300 = arith.index_cast %get3A_299 : i32 to index
    %get3A_301 = arith.constant 16 : index
    %get3A_302 = tpu.vector_load %arg4[%get3A_300, %get3A_301] {strides = array<i32>} : memref<8x128xf32, #tpu.memory_space<vmem>>, vector<1x16xf32>,
    %get3A_303 = vector.shape_cast %get3A_302 : vector<1x16xf32> to vector<16xf32>
    %get3A_304 = arith.constant 5 : i32
    %get3A_305 = arith.index_cast %get3A_304 : i32 to index
    %get3A_306 = arith.constant 16 : index
    %get3A_307 = tpu.vector_load %arg4[%get3A_305, %get3A_306] {strides = array<i32>} : memref<8x128xf32, #tpu.memory_space<vmem>>, vector<1x16xf32>,
    %get3A_308 = vector.shape_cast %get3A_307 : vector<1x16xf32> to vector<16xf32>
    %get3A_309 = arith.constant 6 : i32
    %get3A_310 = arith.index_cast %get3A_309 : i32 to index
    %get3A_311 = arith.constant 16 : index
    %get3A_312 = tpu.vector_load %arg4[%get3A_310, %get3A_311] {strides = array<i32>} : memref<8x128xf32, #tpu.memory_space<vmem>>, vector<1x16xf32>,
    %get3A_313 = vector.shape_cast %get3A_312 : vector<1x16xf32> to vector<16xf32>
    %get3A_314 = arith.constant 7 : i32
    %get3A_315 = arith.index_cast %get3A_314 : i32 to index
    %get3A_316 = arith.constant 16 : index
    %get3A_317 = tpu.vector_load %arg4[%get3A_315, %get3A_316] {strides = array<i32>} : memref<8x128xf32, #tpu.memory_space<vmem>>, vector<1x16xf32>,
    %get3A_318 = vector.shape_cast %get3A_317 : vector<1x16xf32> to vector<16xf32>
    %max3A_319 = arith.maximumf %get3A_283, %get3A_288 : vector<16xf32>
    %max3A_320 = arith.maximumf %max3A_319, %get3A_293 : vector<16xf32>
    %max3A_321 = arith.maximumf %max3A_320, %get3A_298 : vector<16xf32>
    %max3A_322 = arith.maximumf %max3A_321, %get3A_303 : vector<16xf32>
    %max3A_323 = arith.maximumf %max3A_322, %get3A_308 : vector<16xf32>
    %max3A_324 = arith.maximumf %max3A_323, %get3A_313 : vector<16xf32>
    %max3A_325 = arith.maximumf %max3A_324, %get3A_318 : vector<16xf32>
    %broadcast_in_dim3A_326 = arith.constant 8.000000e+00 : f32
    %broadcast_in_dim3A_327 = vector.broadcast %broadcast_in_dim3A_326 : f32 to vector<16xf32>
    %broadcast_in_dim3A_328 = arith.constant 7.000000e+00 : f32
    %broadcast_in_dim3A_329 = vector.broadcast %broadcast_in_dim3A_328 : f32 to vector<16xf32>
    %eq3A_330 = arith.cmpf oeq, %get3A_318, %max3A_325 : vector<16xf32>
    %select_n3A_331 = arith.select %eq3A_330, %broadcast_in_dim3A_329, %broadcast_in_dim3A_327 : vector<16xi1>, vector<16xf32>
    %broadcast_in_dim3A_332 = arith.constant 6.000000e+00 : f32
    %broadcast_in_dim3A_333 = vector.broadcast %broadcast_in_dim3A_332 : f32 to vector<16xf32>
    %eq3A_334 = arith.cmpf oeq, %get3A_313, %max3A_325 : vector<16xf32>
    %select_n3A_335 = arith.select %eq3A_334, %broadcast_in_dim3A_333, %select_n3A_331 : vector<16xi1>, vector<16xf32>
    %broadcast_in_dim3A_336 = arith.constant 5.000000e+00 : f32
    %broadcast_in_dim3A_337 = vector.broadcast %broadcast_in_dim3A_336 : f32 to vector<16xf32>
    %eq3A_338 = arith.cmpf oeq, %get3A_308, %max3A_325 : vector<16xf32>
    %select_n3A_339 = arith.select %eq3A_338, %broadcast_in_dim3A_337, %select_n3A_335 : vector<16xi1>, vector<16xf32>
    %broadcast_in_dim3A_340 = arith.constant 4.000000e+00 : f32
    %broadcast_in_dim3A_341 = vector.broadcast %broadcast_in_dim3A_340 : f32 to vector<16xf32>
    %eq3A_342 = arith.cmpf oeq, %get3A_303, %max3A_325 : vector<16xf32>
    %select_n3A_343 = arith.select %eq3A_342, %broadcast_in_dim3A_341, %select_n3A_339 : vector<16xi1>, vector<16xf32>
    %broadcast_in_dim3A_344 = arith.constant 3.000000e+00 : f32
    %broadcast_in_dim3A_345 = vector.broadcast %broadcast_in_dim3A_344 : f32 to vector<16xf32>
    %eq3A_346 = arith.cmpf oeq, %get3A_298, %max3A_325 : vector<16xf32>
    %select_n3A_347 = arith.select %eq3A_346, %broadcast_in_dim3A_345, %select_n3A_343 : vector<16xi1>, vector<16xf32>
    %broadcast_in_dim3A_348 = arith.constant 2.000000e+00 : f32
    %broadcast_in_dim3A_349 = vector.broadcast %broadcast_in_dim3A_348 : f32 to vector<16xf32>
    %eq3A_350 = arith.cmpf oeq, %get3A_293, %max3A_325 : vector<16xf32>
    %select_n3A_351 = arith.select %eq3A_350, %broadcast_in_dim3A_349, %select_n3A_347 : vector<16xi1>, vector<16xf32>
    %broadcast_in_dim3A_352 = arith.constant 1.000000e+00 : f32
    %broadcast_in_dim3A_353 = vector.broadcast %broadcast_in_dim3A_352 : f32 to vector<16xf32>
    %eq3A_354 = arith.cmpf oeq, %get3A_288, %max3A_325 : vector<16xf32>
    %select_n3A_355 = arith.select %eq3A_354, %broadcast_in_dim3A_353, %select_n3A_351 : vector<16xi1>, vector<16xf32>
    %broadcast_in_dim3A_356 = arith.constant 0.000000e+00 : f32
    %broadcast_in_dim3A_357 = vector.broadcast %broadcast_in_dim3A_356 : f32 to vector<16xf32>
    %eq3A_358 = arith.cmpf oeq, %get3A_283, %max3A_325 : vector<16xf32>
    %select_n3A_359 = arith.select %eq3A_358, %broadcast_in_dim3A_357, %select_n3A_355 : vector<16xi1>, vector<16xf32>
    %broadcast_in_dim3A_360 = arith.constant 0.000000e+00 : f32
    %broadcast_in_dim3A_361 = vector.broadcast %broadcast_in_dim3A_360 : f32 to vector<16xf32>
    %eq3A_362 = arith.cmpf oeq, %select_n3A_359, %broadcast_in_dim3A_361 : vector<16xf32>
    %select_n3A_363 = arith.select %eq3A_362, %broadcast_in_dim3A_4, %get3A_283 : vector<16xi1>, vector<16xf32>
    %max3A_364 = arith.maximumf %broadcast_in_dim3A_4, %select_n3A_363 : vector<16xf32>
    %broadcast_in_dim3A_365 = arith.constant 1.000000e+00 : f32
    %broadcast_in_dim3A_366 = vector.broadcast %broadcast_in_dim3A_365 : f32 to vector<16xf32>
    %eq3A_367 = arith.cmpf oeq, %select_n3A_359, %broadcast_in_dim3A_366 : vector<16xf32>
    %select_n3A_368 = arith.select %eq3A_367, %broadcast_in_dim3A_4, %get3A_288 : vector<16xi1>, vector<16xf32>
    %max3A_369 = arith.maximumf %max3A_364, %select_n3A_368 : vector<16xf32>
    %broadcast_in_dim3A_370 = arith.constant 2.000000e+00 : f32
    %broadcast_in_dim3A_371 = vector.broadcast %broadcast_in_dim3A_370 : f32 to vector<16xf32>
    %eq3A_372 = arith.cmpf oeq, %select_n3A_359, %broadcast_in_dim3A_371 : vector<16xf32>
    %select_n3A_373 = arith.select %eq3A_372, %broadcast_in_dim3A_4, %get3A_293 : vector<16xi1>, vector<16xf32>
    %max3A_374 = arith.maximumf %max3A_369, %select_n3A_373 : vector<16xf32>
    %broadcast_in_dim3A_375 = arith.constant 3.000000e+00 : f32
    %broadcast_in_dim3A_376 = vector.broadcast %broadcast_in_dim3A_375 : f32 to vector<16xf32>
    %eq3A_377 = arith.cmpf oeq, %select_n3A_359, %broadcast_in_dim3A_376 : vector<16xf32>
    %select_n3A_378 = arith.select %eq3A_377, %broadcast_in_dim3A_4, %get3A_298 : vector<16xi1>, vector<16xf32>
    %max3A_379 = arith.maximumf %max3A_374, %select_n3A_378 : vector<16xf32>
    %broadcast_in_dim3A_380 = arith.constant 4.000000e+00 : f32
    %broadcast_in_dim3A_381 = vector.broadcast %broadcast_in_dim3A_380 : f32 to vector<16xf32>
    %eq3A_382 = arith.cmpf oeq, %select_n3A_359, %broadcast_in_dim3A_381 : vector<16xf32>
    %select_n3A_383 = arith.select %eq3A_382, %broadcast_in_dim3A_4, %get3A_303 : vector<16xi1>, vector<16xf32>
    %max3A_384 = arith.maximumf %max3A_379, %select_n3A_383 : vector<16xf32>
    %broadcast_in_dim3A_385 = arith.constant 5.000000e+00 : f32
    %broadcast_in_dim3A_386 = vector.broadcast %broadcast_in_dim3A_385 : f32 to vector<16xf32>
    %eq3A_387 = arith.cmpf oeq, %select_n3A_359, %broadcast_in_dim3A_386 : vector<16xf32>
    %select_n3A_388 = arith.select %eq3A_387, %broadcast_in_dim3A_4, %get3A_308 : vector<16xi1>, vector<16xf32>
    %max3A_389 = arith.maximumf %max3A_384, %select_n3A_388 : vector<16xf32>
    %broadcast_in_dim3A_390 = arith.constant 6.000000e+00 : f32
    %broadcast_in_dim3A_391 = vector.broadcast %broadcast_in_dim3A_390 : f32 to vector<16xf32>
    %eq3A_392 = arith.cmpf oeq, %select_n3A_359, %broadcast_in_dim3A_391 : vector<16xf32>
    %select_n3A_393 = arith.select %eq3A_392, %broadcast_in_dim3A_4, %get3A_313 : vector<16xi1>, vector<16xf32>
    %max3A_394 = arith.maximumf %max3A_389, %select_n3A_393 : vector<16xf32>
    %broadcast_in_dim3A_395 = arith.constant 7.000000e+00 : f32
    %broadcast_in_dim3A_396 = vector.broadcast %broadcast_in_dim3A_395 : f32 to vector<16xf32>
    %eq3A_397 = arith.cmpf oeq, %select_n3A_359, %broadcast_in_dim3A_396 : vector<16xf32>
    %select_n3A_398 = arith.select %eq3A_397, %broadcast_in_dim3A_4, %get3A_318 : vector<16xi1>, vector<16xf32>
    %max3A_399 = arith.maximumf %max3A_394, %select_n3A_398 : vector<16xf32>
    %broadcast_in_dim3A_400 = arith.constant 8.000000e+00 : f32
    %broadcast_in_dim3A_401 = vector.broadcast %broadcast_in_dim3A_400 : f32 to vector<16xf32>
    %broadcast_in_dim3A_402 = arith.constant 7.000000e+00 : f32
    %broadcast_in_dim3A_403 = vector.broadcast %broadcast_in_dim3A_402 : f32 to vector<16xf32>
    %eq3A_404 = arith.cmpf oeq, %select_n3A_359, %broadcast_in_dim3A_403 : vector<16xf32>
    %select_n3A_405 = arith.select %eq3A_404, %broadcast_in_dim3A_401, %broadcast_in_dim3A_403 : vector<16xi1>, vector<16xf32>
    %eq3A_406 = arith.cmpf oeq, %get3A_318, %max3A_399 : vector<16xf32>
    %select_n3A_407 = arith.select %eq3A_406, %select_n3A_405, %broadcast_in_dim3A_401 : vector<16xi1>, vector<16xf32>
    %broadcast_in_dim3A_408 = arith.constant 6.000000e+00 : f32
    %broadcast_in_dim3A_409 = vector.broadcast %broadcast_in_dim3A_408 : f32 to vector<16xf32>
    %eq3A_410 = arith.cmpf oeq, %select_n3A_359, %broadcast_in_dim3A_409 : vector<16xf32>
    %select_n3A_411 = arith.select %eq3A_410, %select_n3A_407, %broadcast_in_dim3A_409 : vector<16xi1>, vector<16xf32>
    %eq3A_412 = arith.cmpf oeq, %get3A_313, %max3A_399 : vector<16xf32>
    %select_n3A_413 = arith.select %eq3A_412, %select_n3A_411, %select_n3A_407 : vector<16xi1>, vector<16xf32>
    %broadcast_in_dim3A_414 = arith.constant 5.000000e+00 : f32
    %broadcast_in_dim3A_415 = vector.broadcast %broadcast_in_dim3A_414 : f32 to vector<16xf32>
    %eq3A_416 = arith.cmpf oeq, %select_n3A_359, %broadcast_in_dim3A_415 : vector<16xf32>
    %select_n3A_417 = arith.select %eq3A_416, %select_n3A_413, %broadcast_in_dim3A_415 : vector<16xi1>, vector<16xf32>
    %eq3A_418 = arith.cmpf oeq, %get3A_308, %max3A_399 : vector<16xf32>
    %select_n3A_419 = arith.select %eq3A_418, %select_n3A_417, %select_n3A_413 : vector<16xi1>, vector<16xf32>
    %broadcast_in_dim3A_420 = arith.constant 4.000000e+00 : f32
    %broadcast_in_dim3A_421 = vector.broadcast %broadcast_in_dim3A_420 : f32 to vector<16xf32>
    %eq3A_422 = arith.cmpf oeq, %select_n3A_359, %broadcast_in_dim3A_421 : vector<16xf32>
    %select_n3A_423 = arith.select %eq3A_422, %select_n3A_419, %broadcast_in_dim3A_421 : vector<16xi1>, vector<16xf32>
    %eq3A_424 = arith.cmpf oeq, %get3A_303, %max3A_399 : vector<16xf32>
    %select_n3A_425 = arith.select %eq3A_424, %select_n3A_423, %select_n3A_419 : vector<16xi1>, vector<16xf32>
    %broadcast_in_dim3A_426 = arith.constant 3.000000e+00 : f32
    %broadcast_in_dim3A_427 = vector.broadcast %broadcast_in_dim3A_426 : f32 to vector<16xf32>
    %eq3A_428 = arith.cmpf oeq, %select_n3A_359, %broadcast_in_dim3A_427 : vector<16xf32>
    %select_n3A_429 = arith.select %eq3A_428, %select_n3A_425, %broadcast_in_dim3A_427 : vector<16xi1>, vector<16xf32>
    %eq3A_430 = arith.cmpf oeq, %get3A_298, %max3A_399 : vector<16xf32>
    %select_n3A_431 = arith.select %eq3A_430, %select_n3A_429, %select_n3A_425 : vector<16xi1>, vector<16xf32>
    %broadcast_in_dim3A_432 = arith.constant 2.000000e+00 : f32
    %broadcast_in_dim3A_433 = vector.broadcast %broadcast_in_dim3A_432 : f32 to vector<16xf32>
    %eq3A_434 = arith.cmpf oeq, %select_n3A_359, %broadcast_in_dim3A_433 : vector<16xf32>
    %select_n3A_435 = arith.select %eq3A_434, %select_n3A_431, %broadcast_in_dim3A_433 : vector<16xi1>, vector<16xf32>
    %eq3A_436 = arith.cmpf oeq, %get3A_293, %max3A_399 : vector<16xf32>
    %select_n3A_437 = arith.select %eq3A_436, %select_n3A_435, %select_n3A_431 : vector<16xi1>, vector<16xf32>
    %broadcast_in_dim3A_438 = arith.constant 1.000000e+00 : f32
    %broadcast_in_dim3A_439 = vector.broadcast %broadcast_in_dim3A_438 : f32 to vector<16xf32>
    %eq3A_440 = arith.cmpf oeq, %select_n3A_359, %broadcast_in_dim3A_439 : vector<16xf32>
    %select_n3A_441 = arith.select %eq3A_440, %select_n3A_437, %broadcast_in_dim3A_439 : vector<16xi1>, vector<16xf32>
    %eq3A_442 = arith.cmpf oeq, %get3A_288, %max3A_399 : vector<16xf32>
    %select_n3A_443 = arith.select %eq3A_442, %select_n3A_441, %select_n3A_437 : vector<16xi1>, vector<16xf32>
    %broadcast_in_dim3A_444 = arith.constant 0.000000e+00 : f32
    %broadcast_in_dim3A_445 = vector.broadcast %broadcast_in_dim3A_444 : f32 to vector<16xf32>
    %eq3A_446 = arith.cmpf oeq, %select_n3A_359, %broadcast_in_dim3A_445 : vector<16xf32>
    %select_n3A_447 = arith.select %eq3A_446, %select_n3A_443, %broadcast_in_dim3A_445 : vector<16xi1>, vector<16xf32>
    %eq3A_448 = arith.cmpf oeq, %get3A_283, %max3A_399 : vector<16xf32>
    %select_n3A_449 = arith.select %eq3A_448, %select_n3A_447, %select_n3A_443 : vector<16xi1>, vector<16xf32>
    %broadcast_in_dim3A_450 = arith.constant 1.000000e+00 : f32
    %broadcast_in_dim3A_451 = vector.broadcast %broadcast_in_dim3A_450 : f32 to vector<16xf32>
    %broadcast_in_dim3A_452 = arith.constant 0.000000e+00 : f32
    %broadcast_in_dim3A_453 = vector.broadcast %broadcast_in_dim3A_452 : f32 to vector<16xf32>
    %broadcast_in_dim3A_454 = arith.constant 0.000000e+00 : f32
    %broadcast_in_dim3A_455 = vector.broadcast %broadcast_in_dim3A_454 : f32 to vector<16xf32>
    %eq3A_456 = arith.cmpf oeq, %select_n3A_359, %broadcast_in_dim3A_455 : vector<16xf32>
    %select_n3A_457 = arith.select %eq3A_456, %broadcast_in_dim3A_451, %broadcast_in_dim3A_453 : vector<16xi1>, vector<16xf32>
    %eq3A_458 = arith.cmpf oeq, %select_n3A_449, %broadcast_in_dim3A_455 : vector<16xf32>
    %select_n3A_459 = arith.select %eq3A_458, %broadcast_in_dim3A_451, %broadcast_in_dim3A_453 : vector<16xi1>, vector<16xf32>
    %max3A_460 = arith.maximumf %select_n3A_457, %select_n3A_459 : vector<16xf32>
    %swap3A_461 = arith.constant 0 : i32
    %swap3A_462 = arith.index_cast %swap3A_461 : i32 to index
    %swap3A_463 = arith.constant 16 : index
    %swap3A_464 = tpu.vector_load %arg5[%swap3A_462, %swap3A_463] {strides = array<i32>} : memref<8x128xf32, #tpu.memory_space<vmem>>, vector<1x16xf32>,
    %swap3A_465 = vector.shape_cast %swap3A_464 : vector<1x16xf32> to vector<16xf32>
    %swap3A_466 = vector.shape_cast %max3A_460 : vector<16xf32> to vector<1x16xf32>
    tpu.vector_store %arg5[%swap3A_462, %swap3A_463], %swap3A_466 {strides = array<i32>} : memref<8x128xf32, #tpu.memory_space<vmem>>, vector<1x16xf32>,
    %broadcast_in_dim3A_467 = arith.constant 1.000000e+00 : f32
    %broadcast_in_dim3A_468 = vector.broadcast %broadcast_in_dim3A_467 : f32 to vector<16xf32>
    %eq3A_469 = arith.cmpf oeq, %select_n3A_359, %broadcast_in_dim3A_468 : vector<16xf32>
    %select_n3A_470 = arith.select %eq3A_469, %broadcast_in_dim3A_451, %broadcast_in_dim3A_453 : vector<16xi1>, vector<16xf32>
    %eq3A_471 = arith.cmpf oeq, %select_n3A_449, %broadcast_in_dim3A_468 : vector<16xf32>
    %select_n3A_472 = arith.select %eq3A_471, %broadcast_in_dim3A_451, %broadcast_in_dim3A_453 : vector<16xi1>, vector<16xf32>
    %max3A_473 = arith.maximumf %select_n3A_470, %select_n3A_472 : vector<16xf32>
    %swap3A_474 = arith.constant 1 : i32
    %swap3A_475 = arith.index_cast %swap3A_474 : i32 to index
    %swap3A_476 = arith.constant 16 : index
    %swap3A_477 = tpu.vector_load %arg5[%swap3A_475, %swap3A_476] {strides = array<i32>} : memref<8x128xf32, #tpu.memory_space<vmem>>, vector<1x16xf32>,
    %swap3A_478 = vector.shape_cast %swap3A_477 : vector<1x16xf32> to vector<16xf32>
    %swap3A_479 = vector.shape_cast %max3A_473 : vector<16xf32> to vector<1x16xf32>
    tpu.vector_store %arg5[%swap3A_475, %swap3A_476], %swap3A_479 {strides = array<i32>} : memref<8x128xf32, #tpu.memory_space<vmem>>, vector<1x16xf32>,
    %broadcast_in_dim3A_480 = arith.constant 2.000000e+00 : f32
    %broadcast_in_dim3A_481 = vector.broadcast %broadcast_in_dim3A_480 : f32 to vector<16xf32>
    %eq3A_482 = arith.cmpf oeq, %select_n3A_359, %broadcast_in_dim3A_481 : vector<16xf32>
    %select_n3A_483 = arith.select %eq3A_482, %broadcast_in_dim3A_451, %broadcast_in_dim3A_453 : vector<16xi1>, vector<16xf32>
    %eq3A_484 = arith.cmpf oeq, %select_n3A_449, %broadcast_in_dim3A_481 : vector<16xf32>
    %select_n3A_485 = arith.select %eq3A_484, %broadcast_in_dim3A_451, %broadcast_in_dim3A_453 : vector<16xi1>, vector<16xf32>
    %max3A_486 = arith.maximumf %select_n3A_483, %select_n3A_485 : vector<16xf32>
    %swap3A_487 = arith.constant 2 : i32
    %swap3A_488 = arith.index_cast %swap3A_487 : i32 to index
    %swap3A_489 = arith.constant 16 : index
    %swap3A_490 = tpu.vector_load %arg5[%swap3A_488, %swap3A_489] {strides = array<i32>} : memref<8x128xf32, #tpu.memory_space<vmem>>, vector<1x16xf32>,
    %swap3A_491 = vector.shape_cast %swap3A_490 : vector<1x16xf32> to vector<16xf32>
    %swap3A_492 = vector.shape_cast %max3A_486 : vector<16xf32> to vector<1x16xf32>
    tpu.vector_store %arg5[%swap3A_488, %swap3A_489], %swap3A_492 {strides = array<i32>} : memref<8x128xf32, #tpu.memory_space<vmem>>, vector<1x16xf32>,
    %broadcast_in_dim3A_493 = arith.constant 3.000000e+00 : f32
    %broadcast_in_dim3A_494 = vector.broadcast %broadcast_in_dim3A_493 : f32 to vector<16xf32>
    %eq3A_495 = arith.cmpf oeq, %select_n3A_359, %broadcast_in_dim3A_494 : vector<16xf32>
    %select_n3A_496 = arith.select %eq3A_495, %broadcast_in_dim3A_451, %broadcast_in_dim3A_453 : vector<16xi1>, vector<16xf32>
    %eq3A_497 = arith.cmpf oeq, %select_n3A_449, %broadcast_in_dim3A_494 : vector<16xf32>
    %select_n3A_498 = arith.select %eq3A_497, %broadcast_in_dim3A_451, %broadcast_in_dim3A_453 : vector<16xi1>, vector<16xf32>
    %max3A_499 = arith.maximumf %select_n3A_496, %select_n3A_498 : vector<16xf32>
    %swap3A_500 = arith.constant 3 : i32
    %swap3A_501 = arith.index_cast %swap3A_500 : i32 to index
    %swap3A_502 = arith.constant 16 : index
    %swap3A_503 = tpu.vector_load %arg5[%swap3A_501, %swap3A_502] {strides = array<i32>} : memref<8x128xf32, #tpu.memory_space<vmem>>, vector<1x16xf32>,
    %swap3A_504 = vector.shape_cast %swap3A_503 : vector<1x16xf32> to vector<16xf32>
    %swap3A_505 = vector.shape_cast %max3A_499 : vector<16xf32> to vector<1x16xf32>
    tpu.vector_store %arg5[%swap3A_501, %swap3A_502], %swap3A_505 {strides = array<i32>} : memref<8x128xf32, #tpu.memory_space<vmem>>, vector<1x16xf32>,
    %broadcast_in_dim3A_506 = arith.constant 4.000000e+00 : f32
    %broadcast_in_dim3A_507 = vector.broadcast %broadcast_in_dim3A_506 : f32 to vector<16xf32>
    %eq3A_508 = arith.cmpf oeq, %select_n3A_359, %broadcast_in_dim3A_507 : vector<16xf32>
    %select_n3A_509 = arith.select %eq3A_508, %broadcast_in_dim3A_451, %broadcast_in_dim3A_453 : vector<16xi1>, vector<16xf32>
    %eq3A_510 = arith.cmpf oeq, %select_n3A_449, %broadcast_in_dim3A_507 : vector<16xf32>
    %select_n3A_511 = arith.select %eq3A_510, %broadcast_in_dim3A_451, %broadcast_in_dim3A_453 : vector<16xi1>, vector<16xf32>
    %max3A_512 = arith.maximumf %select_n3A_509, %select_n3A_511 : vector<16xf32>
    %swap3A_513 = arith.constant 4 : i32
    %swap3A_514 = arith.index_cast %swap3A_513 : i32 to index
    %swap3A_515 = arith.constant 16 : index
    %swap3A_516 = tpu.vector_load %arg5[%swap3A_514, %swap3A_515] {strides = array<i32>} : memref<8x128xf32, #tpu.memory_space<vmem>>, vector<1x16xf32>,
    %swap3A_517 = vector.shape_cast %swap3A_516 : vector<1x16xf32> to vector<16xf32>
    %swap3A_518 = vector.shape_cast %max3A_512 : vector<16xf32> to vector<1x16xf32>
    tpu.vector_store %arg5[%swap3A_514, %swap3A_515], %swap3A_518 {strides = array<i32>} : memref<8x128xf32, #tpu.memory_space<vmem>>, vector<1x16xf32>,
    %broadcast_in_dim3A_519 = arith.constant 5.000000e+00 : f32
    %broadcast_in_dim3A_520 = vector.broadcast %broadcast_in_dim3A_519 : f32 to vector<16xf32>
    %eq3A_521 = arith.cmpf oeq, %select_n3A_359, %broadcast_in_dim3A_520 : vector<16xf32>
    %select_n3A_522 = arith.select %eq3A_521, %broadcast_in_dim3A_451, %broadcast_in_dim3A_453 : vector<16xi1>, vector<16xf32>
    %eq3A_523 = arith.cmpf oeq, %select_n3A_449, %broadcast_in_dim3A_520 : vector<16xf32>
    %select_n3A_524 = arith.select %eq3A_523, %broadcast_in_dim3A_451, %broadcast_in_dim3A_453 : vector<16xi1>, vector<16xf32>
    %max3A_525 = arith.maximumf %select_n3A_522, %select_n3A_524 : vector<16xf32>
    %swap3A_526 = arith.constant 5 : i32
    %swap3A_527 = arith.index_cast %swap3A_526 : i32 to index
    %swap3A_528 = arith.constant 16 : index
    %swap3A_529 = tpu.vector_load %arg5[%swap3A_527, %swap3A_528] {strides = array<i32>} : memref<8x128xf32, #tpu.memory_space<vmem>>, vector<1x16xf32>,
    %swap3A_530 = vector.shape_cast %swap3A_529 : vector<1x16xf32> to vector<16xf32>
    %swap3A_531 = vector.shape_cast %max3A_525 : vector<16xf32> to vector<1x16xf32>
    tpu.vector_store %arg5[%swap3A_527, %swap3A_528], %swap3A_531 {strides = array<i32>} : memref<8x128xf32, #tpu.memory_space<vmem>>, vector<1x16xf32>,
    %broadcast_in_dim3A_532 = arith.constant 6.000000e+00 : f32
    %broadcast_in_dim3A_533 = vector.broadcast %broadcast_in_dim3A_532 : f32 to vector<16xf32>
    %eq3A_534 = arith.cmpf oeq, %select_n3A_359, %broadcast_in_dim3A_533 : vector<16xf32>
    %select_n3A_535 = arith.select %eq3A_534, %broadcast_in_dim3A_451, %broadcast_in_dim3A_453 : vector<16xi1>, vector<16xf32>
    %eq3A_536 = arith.cmpf oeq, %select_n3A_449, %broadcast_in_dim3A_533 : vector<16xf32>
    %select_n3A_537 = arith.select %eq3A_536, %broadcast_in_dim3A_451, %broadcast_in_dim3A_453 : vector<16xi1>, vector<16xf32>
    %max3A_538 = arith.maximumf %select_n3A_535, %select_n3A_537 : vector<16xf32>
    %swap3A_539 = arith.constant 6 : i32
    %swap3A_540 = arith.index_cast %swap3A_539 : i32 to index
    %swap3A_541 = arith.constant 16 : index
    %swap3A_542 = tpu.vector_load %arg5[%swap3A_540, %swap3A_541] {strides = array<i32>} : memref<8x128xf32, #tpu.memory_space<vmem>>, vector<1x16xf32>,
    %swap3A_543 = vector.shape_cast %swap3A_542 : vector<1x16xf32> to vector<16xf32>
    %swap3A_544 = vector.shape_cast %max3A_538 : vector<16xf32> to vector<1x16xf32>
    tpu.vector_store %arg5[%swap3A_540, %swap3A_541], %swap3A_544 {strides = array<i32>} : memref<8x128xf32, #tpu.memory_space<vmem>>, vector<1x16xf32>,
    %broadcast_in_dim3A_545 = arith.constant 7.000000e+00 : f32
    %broadcast_in_dim3A_546 = vector.broadcast %broadcast_in_dim3A_545 : f32 to vector<16xf32>
    %eq3A_547 = arith.cmpf oeq, %select_n3A_359, %broadcast_in_dim3A_546 : vector<16xf32>
    %select_n3A_548 = arith.select %eq3A_547, %broadcast_in_dim3A_451, %broadcast_in_dim3A_453 : vector<16xi1>, vector<16xf32>
    %eq3A_549 = arith.cmpf oeq, %select_n3A_449, %broadcast_in_dim3A_546 : vector<16xf32>
    %select_n3A_550 = arith.select %eq3A_549, %broadcast_in_dim3A_451, %broadcast_in_dim3A_453 : vector<16xi1>, vector<16xf32>
    %max3A_551 = arith.maximumf %select_n3A_548, %select_n3A_550 : vector<16xf32>
    %swap3A_552 = arith.constant 7 : i32
    %swap3A_553 = arith.index_cast %swap3A_552 : i32 to index
    %swap3A_554 = arith.constant 16 : index
    %swap3A_555 = tpu.vector_load %arg5[%swap3A_553, %swap3A_554] {strides = array<i32>} : memref<8x128xf32, #tpu.memory_space<vmem>>, vector<1x16xf32>,
    %swap3A_556 = vector.shape_cast %swap3A_555 : vector<1x16xf32> to vector<16xf32>
    %swap3A_557 = vector.shape_cast %max3A_551 : vector<16xf32> to vector<1x16xf32>
    tpu.vector_store %arg5[%swap3A_553, %swap3A_554], %swap3A_557 {strides = array<i32>} : memref<8x128xf32, #tpu.memory_space<vmem>>, vector<1x16xf32>,
    %get3A_558 = arith.constant 0 : i32
    %get3A_559 = arith.index_cast %get3A_558 : i32 to index
    %get3A_560 = arith.constant 32 : index
    %get3A_561 = tpu.vector_load %arg4[%get3A_559, %get3A_560] {strides = array<i32>} : memref<8x128xf32, #tpu.memory_space<vmem>>, vector<1x16xf32>,
    %get3A_562 = vector.shape_cast %get3A_561 : vector<1x16xf32> to vector<16xf32>
    %get3A_563 = arith.constant 1 : i32
    %get3A_564 = arith.index_cast %get3A_563 : i32 to index
    %get3A_565 = arith.constant 32 : index
    %get3A_566 = tpu.vector_load %arg4[%get3A_564, %get3A_565] {strides = array<i32>} : memref<8x128xf32, #tpu.memory_space<vmem>>, vector<1x16xf32>,
    %get3A_567 = vector.shape_cast %get3A_566 : vector<1x16xf32> to vector<16xf32>
    %get3A_568 = arith.constant 2 : i32
    %get3A_569 = arith.index_cast %get3A_568 : i32 to index
    %get3A_570 = arith.constant 32 : index
    %get3A_571 = tpu.vector_load %arg4[%get3A_569, %get3A_570] {strides = array<i32>} : memref<8x128xf32, #tpu.memory_space<vmem>>, vector<1x16xf32>,
    %get3A_572 = vector.shape_cast %get3A_571 : vector<1x16xf32> to vector<16xf32>
    %get3A_573 = arith.constant 3 : i32
    %get3A_574 = arith.index_cast %get3A_573 : i32 to index
    %get3A_575 = arith.constant 32 : index
    %get3A_576 = tpu.vector_load %arg4[%get3A_574, %get3A_575] {strides = array<i32>} : memref<8x128xf32, #tpu.memory_space<vmem>>, vector<1x16xf32>,
    %get3A_577 = vector.shape_cast %get3A_576 : vector<1x16xf32> to vector<16xf32>
    %get3A_578 = arith.constant 4 : i32
    %get3A_579 = arith.index_cast %get3A_578 : i32 to index
    %get3A_580 = arith.constant 32 : index
    %get3A_581 = tpu.vector_load %arg4[%get3A_579, %get3A_580] {strides = array<i32>} : memref<8x128xf32, #tpu.memory_space<vmem>>, vector<1x16xf32>,
    %get3A_582 = vector.shape_cast %get3A_581 : vector<1x16xf32> to vector<16xf32>
    %get3A_583 = arith.constant 5 : i32
    %get3A_584 = arith.index_cast %get3A_583 : i32 to index
    %get3A_585 = arith.constant 32 : index
    %get3A_586 = tpu.vector_load %arg4[%get3A_584, %get3A_585] {strides = array<i32>} : memref<8x128xf32, #tpu.memory_space<vmem>>, vector<1x16xf32>,
    %get3A_587 = vector.shape_cast %get3A_586 : vector<1x16xf32> to vector<16xf32>
    %get3A_588 = arith.constant 6 : i32
    %get3A_589 = arith.index_cast %get3A_588 : i32 to index
    %get3A_590 = arith.constant 32 : index
    %get3A_591 = tpu.vector_load %arg4[%get3A_589, %get3A_590] {strides = array<i32>} : memref<8x128xf32, #tpu.memory_space<vmem>>, vector<1x16xf32>,
    %get3A_592 = vector.shape_cast %get3A_591 : vector<1x16xf32> to vector<16xf32>
    %get3A_593 = arith.constant 7 : i32
    %get3A_594 = arith.index_cast %get3A_593 : i32 to index
    %get3A_595 = arith.constant 32 : index
    %get3A_596 = tpu.vector_load %arg4[%get3A_594, %get3A_595] {strides = array<i32>} : memref<8x128xf32, #tpu.memory_space<vmem>>, vector<1x16xf32>,
    %get3A_597 = vector.shape_cast %get3A_596 : vector<1x16xf32> to vector<16xf32>
    %max3A_598 = arith.maximumf %get3A_562, %get3A_567 : vector<16xf32>
    %max3A_599 = arith.maximumf %max3A_598, %get3A_572 : vector<16xf32>
    %max3A_600 = arith.maximumf %max3A_599, %get3A_577 : vector<16xf32>
    %max3A_601 = arith.maximumf %max3A_600, %get3A_582 : vector<16xf32>
    %max3A_602 = arith.maximumf %max3A_601, %get3A_587 : vector<16xf32>
    %max3A_603 = arith.maximumf %max3A_602, %get3A_592 : vector<16xf32>
    %max3A_604 = arith.maximumf %max3A_603, %get3A_597 : vector<16xf32>
    %broadcast_in_dim3A_605 = arith.constant 8.000000e+00 : f32
    %broadcast_in_dim3A_606 = vector.broadcast %broadcast_in_dim3A_605 : f32 to vector<16xf32>
    %broadcast_in_dim3A_607 = arith.constant 7.000000e+00 : f32
    %broadcast_in_dim3A_608 = vector.broadcast %broadcast_in_dim3A_607 : f32 to vector<16xf32>
    %eq3A_609 = arith.cmpf oeq, %get3A_597, %max3A_604 : vector<16xf32>
    %select_n3A_610 = arith.select %eq3A_609, %broadcast_in_dim3A_608, %broadcast_in_dim3A_606 : vector<16xi1>, vector<16xf32>
    %broadcast_in_dim3A_611 = arith.constant 6.000000e+00 : f32
    %broadcast_in_dim3A_612 = vector.broadcast %broadcast_in_dim3A_611 : f32 to vector<16xf32>
    %eq3A_613 = arith.cmpf oeq, %get3A_592, %max3A_604 : vector<16xf32>
    %select_n3A_614 = arith.select %eq3A_613, %broadcast_in_dim3A_612, %select_n3A_610 : vector<16xi1>, vector<16xf32>
    %broadcast_in_dim3A_615 = arith.constant 5.000000e+00 : f32
    %broadcast_in_dim3A_616 = vector.broadcast %broadcast_in_dim3A_615 : f32 to vector<16xf32>
    %eq3A_617 = arith.cmpf oeq, %get3A_587, %max3A_604 : vector<16xf32>
    %select_n3A_618 = arith.select %eq3A_617, %broadcast_in_dim3A_616, %select_n3A_614 : vector<16xi1>, vector<16xf32>
    %broadcast_in_dim3A_619 = arith.constant 4.000000e+00 : f32
    %broadcast_in_dim3A_620 = vector.broadcast %broadcast_in_dim3A_619 : f32 to vector<16xf32>
    %eq3A_621 = arith.cmpf oeq, %get3A_582, %max3A_604 : vector<16xf32>
    %select_n3A_622 = arith.select %eq3A_621, %broadcast_in_dim3A_620, %select_n3A_618 : vector<16xi1>, vector<16xf32>
    %broadcast_in_dim3A_623 = arith.constant 3.000000e+00 : f32
    %broadcast_in_dim3A_624 = vector.broadcast %broadcast_in_dim3A_623 : f32 to vector<16xf32>
    %eq3A_625 = arith.cmpf oeq, %get3A_577, %max3A_604 : vector<16xf32>
    %select_n3A_626 = arith.select %eq3A_625, %broadcast_in_dim3A_624, %select_n3A_622 : vector<16xi1>, vector<16xf32>
    %broadcast_in_dim3A_627 = arith.constant 2.000000e+00 : f32
    %broadcast_in_dim3A_628 = vector.broadcast %broadcast_in_dim3A_627 : f32 to vector<16xf32>
    %eq3A_629 = arith.cmpf oeq, %get3A_572, %max3A_604 : vector<16xf32>
    %select_n3A_630 = arith.select %eq3A_629, %broadcast_in_dim3A_628, %select_n3A_626 : vector<16xi1>, vector<16xf32>
    %broadcast_in_dim3A_631 = arith.constant 1.000000e+00 : f32
    %broadcast_in_dim3A_632 = vector.broadcast %broadcast_in_dim3A_631 : f32 to vector<16xf32>
    %eq3A_633 = arith.cmpf oeq, %get3A_567, %max3A_604 : vector<16xf32>
    %select_n3A_634 = arith.select %eq3A_633, %broadcast_in_dim3A_632, %select_n3A_630 : vector<16xi1>, vector<16xf32>
    %broadcast_in_dim3A_635 = arith.constant 0.000000e+00 : f32
    %broadcast_in_dim3A_636 = vector.broadcast %broadcast_in_dim3A_635 : f32 to vector<16xf32>
    %eq3A_637 = arith.cmpf oeq, %get3A_562, %max3A_604 : vector<16xf32>
    %select_n3A_638 = arith.select %eq3A_637, %broadcast_in_dim3A_636, %select_n3A_634 : vector<16xi1>, vector<16xf32>
    %broadcast_in_dim3A_639 = arith.constant 0.000000e+00 : f32
    %broadcast_in_dim3A_640 = vector.broadcast %broadcast_in_dim3A_639 : f32 to vector<16xf32>
    %eq3A_641 = arith.cmpf oeq, %select_n3A_638, %broadcast_in_dim3A_640 : vector<16xf32>
    %select_n3A_642 = arith.select %eq3A_641, %broadcast_in_dim3A_4, %get3A_562 : vector<16xi1>, vector<16xf32>
    %max3A_643 = arith.maximumf %broadcast_in_dim3A_4, %select_n3A_642 : vector<16xf32>
    %broadcast_in_dim3A_644 = arith.constant 1.000000e+00 : f32
    %broadcast_in_dim3A_645 = vector.broadcast %broadcast_in_dim3A_644 : f32 to vector<16xf32>
    %eq3A_646 = arith.cmpf oeq, %select_n3A_638, %broadcast_in_dim3A_645 : vector<16xf32>
    %select_n3A_647 = arith.select %eq3A_646, %broadcast_in_dim3A_4, %get3A_567 : vector<16xi1>, vector<16xf32>
    %max3A_648 = arith.maximumf %max3A_643, %select_n3A_647 : vector<16xf32>
    %broadcast_in_dim3A_649 = arith.constant 2.000000e+00 : f32
    %broadcast_in_dim3A_650 = vector.broadcast %broadcast_in_dim3A_649 : f32 to vector<16xf32>
    %eq3A_651 = arith.cmpf oeq, %select_n3A_638, %broadcast_in_dim3A_650 : vector<16xf32>
    %select_n3A_652 = arith.select %eq3A_651, %broadcast_in_dim3A_4, %get3A_572 : vector<16xi1>, vector<16xf32>
    %max3A_653 = arith.maximumf %max3A_648, %select_n3A_652 : vector<16xf32>
    %broadcast_in_dim3A_654 = arith.constant 3.000000e+00 : f32
    %broadcast_in_dim3A_655 = vector.broadcast %broadcast_in_dim3A_654 : f32 to vector<16xf32>
    %eq3A_656 = arith.cmpf oeq, %select_n3A_638, %broadcast_in_dim3A_655 : vector<16xf32>
    %select_n3A_657 = arith.select %eq3A_656, %broadcast_in_dim3A_4, %get3A_577 : vector<16xi1>, vector<16xf32>
    %max3A_658 = arith.maximumf %max3A_653, %select_n3A_657 : vector<16xf32>
    %broadcast_in_dim3A_659 = arith.constant 4.000000e+00 : f32
    %broadcast_in_dim3A_660 = vector.broadcast %broadcast_in_dim3A_659 : f32 to vector<16xf32>
    %eq3A_661 = arith.cmpf oeq, %select_n3A_638, %broadcast_in_dim3A_660 : vector<16xf32>
    %select_n3A_662 = arith.select %eq3A_661, %broadcast_in_dim3A_4, %get3A_582 : vector<16xi1>, vector<16xf32>
    %max3A_663 = arith.maximumf %max3A_658, %select_n3A_662 : vector<16xf32>
    %broadcast_in_dim3A_664 = arith.constant 5.000000e+00 : f32
    %broadcast_in_dim3A_665 = vector.broadcast %broadcast_in_dim3A_664 : f32 to vector<16xf32>
    %eq3A_666 = arith.cmpf oeq, %select_n3A_638, %broadcast_in_dim3A_665 : vector<16xf32>
    %select_n3A_667 = arith.select %eq3A_666, %broadcast_in_dim3A_4, %get3A_587 : vector<16xi1>, vector<16xf32>
    %max3A_668 = arith.maximumf %max3A_663, %select_n3A_667 : vector<16xf32>
    %broadcast_in_dim3A_669 = arith.constant 6.000000e+00 : f32
    %broadcast_in_dim3A_670 = vector.broadcast %broadcast_in_dim3A_669 : f32 to vector<16xf32>
    %eq3A_671 = arith.cmpf oeq, %select_n3A_638, %broadcast_in_dim3A_670 : vector<16xf32>
    %select_n3A_672 = arith.select %eq3A_671, %broadcast_in_dim3A_4, %get3A_592 : vector<16xi1>, vector<16xf32>
    %max3A_673 = arith.maximumf %max3A_668, %select_n3A_672 : vector<16xf32>
    %broadcast_in_dim3A_674 = arith.constant 7.000000e+00 : f32
    %broadcast_in_dim3A_675 = vector.broadcast %broadcast_in_dim3A_674 : f32 to vector<16xf32>
    %eq3A_676 = arith.cmpf oeq, %select_n3A_638, %broadcast_in_dim3A_675 : vector<16xf32>
    %select_n3A_677 = arith.select %eq3A_676, %broadcast_in_dim3A_4, %get3A_597 : vector<16xi1>, vector<16xf32>
    %max3A_678 = arith.maximumf %max3A_673, %select_n3A_677 : vector<16xf32>
    %broadcast_in_dim3A_679 = arith.constant 8.000000e+00 : f32
    %broadcast_in_dim3A_680 = vector.broadcast %broadcast_in_dim3A_679 : f32 to vector<16xf32>
    %broadcast_in_dim3A_681 = arith.constant 7.000000e+00 : f32
    %broadcast_in_dim3A_682 = vector.broadcast %broadcast_in_dim3A_681 : f32 to vector<16xf32>
    %eq3A_683 = arith.cmpf oeq, %select_n3A_638, %broadcast_in_dim3A_682 : vector<16xf32>
    %select_n3A_684 = arith.select %eq3A_683, %broadcast_in_dim3A_680, %broadcast_in_dim3A_682 : vector<16xi1>, vector<16xf32>
    %eq3A_685 = arith.cmpf oeq, %get3A_597, %max3A_678 : vector<16xf32>
    %select_n3A_686 = arith.select %eq3A_685, %select_n3A_684, %broadcast_in_dim3A_680 : vector<16xi1>, vector<16xf32>
    %broadcast_in_dim3A_687 = arith.constant 6.000000e+00 : f32
    %broadcast_in_dim3A_688 = vector.broadcast %broadcast_in_dim3A_687 : f32 to vector<16xf32>
    %eq3A_689 = arith.cmpf oeq, %select_n3A_638, %broadcast_in_dim3A_688 : vector<16xf32>
    %select_n3A_690 = arith.select %eq3A_689, %select_n3A_686, %broadcast_in_dim3A_688 : vector<16xi1>, vector<16xf32>
    %eq3A_691 = arith.cmpf oeq, %get3A_592, %max3A_678 : vector<16xf32>
    %select_n3A_692 = arith.select %eq3A_691, %select_n3A_690, %select_n3A_686 : vector<16xi1>, vector<16xf32>
    %broadcast_in_dim3A_693 = arith.constant 5.000000e+00 : f32
    %broadcast_in_dim3A_694 = vector.broadcast %broadcast_in_dim3A_693 : f32 to vector<16xf32>
    %eq3A_695 = arith.cmpf oeq, %select_n3A_638, %broadcast_in_dim3A_694 : vector<16xf32>
    %select_n3A_696 = arith.select %eq3A_695, %select_n3A_692, %broadcast_in_dim3A_694 : vector<16xi1>, vector<16xf32>
    %eq3A_697 = arith.cmpf oeq, %get3A_587, %max3A_678 : vector<16xf32>
    %select_n3A_698 = arith.select %eq3A_697, %select_n3A_696, %select_n3A_692 : vector<16xi1>, vector<16xf32>
    %broadcast_in_dim3A_699 = arith.constant 4.000000e+00 : f32
    %broadcast_in_dim3A_700 = vector.broadcast %broadcast_in_dim3A_699 : f32 to vector<16xf32>
    %eq3A_701 = arith.cmpf oeq, %select_n3A_638, %broadcast_in_dim3A_700 : vector<16xf32>
    %select_n3A_702 = arith.select %eq3A_701, %select_n3A_698, %broadcast_in_dim3A_700 : vector<16xi1>, vector<16xf32>
    %eq3A_703 = arith.cmpf oeq, %get3A_582, %max3A_678 : vector<16xf32>
    %select_n3A_704 = arith.select %eq3A_703, %select_n3A_702, %select_n3A_698 : vector<16xi1>, vector<16xf32>
    %broadcast_in_dim3A_705 = arith.constant 3.000000e+00 : f32
    %broadcast_in_dim3A_706 = vector.broadcast %broadcast_in_dim3A_705 : f32 to vector<16xf32>
    %eq3A_707 = arith.cmpf oeq, %select_n3A_638, %broadcast_in_dim3A_706 : vector<16xf32>
    %select_n3A_708 = arith.select %eq3A_707, %select_n3A_704, %broadcast_in_dim3A_706 : vector<16xi1>, vector<16xf32>
    %eq3A_709 = arith.cmpf oeq, %get3A_577, %max3A_678 : vector<16xf32>
    %select_n3A_710 = arith.select %eq3A_709, %select_n3A_708, %select_n3A_704 : vector<16xi1>, vector<16xf32>
    %broadcast_in_dim3A_711 = arith.constant 2.000000e+00 : f32
    %broadcast_in_dim3A_712 = vector.broadcast %broadcast_in_dim3A_711 : f32 to vector<16xf32>
    %eq3A_713 = arith.cmpf oeq, %select_n3A_638, %broadcast_in_dim3A_712 : vector<16xf32>
    %select_n3A_714 = arith.select %eq3A_713, %select_n3A_710, %broadcast_in_dim3A_712 : vector<16xi1>, vector<16xf32>
    %eq3A_715 = arith.cmpf oeq, %get3A_572, %max3A_678 : vector<16xf32>
    %select_n3A_716 = arith.select %eq3A_715, %select_n3A_714, %select_n3A_710 : vector<16xi1>, vector<16xf32>
    %broadcast_in_dim3A_717 = arith.constant 1.000000e+00 : f32
    %broadcast_in_dim3A_718 = vector.broadcast %broadcast_in_dim3A_717 : f32 to vector<16xf32>
    %eq3A_719 = arith.cmpf oeq, %select_n3A_638, %broadcast_in_dim3A_718 : vector<16xf32>
    %select_n3A_720 = arith.select %eq3A_719, %select_n3A_716, %broadcast_in_dim3A_718 : vector<16xi1>, vector<16xf32>
    %eq3A_721 = arith.cmpf oeq, %get3A_567, %max3A_678 : vector<16xf32>
    %select_n3A_722 = arith.select %eq3A_721, %select_n3A_720, %select_n3A_716 : vector<16xi1>, vector<16xf32>
    %broadcast_in_dim3A_723 = arith.constant 0.000000e+00 : f32
    %broadcast_in_dim3A_724 = vector.broadcast %broadcast_in_dim3A_723 : f32 to vector<16xf32>
    %eq3A_725 = arith.cmpf oeq, %select_n3A_638, %broadcast_in_dim3A_724 : vector<16xf32>
    %select_n3A_726 = arith.select %eq3A_725, %select_n3A_722, %broadcast_in_dim3A_724 : vector<16xi1>, vector<16xf32>
    %eq3A_727 = arith.cmpf oeq, %get3A_562, %max3A_678 : vector<16xf32>
    %select_n3A_728 = arith.select %eq3A_727, %select_n3A_726, %select_n3A_722 : vector<16xi1>, vector<16xf32>
    %broadcast_in_dim3A_729 = arith.constant 1.000000e+00 : f32
    %broadcast_in_dim3A_730 = vector.broadcast %broadcast_in_dim3A_729 : f32 to vector<16xf32>
    %broadcast_in_dim3A_731 = arith.constant 0.000000e+00 : f32
    %broadcast_in_dim3A_732 = vector.broadcast %broadcast_in_dim3A_731 : f32 to vector<16xf32>
    %broadcast_in_dim3A_733 = arith.constant 0.000000e+00 : f32
    %broadcast_in_dim3A_734 = vector.broadcast %broadcast_in_dim3A_733 : f32 to vector<16xf32>
    %eq3A_735 = arith.cmpf oeq, %select_n3A_638, %broadcast_in_dim3A_734 : vector<16xf32>
    %select_n3A_736 = arith.select %eq3A_735, %broadcast_in_dim3A_730, %broadcast_in_dim3A_732 : vector<16xi1>, vector<16xf32>
    %eq3A_737 = arith.cmpf oeq, %select_n3A_728, %broadcast_in_dim3A_734 : vector<16xf32>
    %select_n3A_738 = arith.select %eq3A_737, %broadcast_in_dim3A_730, %broadcast_in_dim3A_732 : vector<16xi1>, vector<16xf32>
    %max3A_739 = arith.maximumf %select_n3A_736, %select_n3A_738 : vector<16xf32>
    %swap3A_740 = arith.constant 0 : i32
    %swap3A_741 = arith.index_cast %swap3A_740 : i32 to index
    %swap3A_742 = arith.constant 32 : index
    %swap3A_743 = tpu.vector_load %arg5[%swap3A_741, %swap3A_742] {strides = array<i32>} : memref<8x128xf32, #tpu.memory_space<vmem>>, vector<1x16xf32>,
    %swap3A_744 = vector.shape_cast %swap3A_743 : vector<1x16xf32> to vector<16xf32>
    %swap3A_745 = vector.shape_cast %max3A_739 : vector<16xf32> to vector<1x16xf32>
    tpu.vector_store %arg5[%swap3A_741, %swap3A_742], %swap3A_745 {strides = array<i32>} : memref<8x128xf32, #tpu.memory_space<vmem>>, vector<1x16xf32>,
    %broadcast_in_dim3A_746 = arith.constant 1.000000e+00 : f32
    %broadcast_in_dim3A_747 = vector.broadcast %broadcast_in_dim3A_746 : f32 to vector<16xf32>
    %eq3A_748 = arith.cmpf oeq, %select_n3A_638, %broadcast_in_dim3A_747 : vector<16xf32>
    %select_n3A_749 = arith.select %eq3A_748, %broadcast_in_dim3A_730, %broadcast_in_dim3A_732 : vector<16xi1>, vector<16xf32>
    %eq3A_750 = arith.cmpf oeq, %select_n3A_728, %broadcast_in_dim3A_747 : vector<16xf32>
    %select_n3A_751 = arith.select %eq3A_750, %broadcast_in_dim3A_730, %broadcast_in_dim3A_732 : vector<16xi1>, vector<16xf32>
    %max3A_752 = arith.maximumf %select_n3A_749, %select_n3A_751 : vector<16xf32>
    %swap3A_753 = arith.constant 1 : i32
    %swap3A_754 = arith.index_cast %swap3A_753 : i32 to index
    %swap3A_755 = arith.constant 32 : index
    %swap3A_756 = tpu.vector_load %arg5[%swap3A_754, %swap3A_755] {strides = array<i32>} : memref<8x128xf32, #tpu.memory_space<vmem>>, vector<1x16xf32>,
    %swap3A_757 = vector.shape_cast %swap3A_756 : vector<1x16xf32> to vector<16xf32>
    %swap3A_758 = vector.shape_cast %max3A_752 : vector<16xf32> to vector<1x16xf32>
    tpu.vector_store %arg5[%swap3A_754, %swap3A_755], %swap3A_758 {strides = array<i32>} : memref<8x128xf32, #tpu.memory_space<vmem>>, vector<1x16xf32>,
    %broadcast_in_dim3A_759 = arith.constant 2.000000e+00 : f32
    %broadcast_in_dim3A_760 = vector.broadcast %broadcast_in_dim3A_759 : f32 to vector<16xf32>
    %eq3A_761 = arith.cmpf oeq, %select_n3A_638, %broadcast_in_dim3A_760 : vector<16xf32>
    %select_n3A_762 = arith.select %eq3A_761, %broadcast_in_dim3A_730, %broadcast_in_dim3A_732 : vector<16xi1>, vector<16xf32>
    %eq3A_763 = arith.cmpf oeq, %select_n3A_728, %broadcast_in_dim3A_760 : vector<16xf32>
    %select_n3A_764 = arith.select %eq3A_763, %broadcast_in_dim3A_730, %broadcast_in_dim3A_732 : vector<16xi1>, vector<16xf32>
    %max3A_765 = arith.maximumf %select_n3A_762, %select_n3A_764 : vector<16xf32>
    %swap3A_766 = arith.constant 2 : i32
    %swap3A_767 = arith.index_cast %swap3A_766 : i32 to index
    %swap3A_768 = arith.constant 32 : index
    %swap3A_769 = tpu.vector_load %arg5[%swap3A_767, %swap3A_768] {strides = array<i32>} : memref<8x128xf32, #tpu.memory_space<vmem>>, vector<1x16xf32>,
    %swap3A_770 = vector.shape_cast %swap3A_769 : vector<1x16xf32> to vector<16xf32>
    %swap3A_771 = vector.shape_cast %max3A_765 : vector<16xf32> to vector<1x16xf32>
    tpu.vector_store %arg5[%swap3A_767, %swap3A_768], %swap3A_771 {strides = array<i32>} : memref<8x128xf32, #tpu.memory_space<vmem>>, vector<1x16xf32>,
    %broadcast_in_dim3A_772 = arith.constant 3.000000e+00 : f32
    %broadcast_in_dim3A_773 = vector.broadcast %broadcast_in_dim3A_772 : f32 to vector<16xf32>
    %eq3A_774 = arith.cmpf oeq, %select_n3A_638, %broadcast_in_dim3A_773 : vector<16xf32>
    %select_n3A_775 = arith.select %eq3A_774, %broadcast_in_dim3A_730, %broadcast_in_dim3A_732 : vector<16xi1>, vector<16xf32>
    %eq3A_776 = arith.cmpf oeq, %select_n3A_728, %broadcast_in_dim3A_773 : vector<16xf32>
    %select_n3A_777 = arith.select %eq3A_776, %broadcast_in_dim3A_730, %broadcast_in_dim3A_732 : vector<16xi1>, vector<16xf32>
    %max3A_778 = arith.maximumf %select_n3A_775, %select_n3A_777 : vector<16xf32>
    %swap3A_779 = arith.constant 3 : i32
    %swap3A_780 = arith.index_cast %swap3A_779 : i32 to index
    %swap3A_781 = arith.constant 32 : index
    %swap3A_782 = tpu.vector_load %arg5[%swap3A_780, %swap3A_781] {strides = array<i32>} : memref<8x128xf32, #tpu.memory_space<vmem>>, vector<1x16xf32>,
    %swap3A_783 = vector.shape_cast %swap3A_782 : vector<1x16xf32> to vector<16xf32>
    %swap3A_784 = vector.shape_cast %max3A_778 : vector<16xf32> to vector<1x16xf32>
    tpu.vector_store %arg5[%swap3A_780, %swap3A_781], %swap3A_784 {strides = array<i32>} : memref<8x128xf32, #tpu.memory_space<vmem>>, vector<1x16xf32>,
    %broadcast_in_dim3A_785 = arith.constant 4.000000e+00 : f32
    %broadcast_in_dim3A_786 = vector.broadcast %broadcast_in_dim3A_785 : f32 to vector<16xf32>
    %eq3A_787 = arith.cmpf oeq, %select_n3A_638, %broadcast_in_dim3A_786 : vector<16xf32>
    %select_n3A_788 = arith.select %eq3A_787, %broadcast_in_dim3A_730, %broadcast_in_dim3A_732 : vector<16xi1>, vector<16xf32>
    %eq3A_789 = arith.cmpf oeq, %select_n3A_728, %broadcast_in_dim3A_786 : vector<16xf32>
    %select_n3A_790 = arith.select %eq3A_789, %broadcast_in_dim3A_730, %broadcast_in_dim3A_732 : vector<16xi1>, vector<16xf32>
    %max3A_791 = arith.maximumf %select_n3A_788, %select_n3A_790 : vector<16xf32>
    %swap3A_792 = arith.constant 4 : i32
    %swap3A_793 = arith.index_cast %swap3A_792 : i32 to index
    %swap3A_794 = arith.constant 32 : index
    %swap3A_795 = tpu.vector_load %arg5[%swap3A_793, %swap3A_794] {strides = array<i32>} : memref<8x128xf32, #tpu.memory_space<vmem>>, vector<1x16xf32>,
    %swap3A_796 = vector.shape_cast %swap3A_795 : vector<1x16xf32> to vector<16xf32>
    %swap3A_797 = vector.shape_cast %max3A_791 : vector<16xf32> to vector<1x16xf32>
    tpu.vector_store %arg5[%swap3A_793, %swap3A_794], %swap3A_797 {strides = array<i32>} : memref<8x128xf32, #tpu.memory_space<vmem>>, vector<1x16xf32>,
    %broadcast_in_dim3A_798 = arith.constant 5.000000e+00 : f32
    %broadcast_in_dim3A_799 = vector.broadcast %broadcast_in_dim3A_798 : f32 to vector<16xf32>
    %eq3A_800 = arith.cmpf oeq, %select_n3A_638, %broadcast_in_dim3A_799 : vector<16xf32>
    %select_n3A_801 = arith.select %eq3A_800, %broadcast_in_dim3A_730, %broadcast_in_dim3A_732 : vector<16xi1>, vector<16xf32>
    %eq3A_802 = arith.cmpf oeq, %select_n3A_728, %broadcast_in_dim3A_799 : vector<16xf32>
    %select_n3A_803 = arith.select %eq3A_802, %broadcast_in_dim3A_730, %broadcast_in_dim3A_732 : vector<16xi1>, vector<16xf32>
    %max3A_804 = arith.maximumf %select_n3A_801, %select_n3A_803 : vector<16xf32>
    %swap3A_805 = arith.constant 5 : i32
    %swap3A_806 = arith.index_cast %swap3A_805 : i32 to index
    %swap3A_807 = arith.constant 32 : index
    %swap3A_808 = tpu.vector_load %arg5[%swap3A_806, %swap3A_807] {strides = array<i32>} : memref<8x128xf32, #tpu.memory_space<vmem>>, vector<1x16xf32>,
    %swap3A_809 = vector.shape_cast %swap3A_808 : vector<1x16xf32> to vector<16xf32>
    %swap3A_810 = vector.shape_cast %max3A_804 : vector<16xf32> to vector<1x16xf32>
    tpu.vector_store %arg5[%swap3A_806, %swap3A_807], %swap3A_810 {strides = array<i32>} : memref<8x128xf32, #tpu.memory_space<vmem>>, vector<1x16xf32>,
    %broadcast_in_dim3A_811 = arith.constant 6.000000e+00 : f32
    %broadcast_in_dim3A_812 = vector.broadcast %broadcast_in_dim3A_811 : f32 to vector<16xf32>
    %eq3A_813 = arith.cmpf oeq, %select_n3A_638, %broadcast_in_dim3A_812 : vector<16xf32>
    %select_n3A_814 = arith.select %eq3A_813, %broadcast_in_dim3A_730, %broadcast_in_dim3A_732 : vector<16xi1>, vector<16xf32>
    %eq3A_815 = arith.cmpf oeq, %select_n3A_728, %broadcast_in_dim3A_812 : vector<16xf32>
    %select_n3A_816 = arith.select %eq3A_815, %broadcast_in_dim3A_730, %broadcast_in_dim3A_732 : vector<16xi1>, vector<16xf32>
    %max3A_817 = arith.maximumf %select_n3A_814, %select_n3A_816 : vector<16xf32>
    %swap3A_818 = arith.constant 6 : i32
    %swap3A_819 = arith.index_cast %swap3A_818 : i32 to index
    %swap3A_820 = arith.constant 32 : index
    %swap3A_821 = tpu.vector_load %arg5[%swap3A_819, %swap3A_820] {strides = array<i32>} : memref<8x128xf32, #tpu.memory_space<vmem>>, vector<1x16xf32>,
    %swap3A_822 = vector.shape_cast %swap3A_821 : vector<1x16xf32> to vector<16xf32>
    %swap3A_823 = vector.shape_cast %max3A_817 : vector<16xf32> to vector<1x16xf32>
    tpu.vector_store %arg5[%swap3A_819, %swap3A_820], %swap3A_823 {strides = array<i32>} : memref<8x128xf32, #tpu.memory_space<vmem>>, vector<1x16xf32>,
    %broadcast_in_dim3A_824 = arith.constant 7.000000e+00 : f32
    %broadcast_in_dim3A_825 = vector.broadcast %broadcast_in_dim3A_824 : f32 to vector<16xf32>
    %eq3A_826 = arith.cmpf oeq, %select_n3A_638, %broadcast_in_dim3A_825 : vector<16xf32>
    %select_n3A_827 = arith.select %eq3A_826, %broadcast_in_dim3A_730, %broadcast_in_dim3A_732 : vector<16xi1>, vector<16xf32>
    %eq3A_828 = arith.cmpf oeq, %select_n3A_728, %broadcast_in_dim3A_825 : vector<16xf32>
    %select_n3A_829 = arith.select %eq3A_828, %broadcast_in_dim3A_730, %broadcast_in_dim3A_732 : vector<16xi1>, vector<16xf32>
    %max3A_830 = arith.maximumf %select_n3A_827, %select_n3A_829 : vector<16xf32>
    %swap3A_831 = arith.constant 7 : i32
    %swap3A_832 = arith.index_cast %swap3A_831 : i32 to index
    %swap3A_833 = arith.constant 32 : index
    %swap3A_834 = tpu.vector_load %arg5[%swap3A_832, %swap3A_833] {strides = array<i32>} : memref<8x128xf32, #tpu.memory_space<vmem>>, vector<1x16xf32>,
    %swap3A_835 = vector.shape_cast %swap3A_834 : vector<1x16xf32> to vector<16xf32>
    %swap3A_836 = vector.shape_cast %max3A_830 : vector<16xf32> to vector<1x16xf32>
    tpu.vector_store %arg5[%swap3A_832, %swap3A_833], %swap3A_836 {strides = array<i32>} : memref<8x128xf32, #tpu.memory_space<vmem>>, vector<1x16xf32>,
    %get3A_837 = arith.constant 0 : i32
    %get3A_838 = arith.index_cast %get3A_837 : i32 to index
    %get3A_839 = arith.constant 48 : index
    %get3A_840 = tpu.vector_load %arg4[%get3A_838, %get3A_839] {strides = array<i32>} : memref<8x128xf32, #tpu.memory_space<vmem>>, vector<1x16xf32>,
    %get3A_841 = vector.shape_cast %get3A_840 : vector<1x16xf32> to vector<16xf32>
    %get3A_842 = arith.constant 1 : i32
    %get3A_843 = arith.index_cast %get3A_842 : i32 to index
    %get3A_844 = arith.constant 48 : index
    %get3A_845 = tpu.vector_load %arg4[%get3A_843, %get3A_844] {strides = array<i32>} : memref<8x128xf32, #tpu.memory_space<vmem>>, vector<1x16xf32>,
    %get3A_846 = vector.shape_cast %get3A_845 : vector<1x16xf32> to vector<16xf32>
    %get3A_847 = arith.constant 2 : i32
    %get3A_848 = arith.index_cast %get3A_847 : i32 to index
    %get3A_849 = arith.constant 48 : index
    %get3A_850 = tpu.vector_load %arg4[%get3A_848, %get3A_849] {strides = array<i32>} : memref<8x128xf32, #tpu.memory_space<vmem>>, vector<1x16xf32>,
    %get3A_851 = vector.shape_cast %get3A_850 : vector<1x16xf32> to vector<16xf32>
    %get3A_852 = arith.constant 3 : i32
    %get3A_853 = arith.index_cast %get3A_852 : i32 to index
    %get3A_854 = arith.constant 48 : index
    %get3A_855 = tpu.vector_load %arg4[%get3A_853, %get3A_854] {strides = array<i32>} : memref<8x128xf32, #tpu.memory_space<vmem>>, vector<1x16xf32>,
    %get3A_856 = vector.shape_cast %get3A_855 : vector<1x16xf32> to vector<16xf32>
    %get3A_857 = arith.constant 4 : i32
    %get3A_858 = arith.index_cast %get3A_857 : i32 to index
    %get3A_859 = arith.constant 48 : index
    %get3A_860 = tpu.vector_load %arg4[%get3A_858, %get3A_859] {strides = array<i32>} : memref<8x128xf32, #tpu.memory_space<vmem>>, vector<1x16xf32>,
    %get3A_861 = vector.shape_cast %get3A_860 : vector<1x16xf32> to vector<16xf32>
    %get3A_862 = arith.constant 5 : i32
    %get3A_863 = arith.index_cast %get3A_862 : i32 to index
    %get3A_864 = arith.constant 48 : index
    %get3A_865 = tpu.vector_load %arg4[%get3A_863, %get3A_864] {strides = array<i32>} : memref<8x128xf32, #tpu.memory_space<vmem>>, vector<1x16xf32>,
    %get3A_866 = vector.shape_cast %get3A_865 : vector<1x16xf32> to vector<16xf32>
    %get3A_867 = arith.constant 6 : i32
    %get3A_868 = arith.index_cast %get3A_867 : i32 to index
    %get3A_869 = arith.constant 48 : index
    %get3A_870 = tpu.vector_load %arg4[%get3A_868, %get3A_869] {strides = array<i32>} : memref<8x128xf32, #tpu.memory_space<vmem>>, vector<1x16xf32>,
    %get3A_871 = vector.shape_cast %get3A_870 : vector<1x16xf32> to vector<16xf32>
    %get3A_872 = arith.constant 7 : i32
    %get3A_873 = arith.index_cast %get3A_872 : i32 to index
    %get3A_874 = arith.constant 48 : index
    %get3A_875 = tpu.vector_load %arg4[%get3A_873, %get3A_874] {strides = array<i32>} : memref<8x128xf32, #tpu.memory_space<vmem>>, vector<1x16xf32>,
    %get3A_876 = vector.shape_cast %get3A_875 : vector<1x16xf32> to vector<16xf32>
    %max3A_877 = arith.maximumf %get3A_841, %get3A_846 : vector<16xf32>
    %max3A_878 = arith.maximumf %max3A_877, %get3A_851 : vector<16xf32>
    %max3A_879 = arith.maximumf %max3A_878, %get3A_856 : vector<16xf32>
    %max3A_880 = arith.maximumf %max3A_879, %get3A_861 : vector<16xf32>
    %max3A_881 = arith.maximumf %max3A_880, %get3A_866 : vector<16xf32>
    %max3A_882 = arith.maximumf %max3A_881, %get3A_871 : vector<16xf32>
    %max3A_883 = arith.maximumf %max3A_882, %get3A_876 : vector<16xf32>
    %broadcast_in_dim3A_884 = arith.constant 8.000000e+00 : f32
    %broadcast_in_dim3A_885 = vector.broadcast %broadcast_in_dim3A_884 : f32 to vector<16xf32>
    %broadcast_in_dim3A_886 = arith.constant 7.000000e+00 : f32
    %broadcast_in_dim3A_887 = vector.broadcast %broadcast_in_dim3A_886 : f32 to vector<16xf32>
    %eq3A_888 = arith.cmpf oeq, %get3A_876, %max3A_883 : vector<16xf32>
    %select_n3A_889 = arith.select %eq3A_888, %broadcast_in_dim3A_887, %broadcast_in_dim3A_885 : vector<16xi1>, vector<16xf32>
    %broadcast_in_dim3A_890 = arith.constant 6.000000e+00 : f32
    %broadcast_in_dim3A_891 = vector.broadcast %broadcast_in_dim3A_890 : f32 to vector<16xf32>
    %eq3A_892 = arith.cmpf oeq, %get3A_871, %max3A_883 : vector<16xf32>
    %select_n3A_893 = arith.select %eq3A_892, %broadcast_in_dim3A_891, %select_n3A_889 : vector<16xi1>, vector<16xf32>
    %broadcast_in_dim3A_894 = arith.constant 5.000000e+00 : f32
    %broadcast_in_dim3A_895 = vector.broadcast %broadcast_in_dim3A_894 : f32 to vector<16xf32>
    %eq3A_896 = arith.cmpf oeq, %get3A_866, %max3A_883 : vector<16xf32>
    %select_n3A_897 = arith.select %eq3A_896, %broadcast_in_dim3A_895, %select_n3A_893 : vector<16xi1>, vector<16xf32>
    %broadcast_in_dim3A_898 = arith.constant 4.000000e+00 : f32
    %broadcast_in_dim3A_899 = vector.broadcast %broadcast_in_dim3A_898 : f32 to vector<16xf32>
    %eq3A_900 = arith.cmpf oeq, %get3A_861, %max3A_883 : vector<16xf32>
    %select_n3A_901 = arith.select %eq3A_900, %broadcast_in_dim3A_899, %select_n3A_897 : vector<16xi1>, vector<16xf32>
    %broadcast_in_dim3A_902 = arith.constant 3.000000e+00 : f32
    %broadcast_in_dim3A_903 = vector.broadcast %broadcast_in_dim3A_902 : f32 to vector<16xf32>
    %eq3A_904 = arith.cmpf oeq, %get3A_856, %max3A_883 : vector<16xf32>
    %select_n3A_905 = arith.select %eq3A_904, %broadcast_in_dim3A_903, %select_n3A_901 : vector<16xi1>, vector<16xf32>
    %broadcast_in_dim3A_906 = arith.constant 2.000000e+00 : f32
    %broadcast_in_dim3A_907 = vector.broadcast %broadcast_in_dim3A_906 : f32 to vector<16xf32>
    %eq3A_908 = arith.cmpf oeq, %get3A_851, %max3A_883 : vector<16xf32>
    %select_n3A_909 = arith.select %eq3A_908, %broadcast_in_dim3A_907, %select_n3A_905 : vector<16xi1>, vector<16xf32>
    %broadcast_in_dim3A_910 = arith.constant 1.000000e+00 : f32
    %broadcast_in_dim3A_911 = vector.broadcast %broadcast_in_dim3A_910 : f32 to vector<16xf32>
    %eq3A_912 = arith.cmpf oeq, %get3A_846, %max3A_883 : vector<16xf32>
    %select_n3A_913 = arith.select %eq3A_912, %broadcast_in_dim3A_911, %select_n3A_909 : vector<16xi1>, vector<16xf32>
    %broadcast_in_dim3A_914 = arith.constant 0.000000e+00 : f32
    %broadcast_in_dim3A_915 = vector.broadcast %broadcast_in_dim3A_914 : f32 to vector<16xf32>
    %eq3A_916 = arith.cmpf oeq, %get3A_841, %max3A_883 : vector<16xf32>
    %select_n3A_917 = arith.select %eq3A_916, %broadcast_in_dim3A_915, %select_n3A_913 : vector<16xi1>, vector<16xf32>
    %broadcast_in_dim3A_918 = arith.constant 0.000000e+00 : f32
    %broadcast_in_dim3A_919 = vector.broadcast %broadcast_in_dim3A_918 : f32 to vector<16xf32>
    %eq3A_920 = arith.cmpf oeq, %select_n3A_917, %broadcast_in_dim3A_919 : vector<16xf32>
    %select_n3A_921 = arith.select %eq3A_920, %broadcast_in_dim3A_4, %get3A_841 : vector<16xi1>, vector<16xf32>
    %max3A_922 = arith.maximumf %broadcast_in_dim3A_4, %select_n3A_921 : vector<16xf32>
    %broadcast_in_dim3A_923 = arith.constant 1.000000e+00 : f32
    %broadcast_in_dim3A_924 = vector.broadcast %broadcast_in_dim3A_923 : f32 to vector<16xf32>
    %eq3A_925 = arith.cmpf oeq, %select_n3A_917, %broadcast_in_dim3A_924 : vector<16xf32>
    %select_n3A_926 = arith.select %eq3A_925, %broadcast_in_dim3A_4, %get3A_846 : vector<16xi1>, vector<16xf32>
    %max3A_927 = arith.maximumf %max3A_922, %select_n3A_926 : vector<16xf32>
    %broadcast_in_dim3A_928 = arith.constant 2.000000e+00 : f32
    %broadcast_in_dim3A_929 = vector.broadcast %broadcast_in_dim3A_928 : f32 to vector<16xf32>
    %eq3A_930 = arith.cmpf oeq, %select_n3A_917, %broadcast_in_dim3A_929 : vector<16xf32>
    %select_n3A_931 = arith.select %eq3A_930, %broadcast_in_dim3A_4, %get3A_851 : vector<16xi1>, vector<16xf32>
    %max3A_932 = arith.maximumf %max3A_927, %select_n3A_931 : vector<16xf32>
    %broadcast_in_dim3A_933 = arith.constant 3.000000e+00 : f32
    %broadcast_in_dim3A_934 = vector.broadcast %broadcast_in_dim3A_933 : f32 to vector<16xf32>
    %eq3A_935 = arith.cmpf oeq, %select_n3A_917, %broadcast_in_dim3A_934 : vector<16xf32>
    %select_n3A_936 = arith.select %eq3A_935, %broadcast_in_dim3A_4, %get3A_856 : vector<16xi1>, vector<16xf32>
    %max3A_937 = arith.maximumf %max3A_932, %select_n3A_936 : vector<16xf32>
    %broadcast_in_dim3A_938 = arith.constant 4.000000e+00 : f32
    %broadcast_in_dim3A_939 = vector.broadcast %broadcast_in_dim3A_938 : f32 to vector<16xf32>
    %eq3A_940 = arith.cmpf oeq, %select_n3A_917, %broadcast_in_dim3A_939 : vector<16xf32>
    %select_n3A_941 = arith.select %eq3A_940, %broadcast_in_dim3A_4, %get3A_861 : vector<16xi1>, vector<16xf32>
    %max3A_942 = arith.maximumf %max3A_937, %select_n3A_941 : vector<16xf32>
    %broadcast_in_dim3A_943 = arith.constant 5.000000e+00 : f32
    %broadcast_in_dim3A_944 = vector.broadcast %broadcast_in_dim3A_943 : f32 to vector<16xf32>
    %eq3A_945 = arith.cmpf oeq, %select_n3A_917, %broadcast_in_dim3A_944 : vector<16xf32>
    %select_n3A_946 = arith.select %eq3A_945, %broadcast_in_dim3A_4, %get3A_866 : vector<16xi1>, vector<16xf32>
    %max3A_947 = arith.maximumf %max3A_942, %select_n3A_946 : vector<16xf32>
    %broadcast_in_dim3A_948 = arith.constant 6.000000e+00 : f32
    %broadcast_in_dim3A_949 = vector.broadcast %broadcast_in_dim3A_948 : f32 to vector<16xf32>
    %eq3A_950 = arith.cmpf oeq, %select_n3A_917, %broadcast_in_dim3A_949 : vector<16xf32>
    %select_n3A_951 = arith.select %eq3A_950, %broadcast_in_dim3A_4, %get3A_871 : vector<16xi1>, vector<16xf32>
    %max3A_952 = arith.maximumf %max3A_947, %select_n3A_951 : vector<16xf32>
    %broadcast_in_dim3A_953 = arith.constant 7.000000e+00 : f32
    %broadcast_in_dim3A_954 = vector.broadcast %broadcast_in_dim3A_953 : f32 to vector<16xf32>
    %eq3A_955 = arith.cmpf oeq, %select_n3A_917, %broadcast_in_dim3A_954 : vector<16xf32>
    %select_n3A_956 = arith.select %eq3A_955, %broadcast_in_dim3A_4, %get3A_876 : vector<16xi1>, vector<16xf32>
    %max3A_957 = arith.maximumf %max3A_952, %select_n3A_956 : vector<16xf32>
    %broadcast_in_dim3A_958 = arith.constant 8.000000e+00 : f32
    %broadcast_in_dim3A_959 = vector.broadcast %broadcast_in_dim3A_958 : f32 to vector<16xf32>
    %broadcast_in_dim3A_960 = arith.constant 7.000000e+00 : f32
    %broadcast_in_dim3A_961 = vector.broadcast %broadcast_in_dim3A_960 : f32 to vector<16xf32>
    %eq3A_962 = arith.cmpf oeq, %select_n3A_917, %broadcast_in_dim3A_961 : vector<16xf32>
    %select_n3A_963 = arith.select %eq3A_962, %broadcast_in_dim3A_959, %broadcast_in_dim3A_961 : vector<16xi1>, vector<16xf32>
    %eq3A_964 = arith.cmpf oeq, %get3A_876, %max3A_957 : vector<16xf32>
    %select_n3A_965 = arith.select %eq3A_964, %select_n3A_963, %broadcast_in_dim3A_959 : vector<16xi1>, vector<16xf32>
    %broadcast_in_dim3A_966 = arith.constant 6.000000e+00 : f32
    %broadcast_in_dim3A_967 = vector.broadcast %broadcast_in_dim3A_966 : f32 to vector<16xf32>
    %eq3A_968 = arith.cmpf oeq, %select_n3A_917, %broadcast_in_dim3A_967 : vector<16xf32>
    %select_n3A_969 = arith.select %eq3A_968, %select_n3A_965, %broadcast_in_dim3A_967 : vector<16xi1>, vector<16xf32>
    %eq3A_970 = arith.cmpf oeq, %get3A_871, %max3A_957 : vector<16xf32>
    %select_n3A_971 = arith.select %eq3A_970, %select_n3A_969, %select_n3A_965 : vector<16xi1>, vector<16xf32>
    %broadcast_in_dim3A_972 = arith.constant 5.000000e+00 : f32
    %broadcast_in_dim3A_973 = vector.broadcast %broadcast_in_dim3A_972 : f32 to vector<16xf32>
    %eq3A_974 = arith.cmpf oeq, %select_n3A_917, %broadcast_in_dim3A_973 : vector<16xf32>
    %select_n3A_975 = arith.select %eq3A_974, %select_n3A_971, %broadcast_in_dim3A_973 : vector<16xi1>, vector<16xf32>
    %eq3A_976 = arith.cmpf oeq, %get3A_866, %max3A_957 : vector<16xf32>
    %select_n3A_977 = arith.select %eq3A_976, %select_n3A_975, %select_n3A_971 : vector<16xi1>, vector<16xf32>
    %broadcast_in_dim3A_978 = arith.constant 4.000000e+00 : f32
    %broadcast_in_dim3A_979 = vector.broadcast %broadcast_in_dim3A_978 : f32 to vector<16xf32>
    %eq3A_980 = arith.cmpf oeq, %select_n3A_917, %broadcast_in_dim3A_979 : vector<16xf32>
    %select_n3A_981 = arith.select %eq3A_980, %select_n3A_977, %broadcast_in_dim3A_979 : vector<16xi1>, vector<16xf32>
    %eq3A_982 = arith.cmpf oeq, %get3A_861, %max3A_957 : vector<16xf32>
    %select_n3A_983 = arith.select %eq3A_982, %select_n3A_981, %select_n3A_977 : vector<16xi1>, vector<16xf32>
    %broadcast_in_dim3A_984 = arith.constant 3.000000e+00 : f32
    %broadcast_in_dim3A_985 = vector.broadcast %broadcast_in_dim3A_984 : f32 to vector<16xf32>
    %eq3A_986 = arith.cmpf oeq, %select_n3A_917, %broadcast_in_dim3A_985 : vector<16xf32>
    %select_n3A_987 = arith.select %eq3A_986, %select_n3A_983, %broadcast_in_dim3A_985 : vector<16xi1>, vector<16xf32>
    %eq3A_988 = arith.cmpf oeq, %get3A_856, %max3A_957 : vector<16xf32>
    %select_n3A_989 = arith.select %eq3A_988, %select_n3A_987, %select_n3A_983 : vector<16xi1>, vector<16xf32>
    %broadcast_in_dim3A_990 = arith.constant 2.000000e+00 : f32
    %broadcast_in_dim3A_991 = vector.broadcast %broadcast_in_dim3A_990 : f32 to vector<16xf32>
    %eq3A_992 = arith.cmpf oeq, %select_n3A_917, %broadcast_in_dim3A_991 : vector<16xf32>
    %select_n3A_993 = arith.select %eq3A_992, %select_n3A_989, %broadcast_in_dim3A_991 : vector<16xi1>, vector<16xf32>
    %eq3A_994 = arith.cmpf oeq, %get3A_851, %max3A_957 : vector<16xf32>
    %select_n3A_995 = arith.select %eq3A_994, %select_n3A_993, %select_n3A_989 : vector<16xi1>, vector<16xf32>
    %broadcast_in_dim3A_996 = arith.constant 1.000000e+00 : f32
    %broadcast_in_dim3A_997 = vector.broadcast %broadcast_in_dim3A_996 : f32 to vector<16xf32>
    %eq3A_998 = arith.cmpf oeq, %select_n3A_917, %broadcast_in_dim3A_997 : vector<16xf32>
    %select_n3A_999 = arith.select %eq3A_998, %select_n3A_995, %broadcast_in_dim3A_997 : vector<16xi1>, vector<16xf32>
    %eq3A_1000 = arith.cmpf oeq, %get3A_846, %max3A_957 : vector<16xf32>
    %select_n3A_1001 = arith.select %eq3A_1000, %select_n3A_999, %select_n3A_995 : vector<16xi1>, vector<16xf32>
    %broadcast_in_dim3A_1002 = arith.constant 0.000000e+00 : f32
    %broadcast_in_dim3A_1003 = vector.broadcast %broadcast_in_dim3A_1002 : f32 to vector<16xf32>
    %eq3A_1004 = arith.cmpf oeq, %select_n3A_917, %broadcast_in_dim3A_1003 : vector<16xf32>
    %select_n3A_1005 = arith.select %eq3A_1004, %select_n3A_1001, %broadcast_in_dim3A_1003 : vector<16xi1>, vector<16xf32>
    %eq3A_1006 = arith.cmpf oeq, %get3A_841, %max3A_957 : vector<16xf32>
    %select_n3A_1007 = arith.select %eq3A_1006, %select_n3A_1005, %select_n3A_1001 : vector<16xi1>, vector<16xf32>
    %broadcast_in_dim3A_1008 = arith.constant 1.000000e+00 : f32
    %broadcast_in_dim3A_1009 = vector.broadcast %broadcast_in_dim3A_1008 : f32 to vector<16xf32>
    %broadcast_in_dim3A_1010 = arith.constant 0.000000e+00 : f32
    %broadcast_in_dim3A_1011 = vector.broadcast %broadcast_in_dim3A_1010 : f32 to vector<16xf32>
    %broadcast_in_dim3A_1012 = arith.constant 0.000000e+00 : f32
    %broadcast_in_dim3A_1013 = vector.broadcast %broadcast_in_dim3A_1012 : f32 to vector<16xf32>
    %eq3A_1014 = arith.cmpf oeq, %select_n3A_917, %broadcast_in_dim3A_1013 : vector<16xf32>
    %select_n3A_1015 = arith.select %eq3A_1014, %broadcast_in_dim3A_1009, %broadcast_in_dim3A_1011 : vector<16xi1>, vector<16xf32>
    %eq3A_1016 = arith.cmpf oeq, %select_n3A_1007, %broadcast_in_dim3A_1013 : vector<16xf32>
    %select_n3A_1017 = arith.select %eq3A_1016, %broadcast_in_dim3A_1009, %broadcast_in_dim3A_1011 : vector<16xi1>, vector<16xf32>
    %max3A_1018 = arith.maximumf %select_n3A_1015, %select_n3A_1017 : vector<16xf32>
    %swap3A_1019 = arith.constant 0 : i32
    %swap3A_1020 = arith.index_cast %swap3A_1019 : i32 to index
    %swap3A_1021 = arith.constant 48 : index
    %swap3A_1022 = tpu.vector_load %arg5[%swap3A_1020, %swap3A_1021] {strides = array<i32>} : memref<8x128xf32, #tpu.memory_space<vmem>>, vector<1x16xf32>,
    %swap3A_1023 = vector.shape_cast %swap3A_1022 : vector<1x16xf32> to vector<16xf32>
    %swap3A_1024 = vector.shape_cast %max3A_1018 : vector<16xf32> to vector<1x16xf32>
    tpu.vector_store %arg5[%swap3A_1020, %swap3A_1021], %swap3A_1024 {strides = array<i32>} : memref<8x128xf32, #tpu.memory_space<vmem>>, vector<1x16xf32>,
    %broadcast_in_dim3A_1025 = arith.constant 1.000000e+00 : f32
    %broadcast_in_dim3A_1026 = vector.broadcast %broadcast_in_dim3A_1025 : f32 to vector<16xf32>
    %eq3A_1027 = arith.cmpf oeq, %select_n3A_917, %broadcast_in_dim3A_1026 : vector<16xf32>
    %select_n3A_1028 = arith.select %eq3A_1027, %broadcast_in_dim3A_1009, %broadcast_in_dim3A_1011 : vector<16xi1>, vector<16xf32>
    %eq3A_1029 = arith.cmpf oeq, %select_n3A_1007, %broadcast_in_dim3A_1026 : vector<16xf32>
    %select_n3A_1030 = arith.select %eq3A_1029, %broadcast_in_dim3A_1009, %broadcast_in_dim3A_1011 : vector<16xi1>, vector<16xf32>
    %max3A_1031 = arith.maximumf %select_n3A_1028, %select_n3A_1030 : vector<16xf32>
    %swap3A_1032 = arith.constant 1 : i32
    %swap3A_1033 = arith.index_cast %swap3A_1032 : i32 to index
    %swap3A_1034 = arith.constant 48 : index
    %swap3A_1035 = tpu.vector_load %arg5[%swap3A_1033, %swap3A_1034] {strides = array<i32>} : memref<8x128xf32, #tpu.memory_space<vmem>>, vector<1x16xf32>,
    %swap3A_1036 = vector.shape_cast %swap3A_1035 : vector<1x16xf32> to vector<16xf32>
    %swap3A_1037 = vector.shape_cast %max3A_1031 : vector<16xf32> to vector<1x16xf32>
    tpu.vector_store %arg5[%swap3A_1033, %swap3A_1034], %swap3A_1037 {strides = array<i32>} : memref<8x128xf32, #tpu.memory_space<vmem>>, vector<1x16xf32>,
    %broadcast_in_dim3A_1038 = arith.constant 2.000000e+00 : f32
    %broadcast_in_dim3A_1039 = vector.broadcast %broadcast_in_dim3A_1038 : f32 to vector<16xf32>
    %eq3A_1040 = arith.cmpf oeq, %select_n3A_917, %broadcast_in_dim3A_1039 : vector<16xf32>
    %select_n3A_1041 = arith.select %eq3A_1040, %broadcast_in_dim3A_1009, %broadcast_in_dim3A_1011 : vector<16xi1>, vector<16xf32>
    %eq3A_1042 = arith.cmpf oeq, %select_n3A_1007, %broadcast_in_dim3A_1039 : vector<16xf32>
    %select_n3A_1043 = arith.select %eq3A_1042, %broadcast_in_dim3A_1009, %broadcast_in_dim3A_1011 : vector<16xi1>, vector<16xf32>
    %max3A_1044 = arith.maximumf %select_n3A_1041, %select_n3A_1043 : vector<16xf32>
    %swap3A_1045 = arith.constant 2 : i32
    %swap3A_1046 = arith.index_cast %swap3A_1045 : i32 to index
    %swap3A_1047 = arith.constant 48 : index
    %swap3A_1048 = tpu.vector_load %arg5[%swap3A_1046, %swap3A_1047] {strides = array<i32>} : memref<8x128xf32, #tpu.memory_space<vmem>>, vector<1x16xf32>,
    %swap3A_1049 = vector.shape_cast %swap3A_1048 : vector<1x16xf32> to vector<16xf32>
    %swap3A_1050 = vector.shape_cast %max3A_1044 : vector<16xf32> to vector<1x16xf32>
    tpu.vector_store %arg5[%swap3A_1046, %swap3A_1047], %swap3A_1050 {strides = array<i32>} : memref<8x128xf32, #tpu.memory_space<vmem>>, vector<1x16xf32>,
    %broadcast_in_dim3A_1051 = arith.constant 3.000000e+00 : f32
    %broadcast_in_dim3A_1052 = vector.broadcast %broadcast_in_dim3A_1051 : f32 to vector<16xf32>
    %eq3A_1053 = arith.cmpf oeq, %select_n3A_917, %broadcast_in_dim3A_1052 : vector<16xf32>
    %select_n3A_1054 = arith.select %eq3A_1053, %broadcast_in_dim3A_1009, %broadcast_in_dim3A_1011 : vector<16xi1>, vector<16xf32>
    %eq3A_1055 = arith.cmpf oeq, %select_n3A_1007, %broadcast_in_dim3A_1052 : vector<16xf32>
    %select_n3A_1056 = arith.select %eq3A_1055, %broadcast_in_dim3A_1009, %broadcast_in_dim3A_1011 : vector<16xi1>, vector<16xf32>
    %max3A_1057 = arith.maximumf %select_n3A_1054, %select_n3A_1056 : vector<16xf32>
    %swap3A_1058 = arith.constant 3 : i32
    %swap3A_1059 = arith.index_cast %swap3A_1058 : i32 to index
    %swap3A_1060 = arith.constant 48 : index
    %swap3A_1061 = tpu.vector_load %arg5[%swap3A_1059, %swap3A_1060] {strides = array<i32>} : memref<8x128xf32, #tpu.memory_space<vmem>>, vector<1x16xf32>,
    %swap3A_1062 = vector.shape_cast %swap3A_1061 : vector<1x16xf32> to vector<16xf32>
    %swap3A_1063 = vector.shape_cast %max3A_1057 : vector<16xf32> to vector<1x16xf32>
    tpu.vector_store %arg5[%swap3A_1059, %swap3A_1060], %swap3A_1063 {strides = array<i32>} : memref<8x128xf32, #tpu.memory_space<vmem>>, vector<1x16xf32>,
    %broadcast_in_dim3A_1064 = arith.constant 4.000000e+00 : f32
    %broadcast_in_dim3A_1065 = vector.broadcast %broadcast_in_dim3A_1064 : f32 to vector<16xf32>
    %eq3A_1066 = arith.cmpf oeq, %select_n3A_917, %broadcast_in_dim3A_1065 : vector<16xf32>
    %select_n3A_1067 = arith.select %eq3A_1066, %broadcast_in_dim3A_1009, %broadcast_in_dim3A_1011 : vector<16xi1>, vector<16xf32>
    %eq3A_1068 = arith.cmpf oeq, %select_n3A_1007, %broadcast_in_dim3A_1065 : vector<16xf32>
    %select_n3A_1069 = arith.select %eq3A_1068, %broadcast_in_dim3A_1009, %broadcast_in_dim3A_1011 : vector<16xi1>, vector<16xf32>
    %max3A_1070 = arith.maximumf %select_n3A_1067, %select_n3A_1069 : vector<16xf32>
    %swap3A_1071 = arith.constant 4 : i32
    %swap3A_1072 = arith.index_cast %swap3A_1071 : i32 to index
    %swap3A_1073 = arith.constant 48 : index
    %swap3A_1074 = tpu.vector_load %arg5[%swap3A_1072, %swap3A_1073] {strides = array<i32>} : memref<8x128xf32, #tpu.memory_space<vmem>>, vector<1x16xf32>,
    %swap3A_1075 = vector.shape_cast %swap3A_1074 : vector<1x16xf32> to vector<16xf32>
    %swap3A_1076 = vector.shape_cast %max3A_1070 : vector<16xf32> to vector<1x16xf32>
    tpu.vector_store %arg5[%swap3A_1072, %swap3A_1073], %swap3A_1076 {strides = array<i32>} : memref<8x128xf32, #tpu.memory_space<vmem>>, vector<1x16xf32>,
    %broadcast_in_dim3A_1077 = arith.constant 5.000000e+00 : f32
    %broadcast_in_dim3A_1078 = vector.broadcast %broadcast_in_dim3A_1077 : f32 to vector<16xf32>
    %eq3A_1079 = arith.cmpf oeq, %select_n3A_917, %broadcast_in_dim3A_1078 : vector<16xf32>
    %select_n3A_1080 = arith.select %eq3A_1079, %broadcast_in_dim3A_1009, %broadcast_in_dim3A_1011 : vector<16xi1>, vector<16xf32>
    %eq3A_1081 = arith.cmpf oeq, %select_n3A_1007, %broadcast_in_dim3A_1078 : vector<16xf32>
    %select_n3A_1082 = arith.select %eq3A_1081, %broadcast_in_dim3A_1009, %broadcast_in_dim3A_1011 : vector<16xi1>, vector<16xf32>
    %max3A_1083 = arith.maximumf %select_n3A_1080, %select_n3A_1082 : vector<16xf32>
    %swap3A_1084 = arith.constant 5 : i32
    %swap3A_1085 = arith.index_cast %swap3A_1084 : i32 to index
    %swap3A_1086 = arith.constant 48 : index
    %swap3A_1087 = tpu.vector_load %arg5[%swap3A_1085, %swap3A_1086] {strides = array<i32>} : memref<8x128xf32, #tpu.memory_space<vmem>>, vector<1x16xf32>,
    %swap3A_1088 = vector.shape_cast %swap3A_1087 : vector<1x16xf32> to vector<16xf32>
    %swap3A_1089 = vector.shape_cast %max3A_1083 : vector<16xf32> to vector<1x16xf32>
    tpu.vector_store %arg5[%swap3A_1085, %swap3A_1086], %swap3A_1089 {strides = array<i32>} : memref<8x128xf32, #tpu.memory_space<vmem>>, vector<1x16xf32>,
    %broadcast_in_dim3A_1090 = arith.constant 6.000000e+00 : f32
    %broadcast_in_dim3A_1091 = vector.broadcast %broadcast_in_dim3A_1090 : f32 to vector<16xf32>
    %eq3A_1092 = arith.cmpf oeq, %select_n3A_917, %broadcast_in_dim3A_1091 : vector<16xf32>
    %select_n3A_1093 = arith.select %eq3A_1092, %broadcast_in_dim3A_1009, %broadcast_in_dim3A_1011 : vector<16xi1>, vector<16xf32>
    %eq3A_1094 = arith.cmpf oeq, %select_n3A_1007, %broadcast_in_dim3A_1091 : vector<16xf32>
    %select_n3A_1095 = arith.select %eq3A_1094, %broadcast_in_dim3A_1009, %broadcast_in_dim3A_1011 : vector<16xi1>, vector<16xf32>
    %max3A_1096 = arith.maximumf %select_n3A_1093, %select_n3A_1095 : vector<16xf32>
    %swap3A_1097 = arith.constant 6 : i32
    %swap3A_1098 = arith.index_cast %swap3A_1097 : i32 to index
    %swap3A_1099 = arith.constant 48 : index
    %swap3A_1100 = tpu.vector_load %arg5[%swap3A_1098, %swap3A_1099] {strides = array<i32>} : memref<8x128xf32, #tpu.memory_space<vmem>>, vector<1x16xf32>,
    %swap3A_1101 = vector.shape_cast %swap3A_1100 : vector<1x16xf32> to vector<16xf32>
    %swap3A_1102 = vector.shape_cast %max3A_1096 : vector<16xf32> to vector<1x16xf32>
    tpu.vector_store %arg5[%swap3A_1098, %swap3A_1099], %swap3A_1102 {strides = array<i32>} : memref<8x128xf32, #tpu.memory_space<vmem>>, vector<1x16xf32>,
    %broadcast_in_dim3A_1103 = arith.constant 7.000000e+00 : f32
    %broadcast_in_dim3A_1104 = vector.broadcast %broadcast_in_dim3A_1103 : f32 to vector<16xf32>
    %eq3A_1105 = arith.cmpf oeq, %select_n3A_917, %broadcast_in_dim3A_1104 : vector<16xf32>
    %select_n3A_1106 = arith.select %eq3A_1105, %broadcast_in_dim3A_1009, %broadcast_in_dim3A_1011 : vector<16xi1>, vector<16xf32>
    %eq3A_1107 = arith.cmpf oeq, %select_n3A_1007, %broadcast_in_dim3A_1104 : vector<16xf32>
    %select_n3A_1108 = arith.select %eq3A_1107, %broadcast_in_dim3A_1009, %broadcast_in_dim3A_1011 : vector<16xi1>, vector<16xf32>
    %max3A_1109 = arith.maximumf %select_n3A_1106, %select_n3A_1108 : vector<16xf32>
    %swap3A_1110 = arith.constant 7 : i32
    %swap3A_1111 = arith.index_cast %swap3A_1110 : i32 to index
    %swap3A_1112 = arith.constant 48 : index
    %swap3A_1113 = tpu.vector_load %arg5[%swap3A_1111, %swap3A_1112] {strides = array<i32>} : memref<8x128xf32, #tpu.memory_space<vmem>>, vector<1x16xf32>,
    %swap3A_1114 = vector.shape_cast %swap3A_1113 : vector<1x16xf32> to vector<16xf32>
    %swap3A_1115 = vector.shape_cast %max3A_1109 : vector<16xf32> to vector<1x16xf32>
    tpu.vector_store %arg5[%swap3A_1111, %swap3A_1112], %swap3A_1115 {strides = array<i32>} : memref<8x128xf32, #tpu.memory_space<vmem>>, vector<1x16xf32>,
    %get3A_1116 = arith.constant 0 : i32
    %get3A_1117 = arith.index_cast %get3A_1116 : i32 to index
    %get3A_1118 = arith.constant 64 : index
    %get3A_1119 = tpu.vector_load %arg4[%get3A_1117, %get3A_1118] {strides = array<i32>} : memref<8x128xf32, #tpu.memory_space<vmem>>, vector<1x16xf32>,
    %get3A_1120 = vector.shape_cast %get3A_1119 : vector<1x16xf32> to vector<16xf32>
    %get3A_1121 = arith.constant 1 : i32
    %get3A_1122 = arith.index_cast %get3A_1121 : i32 to index
    %get3A_1123 = arith.constant 64 : index
    %get3A_1124 = tpu.vector_load %arg4[%get3A_1122, %get3A_1123] {strides = array<i32>} : memref<8x128xf32, #tpu.memory_space<vmem>>, vector<1x16xf32>,
    %get3A_1125 = vector.shape_cast %get3A_1124 : vector<1x16xf32> to vector<16xf32>
    %get3A_1126 = arith.constant 2 : i32
    %get3A_1127 = arith.index_cast %get3A_1126 : i32 to index
    %get3A_1128 = arith.constant 64 : index
    %get3A_1129 = tpu.vector_load %arg4[%get3A_1127, %get3A_1128] {strides = array<i32>} : memref<8x128xf32, #tpu.memory_space<vmem>>, vector<1x16xf32>,
    %get3A_1130 = vector.shape_cast %get3A_1129 : vector<1x16xf32> to vector<16xf32>
    %get3A_1131 = arith.constant 3 : i32
    %get3A_1132 = arith.index_cast %get3A_1131 : i32 to index
    %get3A_1133 = arith.constant 64 : index
    %get3A_1134 = tpu.vector_load %arg4[%get3A_1132, %get3A_1133] {strides = array<i32>} : memref<8x128xf32, #tpu.memory_space<vmem>>, vector<1x16xf32>,
    %get3A_1135 = vector.shape_cast %get3A_1134 : vector<1x16xf32> to vector<16xf32>
    %get3A_1136 = arith.constant 4 : i32
    %get3A_1137 = arith.index_cast %get3A_1136 : i32 to index
    %get3A_1138 = arith.constant 64 : index
    %get3A_1139 = tpu.vector_load %arg4[%get3A_1137, %get3A_1138] {strides = array<i32>} : memref<8x128xf32, #tpu.memory_space<vmem>>, vector<1x16xf32>,
    %get3A_1140 = vector.shape_cast %get3A_1139 : vector<1x16xf32> to vector<16xf32>
    %get3A_1141 = arith.constant 5 : i32
    %get3A_1142 = arith.index_cast %get3A_1141 : i32 to index
    %get3A_1143 = arith.constant 64 : index
    %get3A_1144 = tpu.vector_load %arg4[%get3A_1142, %get3A_1143] {strides = array<i32>} : memref<8x128xf32, #tpu.memory_space<vmem>>, vector<1x16xf32>,
    %get3A_1145 = vector.shape_cast %get3A_1144 : vector<1x16xf32> to vector<16xf32>
    %get3A_1146 = arith.constant 6 : i32
    %get3A_1147 = arith.index_cast %get3A_1146 : i32 to index
    %get3A_1148 = arith.constant 64 : index
    %get3A_1149 = tpu.vector_load %arg4[%get3A_1147, %get3A_1148] {strides = array<i32>} : memref<8x128xf32, #tpu.memory_space<vmem>>, vector<1x16xf32>,
    %get3A_1150 = vector.shape_cast %get3A_1149 : vector<1x16xf32> to vector<16xf32>
    %get3A_1151 = arith.constant 7 : i32
    %get3A_1152 = arith.index_cast %get3A_1151 : i32 to index
    %get3A_1153 = arith.constant 64 : index
    %get3A_1154 = tpu.vector_load %arg4[%get3A_1152, %get3A_1153] {strides = array<i32>} : memref<8x128xf32, #tpu.memory_space<vmem>>, vector<1x16xf32>,
    %get3A_1155 = vector.shape_cast %get3A_1154 : vector<1x16xf32> to vector<16xf32>
    %max3A_1156 = arith.maximumf %get3A_1120, %get3A_1125 : vector<16xf32>
    %max3A_1157 = arith.maximumf %max3A_1156, %get3A_1130 : vector<16xf32>
    %max3A_1158 = arith.maximumf %max3A_1157, %get3A_1135 : vector<16xf32>
    %max3A_1159 = arith.maximumf %max3A_1158, %get3A_1140 : vector<16xf32>
    %max3A_1160 = arith.maximumf %max3A_1159, %get3A_1145 : vector<16xf32>
    %max3A_1161 = arith.maximumf %max3A_1160, %get3A_1150 : vector<16xf32>
    %max3A_1162 = arith.maximumf %max3A_1161, %get3A_1155 : vector<16xf32>
    %broadcast_in_dim3A_1163 = arith.constant 8.000000e+00 : f32
    %broadcast_in_dim3A_1164 = vector.broadcast %broadcast_in_dim3A_1163 : f32 to vector<16xf32>
    %broadcast_in_dim3A_1165 = arith.constant 7.000000e+00 : f32
    %broadcast_in_dim3A_1166 = vector.broadcast %broadcast_in_dim3A_1165 : f32 to vector<16xf32>
    %eq3A_1167 = arith.cmpf oeq, %get3A_1155, %max3A_1162 : vector<16xf32>
    %select_n3A_1168 = arith.select %eq3A_1167, %broadcast_in_dim3A_1166, %broadcast_in_dim3A_1164 : vector<16xi1>, vector<16xf32>
    %broadcast_in_dim3A_1169 = arith.constant 6.000000e+00 : f32
    %broadcast_in_dim3A_1170 = vector.broadcast %broadcast_in_dim3A_1169 : f32 to vector<16xf32>
    %eq3A_1171 = arith.cmpf oeq, %get3A_1150, %max3A_1162 : vector<16xf32>
    %select_n3A_1172 = arith.select %eq3A_1171, %broadcast_in_dim3A_1170, %select_n3A_1168 : vector<16xi1>, vector<16xf32>
    %broadcast_in_dim3A_1173 = arith.constant 5.000000e+00 : f32
    %broadcast_in_dim3A_1174 = vector.broadcast %broadcast_in_dim3A_1173 : f32 to vector<16xf32>
    %eq3A_1175 = arith.cmpf oeq, %get3A_1145, %max3A_1162 : vector<16xf32>
    %select_n3A_1176 = arith.select %eq3A_1175, %broadcast_in_dim3A_1174, %select_n3A_1172 : vector<16xi1>, vector<16xf32>
    %broadcast_in_dim3A_1177 = arith.constant 4.000000e+00 : f32
    %broadcast_in_dim3A_1178 = vector.broadcast %broadcast_in_dim3A_1177 : f32 to vector<16xf32>
    %eq3A_1179 = arith.cmpf oeq, %get3A_1140, %max3A_1162 : vector<16xf32>
    %select_n3A_1180 = arith.select %eq3A_1179, %broadcast_in_dim3A_1178, %select_n3A_1176 : vector<16xi1>, vector<16xf32>
    %broadcast_in_dim3A_1181 = arith.constant 3.000000e+00 : f32
    %broadcast_in_dim3A_1182 = vector.broadcast %broadcast_in_dim3A_1181 : f32 to vector<16xf32>
    %eq3A_1183 = arith.cmpf oeq, %get3A_1135, %max3A_1162 : vector<16xf32>
    %select_n3A_1184 = arith.select %eq3A_1183, %broadcast_in_dim3A_1182, %select_n3A_1180 : vector<16xi1>, vector<16xf32>
    %broadcast_in_dim3A_1185 = arith.constant 2.000000e+00 : f32
    %broadcast_in_dim3A_1186 = vector.broadcast %broadcast_in_dim3A_1185 : f32 to vector<16xf32>
    %eq3A_1187 = arith.cmpf oeq, %get3A_1130, %max3A_1162 : vector<16xf32>
    %select_n3A_1188 = arith.select %eq3A_1187, %broadcast_in_dim3A_1186, %select_n3A_1184 : vector<16xi1>, vector<16xf32>
    %broadcast_in_dim3A_1189 = arith.constant 1.000000e+00 : f32
    %broadcast_in_dim3A_1190 = vector.broadcast %broadcast_in_dim3A_1189 : f32 to vector<16xf32>
    %eq3A_1191 = arith.cmpf oeq, %get3A_1125, %max3A_1162 : vector<16xf32>
    %select_n3A_1192 = arith.select %eq3A_1191, %broadcast_in_dim3A_1190, %select_n3A_1188 : vector<16xi1>, vector<16xf32>
    %broadcast_in_dim3A_1193 = arith.constant 0.000000e+00 : f32
    %broadcast_in_dim3A_1194 = vector.broadcast %broadcast_in_dim3A_1193 : f32 to vector<16xf32>
    %eq3A_1195 = arith.cmpf oeq, %get3A_1120, %max3A_1162 : vector<16xf32>
    %select_n3A_1196 = arith.select %eq3A_1195, %broadcast_in_dim3A_1194, %select_n3A_1192 : vector<16xi1>, vector<16xf32>
    %broadcast_in_dim3A_1197 = arith.constant 0.000000e+00 : f32
    %broadcast_in_dim3A_1198 = vector.broadcast %broadcast_in_dim3A_1197 : f32 to vector<16xf32>
    %eq3A_1199 = arith.cmpf oeq, %select_n3A_1196, %broadcast_in_dim3A_1198 : vector<16xf32>
    %select_n3A_1200 = arith.select %eq3A_1199, %broadcast_in_dim3A_4, %get3A_1120 : vector<16xi1>, vector<16xf32>
    %max3A_1201 = arith.maximumf %broadcast_in_dim3A_4, %select_n3A_1200 : vector<16xf32>
    %broadcast_in_dim3A_1202 = arith.constant 1.000000e+00 : f32
    %broadcast_in_dim3A_1203 = vector.broadcast %broadcast_in_dim3A_1202 : f32 to vector<16xf32>
    %eq3A_1204 = arith.cmpf oeq, %select_n3A_1196, %broadcast_in_dim3A_1203 : vector<16xf32>
    %select_n3A_1205 = arith.select %eq3A_1204, %broadcast_in_dim3A_4, %get3A_1125 : vector<16xi1>, vector<16xf32>
    %max3A_1206 = arith.maximumf %max3A_1201, %select_n3A_1205 : vector<16xf32>
    %broadcast_in_dim3A_1207 = arith.constant 2.000000e+00 : f32
    %broadcast_in_dim3A_1208 = vector.broadcast %broadcast_in_dim3A_1207 : f32 to vector<16xf32>
    %eq3A_1209 = arith.cmpf oeq, %select_n3A_1196, %broadcast_in_dim3A_1208 : vector<16xf32>
    %select_n3A_1210 = arith.select %eq3A_1209, %broadcast_in_dim3A_4, %get3A_1130 : vector<16xi1>, vector<16xf32>
    %max3A_1211 = arith.maximumf %max3A_1206, %select_n3A_1210 : vector<16xf32>
    %broadcast_in_dim3A_1212 = arith.constant 3.000000e+00 : f32
    %broadcast_in_dim3A_1213 = vector.broadcast %broadcast_in_dim3A_1212 : f32 to vector<16xf32>
    %eq3A_1214 = arith.cmpf oeq, %select_n3A_1196, %broadcast_in_dim3A_1213 : vector<16xf32>
    %select_n3A_1215 = arith.select %eq3A_1214, %broadcast_in_dim3A_4, %get3A_1135 : vector<16xi1>, vector<16xf32>
    %max3A_1216 = arith.maximumf %max3A_1211, %select_n3A_1215 : vector<16xf32>
    %broadcast_in_dim3A_1217 = arith.constant 4.000000e+00 : f32
    %broadcast_in_dim3A_1218 = vector.broadcast %broadcast_in_dim3A_1217 : f32 to vector<16xf32>
    %eq3A_1219 = arith.cmpf oeq, %select_n3A_1196, %broadcast_in_dim3A_1218 : vector<16xf32>
    %select_n3A_1220 = arith.select %eq3A_1219, %broadcast_in_dim3A_4, %get3A_1140 : vector<16xi1>, vector<16xf32>
    %max3A_1221 = arith.maximumf %max3A_1216, %select_n3A_1220 : vector<16xf32>
    %broadcast_in_dim3A_1222 = arith.constant 5.000000e+00 : f32
    %broadcast_in_dim3A_1223 = vector.broadcast %broadcast_in_dim3A_1222 : f32 to vector<16xf32>
    %eq3A_1224 = arith.cmpf oeq, %select_n3A_1196, %broadcast_in_dim3A_1223 : vector<16xf32>
    %select_n3A_1225 = arith.select %eq3A_1224, %broadcast_in_dim3A_4, %get3A_1145 : vector<16xi1>, vector<16xf32>
    %max3A_1226 = arith.maximumf %max3A_1221, %select_n3A_1225 : vector<16xf32>
    %broadcast_in_dim3A_1227 = arith.constant 6.000000e+00 : f32
    %broadcast_in_dim3A_1228 = vector.broadcast %broadcast_in_dim3A_1227 : f32 to vector<16xf32>
    %eq3A_1229 = arith.cmpf oeq, %select_n3A_1196, %broadcast_in_dim3A_1228 : vector<16xf32>
    %select_n3A_1230 = arith.select %eq3A_1229, %broadcast_in_dim3A_4, %get3A_1150 : vector<16xi1>, vector<16xf32>
    %max3A_1231 = arith.maximumf %max3A_1226, %select_n3A_1230 : vector<16xf32>
    %broadcast_in_dim3A_1232 = arith.constant 7.000000e+00 : f32
    %broadcast_in_dim3A_1233 = vector.broadcast %broadcast_in_dim3A_1232 : f32 to vector<16xf32>
    %eq3A_1234 = arith.cmpf oeq, %select_n3A_1196, %broadcast_in_dim3A_1233 : vector<16xf32>
    %select_n3A_1235 = arith.select %eq3A_1234, %broadcast_in_dim3A_4, %get3A_1155 : vector<16xi1>, vector<16xf32>
    %max3A_1236 = arith.maximumf %max3A_1231, %select_n3A_1235 : vector<16xf32>
    %broadcast_in_dim3A_1237 = arith.constant 8.000000e+00 : f32
    %broadcast_in_dim3A_1238 = vector.broadcast %broadcast_in_dim3A_1237 : f32 to vector<16xf32>
    %broadcast_in_dim3A_1239 = arith.constant 7.000000e+00 : f32
    %broadcast_in_dim3A_1240 = vector.broadcast %broadcast_in_dim3A_1239 : f32 to vector<16xf32>
    %eq3A_1241 = arith.cmpf oeq, %select_n3A_1196, %broadcast_in_dim3A_1240 : vector<16xf32>
    %select_n3A_1242 = arith.select %eq3A_1241, %broadcast_in_dim3A_1238, %broadcast_in_dim3A_1240 : vector<16xi1>, vector<16xf32>
    %eq3A_1243 = arith.cmpf oeq, %get3A_1155, %max3A_1236 : vector<16xf32>
    %select_n3A_1244 = arith.select %eq3A_1243, %select_n3A_1242, %broadcast_in_dim3A_1238 : vector<16xi1>, vector<16xf32>
    %broadcast_in_dim3A_1245 = arith.constant 6.000000e+00 : f32
    %broadcast_in_dim3A_1246 = vector.broadcast %broadcast_in_dim3A_1245 : f32 to vector<16xf32>
    %eq3A_1247 = arith.cmpf oeq, %select_n3A_1196, %broadcast_in_dim3A_1246 : vector<16xf32>
    %select_n3A_1248 = arith.select %eq3A_1247, %select_n3A_1244, %broadcast_in_dim3A_1246 : vector<16xi1>, vector<16xf32>
    %eq3A_1249 = arith.cmpf oeq, %get3A_1150, %max3A_1236 : vector<16xf32>
    %select_n3A_1250 = arith.select %eq3A_1249, %select_n3A_1248, %select_n3A_1244 : vector<16xi1>, vector<16xf32>
    %broadcast_in_dim3A_1251 = arith.constant 5.000000e+00 : f32
    %broadcast_in_dim3A_1252 = vector.broadcast %broadcast_in_dim3A_1251 : f32 to vector<16xf32>
    %eq3A_1253 = arith.cmpf oeq, %select_n3A_1196, %broadcast_in_dim3A_1252 : vector<16xf32>
    %select_n3A_1254 = arith.select %eq3A_1253, %select_n3A_1250, %broadcast_in_dim3A_1252 : vector<16xi1>, vector<16xf32>
    %eq3A_1255 = arith.cmpf oeq, %get3A_1145, %max3A_1236 : vector<16xf32>
    %select_n3A_1256 = arith.select %eq3A_1255, %select_n3A_1254, %select_n3A_1250 : vector<16xi1>, vector<16xf32>
    %broadcast_in_dim3A_1257 = arith.constant 4.000000e+00 : f32
    %broadcast_in_dim3A_1258 = vector.broadcast %broadcast_in_dim3A_1257 : f32 to vector<16xf32>
    %eq3A_1259 = arith.cmpf oeq, %select_n3A_1196, %broadcast_in_dim3A_1258 : vector<16xf32>
    %select_n3A_1260 = arith.select %eq3A_1259, %select_n3A_1256, %broadcast_in_dim3A_1258 : vector<16xi1>, vector<16xf32>
    %eq3A_1261 = arith.cmpf oeq, %get3A_1140, %max3A_1236 : vector<16xf32>
    %select_n3A_1262 = arith.select %eq3A_1261, %select_n3A_1260, %select_n3A_1256 : vector<16xi1>, vector<16xf32>
    %broadcast_in_dim3A_1263 = arith.constant 3.000000e+00 : f32
    %broadcast_in_dim3A_1264 = vector.broadcast %broadcast_in_dim3A_1263 : f32 to vector<16xf32>
    %eq3A_1265 = arith.cmpf oeq, %select_n3A_1196, %broadcast_in_dim3A_1264 : vector<16xf32>
    %select_n3A_1266 = arith.select %eq3A_1265, %select_n3A_1262, %broadcast_in_dim3A_1264 : vector<16xi1>, vector<16xf32>
    %eq3A_1267 = arith.cmpf oeq, %get3A_1135, %max3A_1236 : vector<16xf32>
    %select_n3A_1268 = arith.select %eq3A_1267, %select_n3A_1266, %select_n3A_1262 : vector<16xi1>, vector<16xf32>
    %broadcast_in_dim3A_1269 = arith.constant 2.000000e+00 : f32
    %broadcast_in_dim3A_1270 = vector.broadcast %broadcast_in_dim3A_1269 : f32 to vector<16xf32>
    %eq3A_1271 = arith.cmpf oeq, %select_n3A_1196, %broadcast_in_dim3A_1270 : vector<16xf32>
    %select_n3A_1272 = arith.select %eq3A_1271, %select_n3A_1268, %broadcast_in_dim3A_1270 : vector<16xi1>, vector<16xf32>
    %eq3A_1273 = arith.cmpf oeq, %get3A_1130, %max3A_1236 : vector<16xf32>
    %select_n3A_1274 = arith.select %eq3A_1273, %select_n3A_1272, %select_n3A_1268 : vector<16xi1>, vector<16xf32>
    %broadcast_in_dim3A_1275 = arith.constant 1.000000e+00 : f32
    %broadcast_in_dim3A_1276 = vector.broadcast %broadcast_in_dim3A_1275 : f32 to vector<16xf32>
    %eq3A_1277 = arith.cmpf oeq, %select_n3A_1196, %broadcast_in_dim3A_1276 : vector<16xf32>
    %select_n3A_1278 = arith.select %eq3A_1277, %select_n3A_1274, %broadcast_in_dim3A_1276 : vector<16xi1>, vector<16xf32>
    %eq3A_1279 = arith.cmpf oeq, %get3A_1125, %max3A_1236 : vector<16xf32>
    %select_n3A_1280 = arith.select %eq3A_1279, %select_n3A_1278, %select_n3A_1274 : vector<16xi1>, vector<16xf32>
    %broadcast_in_dim3A_1281 = arith.constant 0.000000e+00 : f32
    %broadcast_in_dim3A_1282 = vector.broadcast %broadcast_in_dim3A_1281 : f32 to vector<16xf32>
    %eq3A_1283 = arith.cmpf oeq, %select_n3A_1196, %broadcast_in_dim3A_1282 : vector<16xf32>
    %select_n3A_1284 = arith.select %eq3A_1283, %select_n3A_1280, %broadcast_in_dim3A_1282 : vector<16xi1>, vector<16xf32>
    %eq3A_1285 = arith.cmpf oeq, %get3A_1120, %max3A_1236 : vector<16xf32>
    %select_n3A_1286 = arith.select %eq3A_1285, %select_n3A_1284, %select_n3A_1280 : vector<16xi1>, vector<16xf32>
    %broadcast_in_dim3A_1287 = arith.constant 1.000000e+00 : f32
    %broadcast_in_dim3A_1288 = vector.broadcast %broadcast_in_dim3A_1287 : f32 to vector<16xf32>
    %broadcast_in_dim3A_1289 = arith.constant 0.000000e+00 : f32
    %broadcast_in_dim3A_1290 = vector.broadcast %broadcast_in_dim3A_1289 : f32 to vector<16xf32>
    %broadcast_in_dim3A_1291 = arith.constant 0.000000e+00 : f32
    %broadcast_in_dim3A_1292 = vector.broadcast %broadcast_in_dim3A_1291 : f32 to vector<16xf32>
    %eq3A_1293 = arith.cmpf oeq, %select_n3A_1196, %broadcast_in_dim3A_1292 : vector<16xf32>
    %select_n3A_1294 = arith.select %eq3A_1293, %broadcast_in_dim3A_1288, %broadcast_in_dim3A_1290 : vector<16xi1>, vector<16xf32>
    %eq3A_1295 = arith.cmpf oeq, %select_n3A_1286, %broadcast_in_dim3A_1292 : vector<16xf32>
    %select_n3A_1296 = arith.select %eq3A_1295, %broadcast_in_dim3A_1288, %broadcast_in_dim3A_1290 : vector<16xi1>, vector<16xf32>
    %max3A_1297 = arith.maximumf %select_n3A_1294, %select_n3A_1296 : vector<16xf32>
    %swap3A_1298 = arith.constant 0 : i32
    %swap3A_1299 = arith.index_cast %swap3A_1298 : i32 to index
    %swap3A_1300 = arith.constant 64 : index
    %swap3A_1301 = tpu.vector_load %arg5[%swap3A_1299, %swap3A_1300] {strides = array<i32>} : memref<8x128xf32, #tpu.memory_space<vmem>>, vector<1x16xf32>,
    %swap3A_1302 = vector.shape_cast %swap3A_1301 : vector<1x16xf32> to vector<16xf32>
    %swap3A_1303 = vector.shape_cast %max3A_1297 : vector<16xf32> to vector<1x16xf32>
    tpu.vector_store %arg5[%swap3A_1299, %swap3A_1300], %swap3A_1303 {strides = array<i32>} : memref<8x128xf32, #tpu.memory_space<vmem>>, vector<1x16xf32>,
    %broadcast_in_dim3A_1304 = arith.constant 1.000000e+00 : f32
    %broadcast_in_dim3A_1305 = vector.broadcast %broadcast_in_dim3A_1304 : f32 to vector<16xf32>
    %eq3A_1306 = arith.cmpf oeq, %select_n3A_1196, %broadcast_in_dim3A_1305 : vector<16xf32>
    %select_n3A_1307 = arith.select %eq3A_1306, %broadcast_in_dim3A_1288, %broadcast_in_dim3A_1290 : vector<16xi1>, vector<16xf32>
    %eq3A_1308 = arith.cmpf oeq, %select_n3A_1286, %broadcast_in_dim3A_1305 : vector<16xf32>
    %select_n3A_1309 = arith.select %eq3A_1308, %broadcast_in_dim3A_1288, %broadcast_in_dim3A_1290 : vector<16xi1>, vector<16xf32>
    %max3A_1310 = arith.maximumf %select_n3A_1307, %select_n3A_1309 : vector<16xf32>
    %swap3A_1311 = arith.constant 1 : i32
    %swap3A_1312 = arith.index_cast %swap3A_1311 : i32 to index
    %swap3A_1313 = arith.constant 64 : index
    %swap3A_1314 = tpu.vector_load %arg5[%swap3A_1312, %swap3A_1313] {strides = array<i32>} : memref<8x128xf32, #tpu.memory_space<vmem>>, vector<1x16xf32>,
    %swap3A_1315 = vector.shape_cast %swap3A_1314 : vector<1x16xf32> to vector<16xf32>
    %swap3A_1316 = vector.shape_cast %max3A_1310 : vector<16xf32> to vector<1x16xf32>
    tpu.vector_store %arg5[%swap3A_1312, %swap3A_1313], %swap3A_1316 {strides = array<i32>} : memref<8x128xf32, #tpu.memory_space<vmem>>, vector<1x16xf32>,
    %broadcast_in_dim3A_1317 = arith.constant 2.000000e+00 : f32
    %broadcast_in_dim3A_1318 = vector.broadcast %broadcast_in_dim3A_1317 : f32 to vector<16xf32>
    %eq3A_1319 = arith.cmpf oeq, %select_n3A_1196, %broadcast_in_dim3A_1318 : vector<16xf32>
    %select_n3A_1320 = arith.select %eq3A_1319, %broadcast_in_dim3A_1288, %broadcast_in_dim3A_1290 : vector<16xi1>, vector<16xf32>
    %eq3A_1321 = arith.cmpf oeq, %select_n3A_1286, %broadcast_in_dim3A_1318 : vector<16xf32>
    %select_n3A_1322 = arith.select %eq3A_1321, %broadcast_in_dim3A_1288, %broadcast_in_dim3A_1290 : vector<16xi1>, vector<16xf32>
    %max3A_1323 = arith.maximumf %select_n3A_1320, %select_n3A_1322 : vector<16xf32>
    %swap3A_1324 = arith.constant 2 : i32
    %swap3A_1325 = arith.index_cast %swap3A_1324 : i32 to index
    %swap3A_1326 = arith.constant 64 : index
    %swap3A_1327 = tpu.vector_load %arg5[%swap3A_1325, %swap3A_1326] {strides = array<i32>} : memref<8x128xf32, #tpu.memory_space<vmem>>, vector<1x16xf32>,
    %swap3A_1328 = vector.shape_cast %swap3A_1327 : vector<1x16xf32> to vector<16xf32>
    %swap3A_1329 = vector.shape_cast %max3A_1323 : vector<16xf32> to vector<1x16xf32>
    tpu.vector_store %arg5[%swap3A_1325, %swap3A_1326], %swap3A_1329 {strides = array<i32>} : memref<8x128xf32, #tpu.memory_space<vmem>>, vector<1x16xf32>,
    %broadcast_in_dim3A_1330 = arith.constant 3.000000e+00 : f32
    %broadcast_in_dim3A_1331 = vector.broadcast %broadcast_in_dim3A_1330 : f32 to vector<16xf32>
    %eq3A_1332 = arith.cmpf oeq, %select_n3A_1196, %broadcast_in_dim3A_1331 : vector<16xf32>
    %select_n3A_1333 = arith.select %eq3A_1332, %broadcast_in_dim3A_1288, %broadcast_in_dim3A_1290 : vector<16xi1>, vector<16xf32>
    %eq3A_1334 = arith.cmpf oeq, %select_n3A_1286, %broadcast_in_dim3A_1331 : vector<16xf32>
    %select_n3A_1335 = arith.select %eq3A_1334, %broadcast_in_dim3A_1288, %broadcast_in_dim3A_1290 : vector<16xi1>, vector<16xf32>
    %max3A_1336 = arith.maximumf %select_n3A_1333, %select_n3A_1335 : vector<16xf32>
    %swap3A_1337 = arith.constant 3 : i32
    %swap3A_1338 = arith.index_cast %swap3A_1337 : i32 to index
    %swap3A_1339 = arith.constant 64 : index
    %swap3A_1340 = tpu.vector_load %arg5[%swap3A_1338, %swap3A_1339] {strides = array<i32>} : memref<8x128xf32, #tpu.memory_space<vmem>>, vector<1x16xf32>,
    %swap3A_1341 = vector.shape_cast %swap3A_1340 : vector<1x16xf32> to vector<16xf32>
    %swap3A_1342 = vector.shape_cast %max3A_1336 : vector<16xf32> to vector<1x16xf32>
    tpu.vector_store %arg5[%swap3A_1338, %swap3A_1339], %swap3A_1342 {strides = array<i32>} : memref<8x128xf32, #tpu.memory_space<vmem>>, vector<1x16xf32>,
    %broadcast_in_dim3A_1343 = arith.constant 4.000000e+00 : f32
    %broadcast_in_dim3A_1344 = vector.broadcast %broadcast_in_dim3A_1343 : f32 to vector<16xf32>
    %eq3A_1345 = arith.cmpf oeq, %select_n3A_1196, %broadcast_in_dim3A_1344 : vector<16xf32>
    %select_n3A_1346 = arith.select %eq3A_1345, %broadcast_in_dim3A_1288, %broadcast_in_dim3A_1290 : vector<16xi1>, vector<16xf32>
    %eq3A_1347 = arith.cmpf oeq, %select_n3A_1286, %broadcast_in_dim3A_1344 : vector<16xf32>
    %select_n3A_1348 = arith.select %eq3A_1347, %broadcast_in_dim3A_1288, %broadcast_in_dim3A_1290 : vector<16xi1>, vector<16xf32>
    %max3A_1349 = arith.maximumf %select_n3A_1346, %select_n3A_1348 : vector<16xf32>
    %swap3A_1350 = arith.constant 4 : i32
    %swap3A_1351 = arith.index_cast %swap3A_1350 : i32 to index
    %swap3A_1352 = arith.constant 64 : index
    %swap3A_1353 = tpu.vector_load %arg5[%swap3A_1351, %swap3A_1352] {strides = array<i32>} : memref<8x128xf32, #tpu.memory_space<vmem>>, vector<1x16xf32>,
    %swap3A_1354 = vector.shape_cast %swap3A_1353 : vector<1x16xf32> to vector<16xf32>
    %swap3A_1355 = vector.shape_cast %max3A_1349 : vector<16xf32> to vector<1x16xf32>
    tpu.vector_store %arg5[%swap3A_1351, %swap3A_1352], %swap3A_1355 {strides = array<i32>} : memref<8x128xf32, #tpu.memory_space<vmem>>, vector<1x16xf32>,
    %broadcast_in_dim3A_1356 = arith.constant 5.000000e+00 : f32
    %broadcast_in_dim3A_1357 = vector.broadcast %broadcast_in_dim3A_1356 : f32 to vector<16xf32>
    %eq3A_1358 = arith.cmpf oeq, %select_n3A_1196, %broadcast_in_dim3A_1357 : vector<16xf32>
    %select_n3A_1359 = arith.select %eq3A_1358, %broadcast_in_dim3A_1288, %broadcast_in_dim3A_1290 : vector<16xi1>, vector<16xf32>
    %eq3A_1360 = arith.cmpf oeq, %select_n3A_1286, %broadcast_in_dim3A_1357 : vector<16xf32>
    %select_n3A_1361 = arith.select %eq3A_1360, %broadcast_in_dim3A_1288, %broadcast_in_dim3A_1290 : vector<16xi1>, vector<16xf32>
    %max3A_1362 = arith.maximumf %select_n3A_1359, %select_n3A_1361 : vector<16xf32>
    %swap3A_1363 = arith.constant 5 : i32
    %swap3A_1364 = arith.index_cast %swap3A_1363 : i32 to index
    %swap3A_1365 = arith.constant 64 : index
    %swap3A_1366 = tpu.vector_load %arg5[%swap3A_1364, %swap3A_1365] {strides = array<i32>} : memref<8x128xf32, #tpu.memory_space<vmem>>, vector<1x16xf32>,
    %swap3A_1367 = vector.shape_cast %swap3A_1366 : vector<1x16xf32> to vector<16xf32>
    %swap3A_1368 = vector.shape_cast %max3A_1362 : vector<16xf32> to vector<1x16xf32>
    tpu.vector_store %arg5[%swap3A_1364, %swap3A_1365], %swap3A_1368 {strides = array<i32>} : memref<8x128xf32, #tpu.memory_space<vmem>>, vector<1x16xf32>,
    %broadcast_in_dim3A_1369 = arith.constant 6.000000e+00 : f32
    %broadcast_in_dim3A_1370 = vector.broadcast %broadcast_in_dim3A_1369 : f32 to vector<16xf32>
    %eq3A_1371 = arith.cmpf oeq, %select_n3A_1196, %broadcast_in_dim3A_1370 : vector<16xf32>
    %select_n3A_1372 = arith.select %eq3A_1371, %broadcast_in_dim3A_1288, %broadcast_in_dim3A_1290 : vector<16xi1>, vector<16xf32>
    %eq3A_1373 = arith.cmpf oeq, %select_n3A_1286, %broadcast_in_dim3A_1370 : vector<16xf32>
    %select_n3A_1374 = arith.select %eq3A_1373, %broadcast_in_dim3A_1288, %broadcast_in_dim3A_1290 : vector<16xi1>, vector<16xf32>
    %max3A_1375 = arith.maximumf %select_n3A_1372, %select_n3A_1374 : vector<16xf32>
    %swap3A_1376 = arith.constant 6 : i32
    %swap3A_1377 = arith.index_cast %swap3A_1376 : i32 to index
    %swap3A_1378 = arith.constant 64 : index
    %swap3A_1379 = tpu.vector_load %arg5[%swap3A_1377, %swap3A_1378] {strides = array<i32>} : memref<8x128xf32, #tpu.memory_space<vmem>>, vector<1x16xf32>,
    %swap3A_1380 = vector.shape_cast %swap3A_1379 : vector<1x16xf32> to vector<16xf32>
    %swap3A_1381 = vector.shape_cast %max3A_1375 : vector<16xf32> to vector<1x16xf32>
    tpu.vector_store %arg5[%swap3A_1377, %swap3A_1378], %swap3A_1381 {strides = array<i32>} : memref<8x128xf32, #tpu.memory_space<vmem>>, vector<1x16xf32>,
    %broadcast_in_dim3A_1382 = arith.constant 7.000000e+00 : f32
    %broadcast_in_dim3A_1383 = vector.broadcast %broadcast_in_dim3A_1382 : f32 to vector<16xf32>
    %eq3A_1384 = arith.cmpf oeq, %select_n3A_1196, %broadcast_in_dim3A_1383 : vector<16xf32>
    %select_n3A_1385 = arith.select %eq3A_1384, %broadcast_in_dim3A_1288, %broadcast_in_dim3A_1290 : vector<16xi1>, vector<16xf32>
    %eq3A_1386 = arith.cmpf oeq, %select_n3A_1286, %broadcast_in_dim3A_1383 : vector<16xf32>
    %select_n3A_1387 = arith.select %eq3A_1386, %broadcast_in_dim3A_1288, %broadcast_in_dim3A_1290 : vector<16xi1>, vector<16xf32>
    %max3A_1388 = arith.maximumf %select_n3A_1385, %select_n3A_1387 : vector<16xf32>
    %swap3A_1389 = arith.constant 7 : i32
    %swap3A_1390 = arith.index_cast %swap3A_1389 : i32 to index
    %swap3A_1391 = arith.constant 64 : index
    %swap3A_1392 = tpu.vector_load %arg5[%swap3A_1390, %swap3A_1391] {strides = array<i32>} : memref<8x128xf32, #tpu.memory_space<vmem>>, vector<1x16xf32>,
    %swap3A_1393 = vector.shape_cast %swap3A_1392 : vector<1x16xf32> to vector<16xf32>
    %swap3A_1394 = vector.shape_cast %max3A_1388 : vector<16xf32> to vector<1x16xf32>
    tpu.vector_store %arg5[%swap3A_1390, %swap3A_1391], %swap3A_1394 {strides = array<i32>} : memref<8x128xf32, #tpu.memory_space<vmem>>, vector<1x16xf32>,
    %get3A_1395 = arith.constant 0 : i32
    %get3A_1396 = arith.index_cast %get3A_1395 : i32 to index
    %get3A_1397 = arith.constant 80 : index
    %get3A_1398 = tpu.vector_load %arg4[%get3A_1396, %get3A_1397] {strides = array<i32>} : memref<8x128xf32, #tpu.memory_space<vmem>>, vector<1x16xf32>,
    %get3A_1399 = vector.shape_cast %get3A_1398 : vector<1x16xf32> to vector<16xf32>
    %get3A_1400 = arith.constant 1 : i32
    %get3A_1401 = arith.index_cast %get3A_1400 : i32 to index
    %get3A_1402 = arith.constant 80 : index
    %get3A_1403 = tpu.vector_load %arg4[%get3A_1401, %get3A_1402] {strides = array<i32>} : memref<8x128xf32, #tpu.memory_space<vmem>>, vector<1x16xf32>,
    %get3A_1404 = vector.shape_cast %get3A_1403 : vector<1x16xf32> to vector<16xf32>
    %get3A_1405 = arith.constant 2 : i32
    %get3A_1406 = arith.index_cast %get3A_1405 : i32 to index
    %get3A_1407 = arith.constant 80 : index
    %get3A_1408 = tpu.vector_load %arg4[%get3A_1406, %get3A_1407] {strides = array<i32>} : memref<8x128xf32, #tpu.memory_space<vmem>>, vector<1x16xf32>,
    %get3A_1409 = vector.shape_cast %get3A_1408 : vector<1x16xf32> to vector<16xf32>
    %get3A_1410 = arith.constant 3 : i32
    %get3A_1411 = arith.index_cast %get3A_1410 : i32 to index
    %get3A_1412 = arith.constant 80 : index
    %get3A_1413 = tpu.vector_load %arg4[%get3A_1411, %get3A_1412] {strides = array<i32>} : memref<8x128xf32, #tpu.memory_space<vmem>>, vector<1x16xf32>,
    %get3A_1414 = vector.shape_cast %get3A_1413 : vector<1x16xf32> to vector<16xf32>
    %get3A_1415 = arith.constant 4 : i32
    %get3A_1416 = arith.index_cast %get3A_1415 : i32 to index
    %get3A_1417 = arith.constant 80 : index
    %get3A_1418 = tpu.vector_load %arg4[%get3A_1416, %get3A_1417] {strides = array<i32>} : memref<8x128xf32, #tpu.memory_space<vmem>>, vector<1x16xf32>,
    %get3A_1419 = vector.shape_cast %get3A_1418 : vector<1x16xf32> to vector<16xf32>
    %get3A_1420 = arith.constant 5 : i32
    %get3A_1421 = arith.index_cast %get3A_1420 : i32 to index
    %get3A_1422 = arith.constant 80 : index
    %get3A_1423 = tpu.vector_load %arg4[%get3A_1421, %get3A_1422] {strides = array<i32>} : memref<8x128xf32, #tpu.memory_space<vmem>>, vector<1x16xf32>,
    %get3A_1424 = vector.shape_cast %get3A_1423 : vector<1x16xf32> to vector<16xf32>
    %get3A_1425 = arith.constant 6 : i32
    %get3A_1426 = arith.index_cast %get3A_1425 : i32 to index
    %get3A_1427 = arith.constant 80 : index
    %get3A_1428 = tpu.vector_load %arg4[%get3A_1426, %get3A_1427] {strides = array<i32>} : memref<8x128xf32, #tpu.memory_space<vmem>>, vector<1x16xf32>,
    %get3A_1429 = vector.shape_cast %get3A_1428 : vector<1x16xf32> to vector<16xf32>
    %get3A_1430 = arith.constant 7 : i32
    %get3A_1431 = arith.index_cast %get3A_1430 : i32 to index
    %get3A_1432 = arith.constant 80 : index
    %get3A_1433 = tpu.vector_load %arg4[%get3A_1431, %get3A_1432] {strides = array<i32>} : memref<8x128xf32, #tpu.memory_space<vmem>>, vector<1x16xf32>,
    %get3A_1434 = vector.shape_cast %get3A_1433 : vector<1x16xf32> to vector<16xf32>
    %max3A_1435 = arith.maximumf %get3A_1399, %get3A_1404 : vector<16xf32>
    %max3A_1436 = arith.maximumf %max3A_1435, %get3A_1409 : vector<16xf32>
    %max3A_1437 = arith.maximumf %max3A_1436, %get3A_1414 : vector<16xf32>
    %max3A_1438 = arith.maximumf %max3A_1437, %get3A_1419 : vector<16xf32>
    %max3A_1439 = arith.maximumf %max3A_1438, %get3A_1424 : vector<16xf32>
    %max3A_1440 = arith.maximumf %max3A_1439, %get3A_1429 : vector<16xf32>
    %max3A_1441 = arith.maximumf %max3A_1440, %get3A_1434 : vector<16xf32>
    %broadcast_in_dim3A_1442 = arith.constant 8.000000e+00 : f32
    %broadcast_in_dim3A_1443 = vector.broadcast %broadcast_in_dim3A_1442 : f32 to vector<16xf32>
    %broadcast_in_dim3A_1444 = arith.constant 7.000000e+00 : f32
    %broadcast_in_dim3A_1445 = vector.broadcast %broadcast_in_dim3A_1444 : f32 to vector<16xf32>
    %eq3A_1446 = arith.cmpf oeq, %get3A_1434, %max3A_1441 : vector<16xf32>
    %select_n3A_1447 = arith.select %eq3A_1446, %broadcast_in_dim3A_1445, %broadcast_in_dim3A_1443 : vector<16xi1>, vector<16xf32>
    %broadcast_in_dim3A_1448 = arith.constant 6.000000e+00 : f32
    %broadcast_in_dim3A_1449 = vector.broadcast %broadcast_in_dim3A_1448 : f32 to vector<16xf32>
    %eq3A_1450 = arith.cmpf oeq, %get3A_1429, %max3A_1441 : vector<16xf32>
    %select_n3A_1451 = arith.select %eq3A_1450, %broadcast_in_dim3A_1449, %select_n3A_1447 : vector<16xi1>, vector<16xf32>
    %broadcast_in_dim3A_1452 = arith.constant 5.000000e+00 : f32
    %broadcast_in_dim3A_1453 = vector.broadcast %broadcast_in_dim3A_1452 : f32 to vector<16xf32>
    %eq3A_1454 = arith.cmpf oeq, %get3A_1424, %max3A_1441 : vector<16xf32>
    %select_n3A_1455 = arith.select %eq3A_1454, %broadcast_in_dim3A_1453, %select_n3A_1451 : vector<16xi1>, vector<16xf32>
    %broadcast_in_dim3A_1456 = arith.constant 4.000000e+00 : f32
    %broadcast_in_dim3A_1457 = vector.broadcast %broadcast_in_dim3A_1456 : f32 to vector<16xf32>
    %eq3A_1458 = arith.cmpf oeq, %get3A_1419, %max3A_1441 : vector<16xf32>
    %select_n3A_1459 = arith.select %eq3A_1458, %broadcast_in_dim3A_1457, %select_n3A_1455 : vector<16xi1>, vector<16xf32>
    %broadcast_in_dim3A_1460 = arith.constant 3.000000e+00 : f32
    %broadcast_in_dim3A_1461 = vector.broadcast %broadcast_in_dim3A_1460 : f32 to vector<16xf32>
    %eq3A_1462 = arith.cmpf oeq, %get3A_1414, %max3A_1441 : vector<16xf32>
    %select_n3A_1463 = arith.select %eq3A_1462, %broadcast_in_dim3A_1461, %select_n3A_1459 : vector<16xi1>, vector<16xf32>
    %broadcast_in_dim3A_1464 = arith.constant 2.000000e+00 : f32
    %broadcast_in_dim3A_1465 = vector.broadcast %broadcast_in_dim3A_1464 : f32 to vector<16xf32>
    %eq3A_1466 = arith.cmpf oeq, %get3A_1409, %max3A_1441 : vector<16xf32>
    %select_n3A_1467 = arith.select %eq3A_1466, %broadcast_in_dim3A_1465, %select_n3A_1463 : vector<16xi1>, vector<16xf32>
    %broadcast_in_dim3A_1468 = arith.constant 1.000000e+00 : f32
    %broadcast_in_dim3A_1469 = vector.broadcast %broadcast_in_dim3A_1468 : f32 to vector<16xf32>
    %eq3A_1470 = arith.cmpf oeq, %get3A_1404, %max3A_1441 : vector<16xf32>
    %select_n3A_1471 = arith.select %eq3A_1470, %broadcast_in_dim3A_1469, %select_n3A_1467 : vector<16xi1>, vector<16xf32>
    %broadcast_in_dim3A_1472 = arith.constant 0.000000e+00 : f32
    %broadcast_in_dim3A_1473 = vector.broadcast %broadcast_in_dim3A_1472 : f32 to vector<16xf32>
    %eq3A_1474 = arith.cmpf oeq, %get3A_1399, %max3A_1441 : vector<16xf32>
    %select_n3A_1475 = arith.select %eq3A_1474, %broadcast_in_dim3A_1473, %select_n3A_1471 : vector<16xi1>, vector<16xf32>
    %broadcast_in_dim3A_1476 = arith.constant 0.000000e+00 : f32
    %broadcast_in_dim3A_1477 = vector.broadcast %broadcast_in_dim3A_1476 : f32 to vector<16xf32>
    %eq3A_1478 = arith.cmpf oeq, %select_n3A_1475, %broadcast_in_dim3A_1477 : vector<16xf32>
    %select_n3A_1479 = arith.select %eq3A_1478, %broadcast_in_dim3A_4, %get3A_1399 : vector<16xi1>, vector<16xf32>
    %max3A_1480 = arith.maximumf %broadcast_in_dim3A_4, %select_n3A_1479 : vector<16xf32>
    %broadcast_in_dim3A_1481 = arith.constant 1.000000e+00 : f32
    %broadcast_in_dim3A_1482 = vector.broadcast %broadcast_in_dim3A_1481 : f32 to vector<16xf32>
    %eq3A_1483 = arith.cmpf oeq, %select_n3A_1475, %broadcast_in_dim3A_1482 : vector<16xf32>
    %select_n3A_1484 = arith.select %eq3A_1483, %broadcast_in_dim3A_4, %get3A_1404 : vector<16xi1>, vector<16xf32>
    %max3A_1485 = arith.maximumf %max3A_1480, %select_n3A_1484 : vector<16xf32>
    %broadcast_in_dim3A_1486 = arith.constant 2.000000e+00 : f32
    %broadcast_in_dim3A_1487 = vector.broadcast %broadcast_in_dim3A_1486 : f32 to vector<16xf32>
    %eq3A_1488 = arith.cmpf oeq, %select_n3A_1475, %broadcast_in_dim3A_1487 : vector<16xf32>
    %select_n3A_1489 = arith.select %eq3A_1488, %broadcast_in_dim3A_4, %get3A_1409 : vector<16xi1>, vector<16xf32>
    %max3A_1490 = arith.maximumf %max3A_1485, %select_n3A_1489 : vector<16xf32>
    %broadcast_in_dim3A_1491 = arith.constant 3.000000e+00 : f32
    %broadcast_in_dim3A_1492 = vector.broadcast %broadcast_in_dim3A_1491 : f32 to vector<16xf32>
    %eq3A_1493 = arith.cmpf oeq, %select_n3A_1475, %broadcast_in_dim3A_1492 : vector<16xf32>
    %select_n3A_1494 = arith.select %eq3A_1493, %broadcast_in_dim3A_4, %get3A_1414 : vector<16xi1>, vector<16xf32>
    %max3A_1495 = arith.maximumf %max3A_1490, %select_n3A_1494 : vector<16xf32>
    %broadcast_in_dim3A_1496 = arith.constant 4.000000e+00 : f32
    %broadcast_in_dim3A_1497 = vector.broadcast %broadcast_in_dim3A_1496 : f32 to vector<16xf32>
    %eq3A_1498 = arith.cmpf oeq, %select_n3A_1475, %broadcast_in_dim3A_1497 : vector<16xf32>
    %select_n3A_1499 = arith.select %eq3A_1498, %broadcast_in_dim3A_4, %get3A_1419 : vector<16xi1>, vector<16xf32>
    %max3A_1500 = arith.maximumf %max3A_1495, %select_n3A_1499 : vector<16xf32>
    %broadcast_in_dim3A_1501 = arith.constant 5.000000e+00 : f32
    %broadcast_in_dim3A_1502 = vector.broadcast %broadcast_in_dim3A_1501 : f32 to vector<16xf32>
    %eq3A_1503 = arith.cmpf oeq, %select_n3A_1475, %broadcast_in_dim3A_1502 : vector<16xf32>
    %select_n3A_1504 = arith.select %eq3A_1503, %broadcast_in_dim3A_4, %get3A_1424 : vector<16xi1>, vector<16xf32>
    %max3A_1505 = arith.maximumf %max3A_1500, %select_n3A_1504 : vector<16xf32>
    %broadcast_in_dim3A_1506 = arith.constant 6.000000e+00 : f32
    %broadcast_in_dim3A_1507 = vector.broadcast %broadcast_in_dim3A_1506 : f32 to vector<16xf32>
    %eq3A_1508 = arith.cmpf oeq, %select_n3A_1475, %broadcast_in_dim3A_1507 : vector<16xf32>
    %select_n3A_1509 = arith.select %eq3A_1508, %broadcast_in_dim3A_4, %get3A_1429 : vector<16xi1>, vector<16xf32>
    %max3A_1510 = arith.maximumf %max3A_1505, %select_n3A_1509 : vector<16xf32>
    %broadcast_in_dim3A_1511 = arith.constant 7.000000e+00 : f32
    %broadcast_in_dim3A_1512 = vector.broadcast %broadcast_in_dim3A_1511 : f32 to vector<16xf32>
    %eq3A_1513 = arith.cmpf oeq, %select_n3A_1475, %broadcast_in_dim3A_1512 : vector<16xf32>
    %select_n3A_1514 = arith.select %eq3A_1513, %broadcast_in_dim3A_4, %get3A_1434 : vector<16xi1>, vector<16xf32>
    %max3A_1515 = arith.maximumf %max3A_1510, %select_n3A_1514 : vector<16xf32>
    %broadcast_in_dim3A_1516 = arith.constant 8.000000e+00 : f32
    %broadcast_in_dim3A_1517 = vector.broadcast %broadcast_in_dim3A_1516 : f32 to vector<16xf32>
    %broadcast_in_dim3A_1518 = arith.constant 7.000000e+00 : f32
    %broadcast_in_dim3A_1519 = vector.broadcast %broadcast_in_dim3A_1518 : f32 to vector<16xf32>
    %eq3A_1520 = arith.cmpf oeq, %select_n3A_1475, %broadcast_in_dim3A_1519 : vector<16xf32>
    %select_n3A_1521 = arith.select %eq3A_1520, %broadcast_in_dim3A_1517, %broadcast_in_dim3A_1519 : vector<16xi1>, vector<16xf32>
    %eq3A_1522 = arith.cmpf oeq, %get3A_1434, %max3A_1515 : vector<16xf32>
    %select_n3A_1523 = arith.select %eq3A_1522, %select_n3A_1521, %broadcast_in_dim3A_1517 : vector<16xi1>, vector<16xf32>
    %broadcast_in_dim3A_1524 = arith.constant 6.000000e+00 : f32
    %broadcast_in_dim3A_1525 = vector.broadcast %broadcast_in_dim3A_1524 : f32 to vector<16xf32>
    %eq3A_1526 = arith.cmpf oeq, %select_n3A_1475, %broadcast_in_dim3A_1525 : vector<16xf32>
    %select_n3A_1527 = arith.select %eq3A_1526, %select_n3A_1523, %broadcast_in_dim3A_1525 : vector<16xi1>, vector<16xf32>
    %eq3A_1528 = arith.cmpf oeq, %get3A_1429, %max3A_1515 : vector<16xf32>
    %select_n3A_1529 = arith.select %eq3A_1528, %select_n3A_1527, %select_n3A_1523 : vector<16xi1>, vector<16xf32>
    %broadcast_in_dim3A_1530 = arith.constant 5.000000e+00 : f32
    %broadcast_in_dim3A_1531 = vector.broadcast %broadcast_in_dim3A_1530 : f32 to vector<16xf32>
    %eq3A_1532 = arith.cmpf oeq, %select_n3A_1475, %broadcast_in_dim3A_1531 : vector<16xf32>
    %select_n3A_1533 = arith.select %eq3A_1532, %select_n3A_1529, %broadcast_in_dim3A_1531 : vector<16xi1>, vector<16xf32>
    %eq3A_1534 = arith.cmpf oeq, %get3A_1424, %max3A_1515 : vector<16xf32>
    %select_n3A_1535 = arith.select %eq3A_1534, %select_n3A_1533, %select_n3A_1529 : vector<16xi1>, vector<16xf32>
    %broadcast_in_dim3A_1536 = arith.constant 4.000000e+00 : f32
    %broadcast_in_dim3A_1537 = vector.broadcast %broadcast_in_dim3A_1536 : f32 to vector<16xf32>
    %eq3A_1538 = arith.cmpf oeq, %select_n3A_1475, %broadcast_in_dim3A_1537 : vector<16xf32>
    %select_n3A_1539 = arith.select %eq3A_1538, %select_n3A_1535, %broadcast_in_dim3A_1537 : vector<16xi1>, vector<16xf32>
    %eq3A_1540 = arith.cmpf oeq, %get3A_1419, %max3A_1515 : vector<16xf32>
    %select_n3A_1541 = arith.select %eq3A_1540, %select_n3A_1539, %select_n3A_1535 : vector<16xi1>, vector<16xf32>
    %broadcast_in_dim3A_1542 = arith.constant 3.000000e+00 : f32
    %broadcast_in_dim3A_1543 = vector.broadcast %broadcast_in_dim3A_1542 : f32 to vector<16xf32>
    %eq3A_1544 = arith.cmpf oeq, %select_n3A_1475, %broadcast_in_dim3A_1543 : vector<16xf32>
    %select_n3A_1545 = arith.select %eq3A_1544, %select_n3A_1541, %broadcast_in_dim3A_1543 : vector<16xi1>, vector<16xf32>
    %eq3A_1546 = arith.cmpf oeq, %get3A_1414, %max3A_1515 : vector<16xf32>
    %select_n3A_1547 = arith.select %eq3A_1546, %select_n3A_1545, %select_n3A_1541 : vector<16xi1>, vector<16xf32>
    %broadcast_in_dim3A_1548 = arith.constant 2.000000e+00 : f32
    %broadcast_in_dim3A_1549 = vector.broadcast %broadcast_in_dim3A_1548 : f32 to vector<16xf32>
    %eq3A_1550 = arith.cmpf oeq, %select_n3A_1475, %broadcast_in_dim3A_1549 : vector<16xf32>
    %select_n3A_1551 = arith.select %eq3A_1550, %select_n3A_1547, %broadcast_in_dim3A_1549 : vector<16xi1>, vector<16xf32>
    %eq3A_1552 = arith.cmpf oeq, %get3A_1409, %max3A_1515 : vector<16xf32>
    %select_n3A_1553 = arith.select %eq3A_1552, %select_n3A_1551, %select_n3A_1547 : vector<16xi1>, vector<16xf32>
    %broadcast_in_dim3A_1554 = arith.constant 1.000000e+00 : f32
    %broadcast_in_dim3A_1555 = vector.broadcast %broadcast_in_dim3A_1554 : f32 to vector<16xf32>
    %eq3A_1556 = arith.cmpf oeq, %select_n3A_1475, %broadcast_in_dim3A_1555 : vector<16xf32>
    %select_n3A_1557 = arith.select %eq3A_1556, %select_n3A_1553, %broadcast_in_dim3A_1555 : vector<16xi1>, vector<16xf32>
    %eq3A_1558 = arith.cmpf oeq, %get3A_1404, %max3A_1515 : vector<16xf32>
    %select_n3A_1559 = arith.select %eq3A_1558, %select_n3A_1557, %select_n3A_1553 : vector<16xi1>, vector<16xf32>
    %broadcast_in_dim3A_1560 = arith.constant 0.000000e+00 : f32
    %broadcast_in_dim3A_1561 = vector.broadcast %broadcast_in_dim3A_1560 : f32 to vector<16xf32>
    %eq3A_1562 = arith.cmpf oeq, %select_n3A_1475, %broadcast_in_dim3A_1561 : vector<16xf32>
    %select_n3A_1563 = arith.select %eq3A_1562, %select_n3A_1559, %broadcast_in_dim3A_1561 : vector<16xi1>, vector<16xf32>
    %eq3A_1564 = arith.cmpf oeq, %get3A_1399, %max3A_1515 : vector<16xf32>
    %select_n3A_1565 = arith.select %eq3A_1564, %select_n3A_1563, %select_n3A_1559 : vector<16xi1>, vector<16xf32>
    %broadcast_in_dim3A_1566 = arith.constant 1.000000e+00 : f32
    %broadcast_in_dim3A_1567 = vector.broadcast %broadcast_in_dim3A_1566 : f32 to vector<16xf32>
    %broadcast_in_dim3A_1568 = arith.constant 0.000000e+00 : f32
    %broadcast_in_dim3A_1569 = vector.broadcast %broadcast_in_dim3A_1568 : f32 to vector<16xf32>
    %broadcast_in_dim3A_1570 = arith.constant 0.000000e+00 : f32
    %broadcast_in_dim3A_1571 = vector.broadcast %broadcast_in_dim3A_1570 : f32 to vector<16xf32>
    %eq3A_1572 = arith.cmpf oeq, %select_n3A_1475, %broadcast_in_dim3A_1571 : vector<16xf32>
    %select_n3A_1573 = arith.select %eq3A_1572, %broadcast_in_dim3A_1567, %broadcast_in_dim3A_1569 : vector<16xi1>, vector<16xf32>
    %eq3A_1574 = arith.cmpf oeq, %select_n3A_1565, %broadcast_in_dim3A_1571 : vector<16xf32>
    %select_n3A_1575 = arith.select %eq3A_1574, %broadcast_in_dim3A_1567, %broadcast_in_dim3A_1569 : vector<16xi1>, vector<16xf32>
    %max3A_1576 = arith.maximumf %select_n3A_1573, %select_n3A_1575 : vector<16xf32>
    %swap3A_1577 = arith.constant 0 : i32
    %swap3A_1578 = arith.index_cast %swap3A_1577 : i32 to index
    %swap3A_1579 = arith.constant 80 : index
    %swap3A_1580 = tpu.vector_load %arg5[%swap3A_1578, %swap3A_1579] {strides = array<i32>} : memref<8x128xf32, #tpu.memory_space<vmem>>, vector<1x16xf32>,
    %swap3A_1581 = vector.shape_cast %swap3A_1580 : vector<1x16xf32> to vector<16xf32>
    %swap3A_1582 = vector.shape_cast %max3A_1576 : vector<16xf32> to vector<1x16xf32>
    tpu.vector_store %arg5[%swap3A_1578, %swap3A_1579], %swap3A_1582 {strides = array<i32>} : memref<8x128xf32, #tpu.memory_space<vmem>>, vector<1x16xf32>,
    %broadcast_in_dim3A_1583 = arith.constant 1.000000e+00 : f32
    %broadcast_in_dim3A_1584 = vector.broadcast %broadcast_in_dim3A_1583 : f32 to vector<16xf32>
    %eq3A_1585 = arith.cmpf oeq, %select_n3A_1475, %broadcast_in_dim3A_1584 : vector<16xf32>
    %select_n3A_1586 = arith.select %eq3A_1585, %broadcast_in_dim3A_1567, %broadcast_in_dim3A_1569 : vector<16xi1>, vector<16xf32>
    %eq3A_1587 = arith.cmpf oeq, %select_n3A_1565, %broadcast_in_dim3A_1584 : vector<16xf32>
    %select_n3A_1588 = arith.select %eq3A_1587, %broadcast_in_dim3A_1567, %broadcast_in_dim3A_1569 : vector<16xi1>, vector<16xf32>
    %max3A_1589 = arith.maximumf %select_n3A_1586, %select_n3A_1588 : vector<16xf32>
    %swap3A_1590 = arith.constant 1 : i32
    %swap3A_1591 = arith.index_cast %swap3A_1590 : i32 to index
    %swap3A_1592 = arith.constant 80 : index
    %swap3A_1593 = tpu.vector_load %arg5[%swap3A_1591, %swap3A_1592] {strides = array<i32>} : memref<8x128xf32, #tpu.memory_space<vmem>>, vector<1x16xf32>,
    %swap3A_1594 = vector.shape_cast %swap3A_1593 : vector<1x16xf32> to vector<16xf32>
    %swap3A_1595 = vector.shape_cast %max3A_1589 : vector<16xf32> to vector<1x16xf32>
    tpu.vector_store %arg5[%swap3A_1591, %swap3A_1592], %swap3A_1595 {strides = array<i32>} : memref<8x128xf32, #tpu.memory_space<vmem>>, vector<1x16xf32>,
    %broadcast_in_dim3A_1596 = arith.constant 2.000000e+00 : f32
    %broadcast_in_dim3A_1597 = vector.broadcast %broadcast_in_dim3A_1596 : f32 to vector<16xf32>
    %eq3A_1598 = arith.cmpf oeq, %select_n3A_1475, %broadcast_in_dim3A_1597 : vector<16xf32>
    %select_n3A_1599 = arith.select %eq3A_1598, %broadcast_in_dim3A_1567, %broadcast_in_dim3A_1569 : vector<16xi1>, vector<16xf32>
    %eq3A_1600 = arith.cmpf oeq, %select_n3A_1565, %broadcast_in_dim3A_1597 : vector<16xf32>
    %select_n3A_1601 = arith.select %eq3A_1600, %broadcast_in_dim3A_1567, %broadcast_in_dim3A_1569 : vector<16xi1>, vector<16xf32>
    %max3A_1602 = arith.maximumf %select_n3A_1599, %select_n3A_1601 : vector<16xf32>
    %swap3A_1603 = arith.constant 2 : i32
    %swap3A_1604 = arith.index_cast %swap3A_1603 : i32 to index
    %swap3A_1605 = arith.constant 80 : index
    %swap3A_1606 = tpu.vector_load %arg5[%swap3A_1604, %swap3A_1605] {strides = array<i32>} : memref<8x128xf32, #tpu.memory_space<vmem>>, vector<1x16xf32>,
    %swap3A_1607 = vector.shape_cast %swap3A_1606 : vector<1x16xf32> to vector<16xf32>
    %swap3A_1608 = vector.shape_cast %max3A_1602 : vector<16xf32> to vector<1x16xf32>
    tpu.vector_store %arg5[%swap3A_1604, %swap3A_1605], %swap3A_1608 {strides = array<i32>} : memref<8x128xf32, #tpu.memory_space<vmem>>, vector<1x16xf32>,
    %broadcast_in_dim3A_1609 = arith.constant 3.000000e+00 : f32
    %broadcast_in_dim3A_1610 = vector.broadcast %broadcast_in_dim3A_1609 : f32 to vector<16xf32>
    %eq3A_1611 = arith.cmpf oeq, %select_n3A_1475, %broadcast_in_dim3A_1610 : vector<16xf32>
    %select_n3A_1612 = arith.select %eq3A_1611, %broadcast_in_dim3A_1567, %broadcast_in_dim3A_1569 : vector<16xi1>, vector<16xf32>
    %eq3A_1613 = arith.cmpf oeq, %select_n3A_1565, %broadcast_in_dim3A_1610 : vector<16xf32>
    %select_n3A_1614 = arith.select %eq3A_1613, %broadcast_in_dim3A_1567, %broadcast_in_dim3A_1569 : vector<16xi1>, vector<16xf32>
    %max3A_1615 = arith.maximumf %select_n3A_1612, %select_n3A_1614 : vector<16xf32>
    %swap3A_1616 = arith.constant 3 : i32
    %swap3A_1617 = arith.index_cast %swap3A_1616 : i32 to index
    %swap3A_1618 = arith.constant 80 : index
    %swap3A_1619 = tpu.vector_load %arg5[%swap3A_1617, %swap3A_1618] {strides = array<i32>} : memref<8x128xf32, #tpu.memory_space<vmem>>, vector<1x16xf32>,
    %swap3A_1620 = vector.shape_cast %swap3A_1619 : vector<1x16xf32> to vector<16xf32>
    %swap3A_1621 = vector.shape_cast %max3A_1615 : vector<16xf32> to vector<1x16xf32>
    tpu.vector_store %arg5[%swap3A_1617, %swap3A_1618], %swap3A_1621 {strides = array<i32>} : memref<8x128xf32, #tpu.memory_space<vmem>>, vector<1x16xf32>,
    %broadcast_in_dim3A_1622 = arith.constant 4.000000e+00 : f32
    %broadcast_in_dim3A_1623 = vector.broadcast %broadcast_in_dim3A_1622 : f32 to vector<16xf32>
    %eq3A_1624 = arith.cmpf oeq, %select_n3A_1475, %broadcast_in_dim3A_1623 : vector<16xf32>
    %select_n3A_1625 = arith.select %eq3A_1624, %broadcast_in_dim3A_1567, %broadcast_in_dim3A_1569 : vector<16xi1>, vector<16xf32>
    %eq3A_1626 = arith.cmpf oeq, %select_n3A_1565, %broadcast_in_dim3A_1623 : vector<16xf32>
    %select_n3A_1627 = arith.select %eq3A_1626, %broadcast_in_dim3A_1567, %broadcast_in_dim3A_1569 : vector<16xi1>, vector<16xf32>
    %max3A_1628 = arith.maximumf %select_n3A_1625, %select_n3A_1627 : vector<16xf32>
    %swap3A_1629 = arith.constant 4 : i32
    %swap3A_1630 = arith.index_cast %swap3A_1629 : i32 to index
    %swap3A_1631 = arith.constant 80 : index
    %swap3A_1632 = tpu.vector_load %arg5[%swap3A_1630, %swap3A_1631] {strides = array<i32>} : memref<8x128xf32, #tpu.memory_space<vmem>>, vector<1x16xf32>,
    %swap3A_1633 = vector.shape_cast %swap3A_1632 : vector<1x16xf32> to vector<16xf32>
    %swap3A_1634 = vector.shape_cast %max3A_1628 : vector<16xf32> to vector<1x16xf32>
    tpu.vector_store %arg5[%swap3A_1630, %swap3A_1631], %swap3A_1634 {strides = array<i32>} : memref<8x128xf32, #tpu.memory_space<vmem>>, vector<1x16xf32>,
    %broadcast_in_dim3A_1635 = arith.constant 5.000000e+00 : f32
    %broadcast_in_dim3A_1636 = vector.broadcast %broadcast_in_dim3A_1635 : f32 to vector<16xf32>
    %eq3A_1637 = arith.cmpf oeq, %select_n3A_1475, %broadcast_in_dim3A_1636 : vector<16xf32>
    %select_n3A_1638 = arith.select %eq3A_1637, %broadcast_in_dim3A_1567, %broadcast_in_dim3A_1569 : vector<16xi1>, vector<16xf32>
    %eq3A_1639 = arith.cmpf oeq, %select_n3A_1565, %broadcast_in_dim3A_1636 : vector<16xf32>
    %select_n3A_1640 = arith.select %eq3A_1639, %broadcast_in_dim3A_1567, %broadcast_in_dim3A_1569 : vector<16xi1>, vector<16xf32>
    %max3A_1641 = arith.maximumf %select_n3A_1638, %select_n3A_1640 : vector<16xf32>
    %swap3A_1642 = arith.constant 5 : i32
    %swap3A_1643 = arith.index_cast %swap3A_1642 : i32 to index
    %swap3A_1644 = arith.constant 80 : index
    %swap3A_1645 = tpu.vector_load %arg5[%swap3A_1643, %swap3A_1644] {strides = array<i32>} : memref<8x128xf32, #tpu.memory_space<vmem>>, vector<1x16xf32>,
    %swap3A_1646 = vector.shape_cast %swap3A_1645 : vector<1x16xf32> to vector<16xf32>
    %swap3A_1647 = vector.shape_cast %max3A_1641 : vector<16xf32> to vector<1x16xf32>
    tpu.vector_store %arg5[%swap3A_1643, %swap3A_1644], %swap3A_1647 {strides = array<i32>} : memref<8x128xf32, #tpu.memory_space<vmem>>, vector<1x16xf32>,
    %broadcast_in_dim3A_1648 = arith.constant 6.000000e+00 : f32
    %broadcast_in_dim3A_1649 = vector.broadcast %broadcast_in_dim3A_1648 : f32 to vector<16xf32>
    %eq3A_1650 = arith.cmpf oeq, %select_n3A_1475, %broadcast_in_dim3A_1649 : vector<16xf32>
    %select_n3A_1651 = arith.select %eq3A_1650, %broadcast_in_dim3A_1567, %broadcast_in_dim3A_1569 : vector<16xi1>, vector<16xf32>
    %eq3A_1652 = arith.cmpf oeq, %select_n3A_1565, %broadcast_in_dim3A_1649 : vector<16xf32>
    %select_n3A_1653 = arith.select %eq3A_1652, %broadcast_in_dim3A_1567, %broadcast_in_dim3A_1569 : vector<16xi1>, vector<16xf32>
    %max3A_1654 = arith.maximumf %select_n3A_1651, %select_n3A_1653 : vector<16xf32>
    %swap3A_1655 = arith.constant 6 : i32
    %swap3A_1656 = arith.index_cast %swap3A_1655 : i32 to index
    %swap3A_1657 = arith.constant 80 : index
    %swap3A_1658 = tpu.vector_load %arg5[%swap3A_1656, %swap3A_1657] {strides = array<i32>} : memref<8x128xf32, #tpu.memory_space<vmem>>, vector<1x16xf32>,
    %swap3A_1659 = vector.shape_cast %swap3A_1658 : vector<1x16xf32> to vector<16xf32>
    %swap3A_1660 = vector.shape_cast %max3A_1654 : vector<16xf32> to vector<1x16xf32>
    tpu.vector_store %arg5[%swap3A_1656, %swap3A_1657], %swap3A_1660 {strides = array<i32>} : memref<8x128xf32, #tpu.memory_space<vmem>>, vector<1x16xf32>,
    %broadcast_in_dim3A_1661 = arith.constant 7.000000e+00 : f32
    %broadcast_in_dim3A_1662 = vector.broadcast %broadcast_in_dim3A_1661 : f32 to vector<16xf32>
    %eq3A_1663 = arith.cmpf oeq, %select_n3A_1475, %broadcast_in_dim3A_1662 : vector<16xf32>
    %select_n3A_1664 = arith.select %eq3A_1663, %broadcast_in_dim3A_1567, %broadcast_in_dim3A_1569 : vector<16xi1>, vector<16xf32>
    %eq3A_1665 = arith.cmpf oeq, %select_n3A_1565, %broadcast_in_dim3A_1662 : vector<16xf32>
    %select_n3A_1666 = arith.select %eq3A_1665, %broadcast_in_dim3A_1567, %broadcast_in_dim3A_1569 : vector<16xi1>, vector<16xf32>
    %max3A_1667 = arith.maximumf %select_n3A_1664, %select_n3A_1666 : vector<16xf32>
    %swap3A_1668 = arith.constant 7 : i32
    %swap3A_1669 = arith.index_cast %swap3A_1668 : i32 to index
    %swap3A_1670 = arith.constant 80 : index
    %swap3A_1671 = tpu.vector_load %arg5[%swap3A_1669, %swap3A_1670] {strides = array<i32>} : memref<8x128xf32, #tpu.memory_space<vmem>>, vector<1x16xf32>,
    %swap3A_1672 = vector.shape_cast %swap3A_1671 : vector<1x16xf32> to vector<16xf32>
    %swap3A_1673 = vector.shape_cast %max3A_1667 : vector<16xf32> to vector<1x16xf32>
    tpu.vector_store %arg5[%swap3A_1669, %swap3A_1670], %swap3A_1673 {strides = array<i32>} : memref<8x128xf32, #tpu.memory_space<vmem>>, vector<1x16xf32>,
    %get3A_1674 = arith.constant 0 : i32
    %get3A_1675 = arith.index_cast %get3A_1674 : i32 to index
    %get3A_1676 = arith.constant 96 : index
    %get3A_1677 = tpu.vector_load %arg4[%get3A_1675, %get3A_1676] {strides = array<i32>} : memref<8x128xf32, #tpu.memory_space<vmem>>, vector<1x16xf32>,
    %get3A_1678 = vector.shape_cast %get3A_1677 : vector<1x16xf32> to vector<16xf32>
    %get3A_1679 = arith.constant 1 : i32
    %get3A_1680 = arith.index_cast %get3A_1679 : i32 to index
    %get3A_1681 = arith.constant 96 : index
    %get3A_1682 = tpu.vector_load %arg4[%get3A_1680, %get3A_1681] {strides = array<i32>} : memref<8x128xf32, #tpu.memory_space<vmem>>, vector<1x16xf32>,
    %get3A_1683 = vector.shape_cast %get3A_1682 : vector<1x16xf32> to vector<16xf32>
    %get3A_1684 = arith.constant 2 : i32
    %get3A_1685 = arith.index_cast %get3A_1684 : i32 to index
    %get3A_1686 = arith.constant 96 : index
    %get3A_1687 = tpu.vector_load %arg4[%get3A_1685, %get3A_1686] {strides = array<i32>} : memref<8x128xf32, #tpu.memory_space<vmem>>, vector<1x16xf32>,
    %get3A_1688 = vector.shape_cast %get3A_1687 : vector<1x16xf32> to vector<16xf32>
    %get3A_1689 = arith.constant 3 : i32
    %get3A_1690 = arith.index_cast %get3A_1689 : i32 to index
    %get3A_1691 = arith.constant 96 : index
    %get3A_1692 = tpu.vector_load %arg4[%get3A_1690, %get3A_1691] {strides = array<i32>} : memref<8x128xf32, #tpu.memory_space<vmem>>, vector<1x16xf32>,
    %get3A_1693 = vector.shape_cast %get3A_1692 : vector<1x16xf32> to vector<16xf32>
    %get3A_1694 = arith.constant 4 : i32
    %get3A_1695 = arith.index_cast %get3A_1694 : i32 to index
    %get3A_1696 = arith.constant 96 : index
    %get3A_1697 = tpu.vector_load %arg4[%get3A_1695, %get3A_1696] {strides = array<i32>} : memref<8x128xf32, #tpu.memory_space<vmem>>, vector<1x16xf32>,
    %get3A_1698 = vector.shape_cast %get3A_1697 : vector<1x16xf32> to vector<16xf32>
    %get3A_1699 = arith.constant 5 : i32
    %get3A_1700 = arith.index_cast %get3A_1699 : i32 to index
    %get3A_1701 = arith.constant 96 : index
    %get3A_1702 = tpu.vector_load %arg4[%get3A_1700, %get3A_1701] {strides = array<i32>} : memref<8x128xf32, #tpu.memory_space<vmem>>, vector<1x16xf32>,
    %get3A_1703 = vector.shape_cast %get3A_1702 : vector<1x16xf32> to vector<16xf32>
    %get3A_1704 = arith.constant 6 : i32
    %get3A_1705 = arith.index_cast %get3A_1704 : i32 to index
    %get3A_1706 = arith.constant 96 : index
    %get3A_1707 = tpu.vector_load %arg4[%get3A_1705, %get3A_1706] {strides = array<i32>} : memref<8x128xf32, #tpu.memory_space<vmem>>, vector<1x16xf32>,
    %get3A_1708 = vector.shape_cast %get3A_1707 : vector<1x16xf32> to vector<16xf32>
    %get3A_1709 = arith.constant 7 : i32
    %get3A_1710 = arith.index_cast %get3A_1709 : i32 to index
    %get3A_1711 = arith.constant 96 : index
    %get3A_1712 = tpu.vector_load %arg4[%get3A_1710, %get3A_1711] {strides = array<i32>} : memref<8x128xf32, #tpu.memory_space<vmem>>, vector<1x16xf32>,
    %get3A_1713 = vector.shape_cast %get3A_1712 : vector<1x16xf32> to vector<16xf32>
    %max3A_1714 = arith.maximumf %get3A_1678, %get3A_1683 : vector<16xf32>
    %max3A_1715 = arith.maximumf %max3A_1714, %get3A_1688 : vector<16xf32>
    %max3A_1716 = arith.maximumf %max3A_1715, %get3A_1693 : vector<16xf32>
    %max3A_1717 = arith.maximumf %max3A_1716, %get3A_1698 : vector<16xf32>
    %max3A_1718 = arith.maximumf %max3A_1717, %get3A_1703 : vector<16xf32>
    %max3A_1719 = arith.maximumf %max3A_1718, %get3A_1708 : vector<16xf32>
    %max3A_1720 = arith.maximumf %max3A_1719, %get3A_1713 : vector<16xf32>
    %broadcast_in_dim3A_1721 = arith.constant 8.000000e+00 : f32
    %broadcast_in_dim3A_1722 = vector.broadcast %broadcast_in_dim3A_1721 : f32 to vector<16xf32>
    %broadcast_in_dim3A_1723 = arith.constant 7.000000e+00 : f32
    %broadcast_in_dim3A_1724 = vector.broadcast %broadcast_in_dim3A_1723 : f32 to vector<16xf32>
    %eq3A_1725 = arith.cmpf oeq, %get3A_1713, %max3A_1720 : vector<16xf32>
    %select_n3A_1726 = arith.select %eq3A_1725, %broadcast_in_dim3A_1724, %broadcast_in_dim3A_1722 : vector<16xi1>, vector<16xf32>
    %broadcast_in_dim3A_1727 = arith.constant 6.000000e+00 : f32
    %broadcast_in_dim3A_1728 = vector.broadcast %broadcast_in_dim3A_1727 : f32 to vector<16xf32>
    %eq3A_1729 = arith.cmpf oeq, %get3A_1708, %max3A_1720 : vector<16xf32>
    %select_n3A_1730 = arith.select %eq3A_1729, %broadcast_in_dim3A_1728, %select_n3A_1726 : vector<16xi1>, vector<16xf32>
    %broadcast_in_dim3A_1731 = arith.constant 5.000000e+00 : f32
    %broadcast_in_dim3A_1732 = vector.broadcast %broadcast_in_dim3A_1731 : f32 to vector<16xf32>
    %eq3A_1733 = arith.cmpf oeq, %get3A_1703, %max3A_1720 : vector<16xf32>
    %select_n3A_1734 = arith.select %eq3A_1733, %broadcast_in_dim3A_1732, %select_n3A_1730 : vector<16xi1>, vector<16xf32>
    %broadcast_in_dim3A_1735 = arith.constant 4.000000e+00 : f32
    %broadcast_in_dim3A_1736 = vector.broadcast %broadcast_in_dim3A_1735 : f32 to vector<16xf32>
    %eq3A_1737 = arith.cmpf oeq, %get3A_1698, %max3A_1720 : vector<16xf32>
    %select_n3A_1738 = arith.select %eq3A_1737, %broadcast_in_dim3A_1736, %select_n3A_1734 : vector<16xi1>, vector<16xf32>
    %broadcast_in_dim3A_1739 = arith.constant 3.000000e+00 : f32
    %broadcast_in_dim3A_1740 = vector.broadcast %broadcast_in_dim3A_1739 : f32 to vector<16xf32>
    %eq3A_1741 = arith.cmpf oeq, %get3A_1693, %max3A_1720 : vector<16xf32>
    %select_n3A_1742 = arith.select %eq3A_1741, %broadcast_in_dim3A_1740, %select_n3A_1738 : vector<16xi1>, vector<16xf32>
    %broadcast_in_dim3A_1743 = arith.constant 2.000000e+00 : f32
    %broadcast_in_dim3A_1744 = vector.broadcast %broadcast_in_dim3A_1743 : f32 to vector<16xf32>
    %eq3A_1745 = arith.cmpf oeq, %get3A_1688, %max3A_1720 : vector<16xf32>
    %select_n3A_1746 = arith.select %eq3A_1745, %broadcast_in_dim3A_1744, %select_n3A_1742 : vector<16xi1>, vector<16xf32>
    %broadcast_in_dim3A_1747 = arith.constant 1.000000e+00 : f32
    %broadcast_in_dim3A_1748 = vector.broadcast %broadcast_in_dim3A_1747 : f32 to vector<16xf32>
    %eq3A_1749 = arith.cmpf oeq, %get3A_1683, %max3A_1720 : vector<16xf32>
    %select_n3A_1750 = arith.select %eq3A_1749, %broadcast_in_dim3A_1748, %select_n3A_1746 : vector<16xi1>, vector<16xf32>
    %broadcast_in_dim3A_1751 = arith.constant 0.000000e+00 : f32
    %broadcast_in_dim3A_1752 = vector.broadcast %broadcast_in_dim3A_1751 : f32 to vector<16xf32>
    %eq3A_1753 = arith.cmpf oeq, %get3A_1678, %max3A_1720 : vector<16xf32>
    %select_n3A_1754 = arith.select %eq3A_1753, %broadcast_in_dim3A_1752, %select_n3A_1750 : vector<16xi1>, vector<16xf32>
    %broadcast_in_dim3A_1755 = arith.constant 0.000000e+00 : f32
    %broadcast_in_dim3A_1756 = vector.broadcast %broadcast_in_dim3A_1755 : f32 to vector<16xf32>
    %eq3A_1757 = arith.cmpf oeq, %select_n3A_1754, %broadcast_in_dim3A_1756 : vector<16xf32>
    %select_n3A_1758 = arith.select %eq3A_1757, %broadcast_in_dim3A_4, %get3A_1678 : vector<16xi1>, vector<16xf32>
    %max3A_1759 = arith.maximumf %broadcast_in_dim3A_4, %select_n3A_1758 : vector<16xf32>
    %broadcast_in_dim3A_1760 = arith.constant 1.000000e+00 : f32
    %broadcast_in_dim3A_1761 = vector.broadcast %broadcast_in_dim3A_1760 : f32 to vector<16xf32>
    %eq3A_1762 = arith.cmpf oeq, %select_n3A_1754, %broadcast_in_dim3A_1761 : vector<16xf32>
    %select_n3A_1763 = arith.select %eq3A_1762, %broadcast_in_dim3A_4, %get3A_1683 : vector<16xi1>, vector<16xf32>
    %max3A_1764 = arith.maximumf %max3A_1759, %select_n3A_1763 : vector<16xf32>
    %broadcast_in_dim3A_1765 = arith.constant 2.000000e+00 : f32
    %broadcast_in_dim3A_1766 = vector.broadcast %broadcast_in_dim3A_1765 : f32 to vector<16xf32>
    %eq3A_1767 = arith.cmpf oeq, %select_n3A_1754, %broadcast_in_dim3A_1766 : vector<16xf32>
    %select_n3A_1768 = arith.select %eq3A_1767, %broadcast_in_dim3A_4, %get3A_1688 : vector<16xi1>, vector<16xf32>
    %max3A_1769 = arith.maximumf %max3A_1764, %select_n3A_1768 : vector<16xf32>
    %broadcast_in_dim3A_1770 = arith.constant 3.000000e+00 : f32
    %broadcast_in_dim3A_1771 = vector.broadcast %broadcast_in_dim3A_1770 : f32 to vector<16xf32>
    %eq3A_1772 = arith.cmpf oeq, %select_n3A_1754, %broadcast_in_dim3A_1771 : vector<16xf32>
    %select_n3A_1773 = arith.select %eq3A_1772, %broadcast_in_dim3A_4, %get3A_1693 : vector<16xi1>, vector<16xf32>
    %max3A_1774 = arith.maximumf %max3A_1769, %select_n3A_1773 : vector<16xf32>
    %broadcast_in_dim3A_1775 = arith.constant 4.000000e+00 : f32
    %broadcast_in_dim3A_1776 = vector.broadcast %broadcast_in_dim3A_1775 : f32 to vector<16xf32>
    %eq3A_1777 = arith.cmpf oeq, %select_n3A_1754, %broadcast_in_dim3A_1776 : vector<16xf32>
    %select_n3A_1778 = arith.select %eq3A_1777, %broadcast_in_dim3A_4, %get3A_1698 : vector<16xi1>, vector<16xf32>
    %max3A_1779 = arith.maximumf %max3A_1774, %select_n3A_1778 : vector<16xf32>
    %broadcast_in_dim3A_1780 = arith.constant 5.000000e+00 : f32
    %broadcast_in_dim3A_1781 = vector.broadcast %broadcast_in_dim3A_1780 : f32 to vector<16xf32>
    %eq3A_1782 = arith.cmpf oeq, %select_n3A_1754, %broadcast_in_dim3A_1781 : vector<16xf32>
    %select_n3A_1783 = arith.select %eq3A_1782, %broadcast_in_dim3A_4, %get3A_1703 : vector<16xi1>, vector<16xf32>
    %max3A_1784 = arith.maximumf %max3A_1779, %select_n3A_1783 : vector<16xf32>
    %broadcast_in_dim3A_1785 = arith.constant 6.000000e+00 : f32
    %broadcast_in_dim3A_1786 = vector.broadcast %broadcast_in_dim3A_1785 : f32 to vector<16xf32>
    %eq3A_1787 = arith.cmpf oeq, %select_n3A_1754, %broadcast_in_dim3A_1786 : vector<16xf32>
    %select_n3A_1788 = arith.select %eq3A_1787, %broadcast_in_dim3A_4, %get3A_1708 : vector<16xi1>, vector<16xf32>
    %max3A_1789 = arith.maximumf %max3A_1784, %select_n3A_1788 : vector<16xf32>
    %broadcast_in_dim3A_1790 = arith.constant 7.000000e+00 : f32
    %broadcast_in_dim3A_1791 = vector.broadcast %broadcast_in_dim3A_1790 : f32 to vector<16xf32>
    %eq3A_1792 = arith.cmpf oeq, %select_n3A_1754, %broadcast_in_dim3A_1791 : vector<16xf32>
    %select_n3A_1793 = arith.select %eq3A_1792, %broadcast_in_dim3A_4, %get3A_1713 : vector<16xi1>, vector<16xf32>
    %max3A_1794 = arith.maximumf %max3A_1789, %select_n3A_1793 : vector<16xf32>
    %broadcast_in_dim3A_1795 = arith.constant 8.000000e+00 : f32
    %broadcast_in_dim3A_1796 = vector.broadcast %broadcast_in_dim3A_1795 : f32 to vector<16xf32>
    %broadcast_in_dim3A_1797 = arith.constant 7.000000e+00 : f32
    %broadcast_in_dim3A_1798 = vector.broadcast %broadcast_in_dim3A_1797 : f32 to vector<16xf32>
    %eq3A_1799 = arith.cmpf oeq, %select_n3A_1754, %broadcast_in_dim3A_1798 : vector<16xf32>
    %select_n3A_1800 = arith.select %eq3A_1799, %broadcast_in_dim3A_1796, %broadcast_in_dim3A_1798 : vector<16xi1>, vector<16xf32>
    %eq3A_1801 = arith.cmpf oeq, %get3A_1713, %max3A_1794 : vector<16xf32>
    %select_n3A_1802 = arith.select %eq3A_1801, %select_n3A_1800, %broadcast_in_dim3A_1796 : vector<16xi1>, vector<16xf32>
    %broadcast_in_dim3A_1803 = arith.constant 6.000000e+00 : f32
    %broadcast_in_dim3A_1804 = vector.broadcast %broadcast_in_dim3A_1803 : f32 to vector<16xf32>
    %eq3A_1805 = arith.cmpf oeq, %select_n3A_1754, %broadcast_in_dim3A_1804 : vector<16xf32>
    %select_n3A_1806 = arith.select %eq3A_1805, %select_n3A_1802, %broadcast_in_dim3A_1804 : vector<16xi1>, vector<16xf32>
    %eq3A_1807 = arith.cmpf oeq, %get3A_1708, %max3A_1794 : vector<16xf32>
    %select_n3A_1808 = arith.select %eq3A_1807, %select_n3A_1806, %select_n3A_1802 : vector<16xi1>, vector<16xf32>
    %broadcast_in_dim3A_1809 = arith.constant 5.000000e+00 : f32
    %broadcast_in_dim3A_1810 = vector.broadcast %broadcast_in_dim3A_1809 : f32 to vector<16xf32>
    %eq3A_1811 = arith.cmpf oeq, %select_n3A_1754, %broadcast_in_dim3A_1810 : vector<16xf32>
    %select_n3A_1812 = arith.select %eq3A_1811, %select_n3A_1808, %broadcast_in_dim3A_1810 : vector<16xi1>, vector<16xf32>
    %eq3A_1813 = arith.cmpf oeq, %get3A_1703, %max3A_1794 : vector<16xf32>
    %select_n3A_1814 = arith.select %eq3A_1813, %select_n3A_1812, %select_n3A_1808 : vector<16xi1>, vector<16xf32>
    %broadcast_in_dim3A_1815 = arith.constant 4.000000e+00 : f32
    %broadcast_in_dim3A_1816 = vector.broadcast %broadcast_in_dim3A_1815 : f32 to vector<16xf32>
    %eq3A_1817 = arith.cmpf oeq, %select_n3A_1754, %broadcast_in_dim3A_1816 : vector<16xf32>
    %select_n3A_1818 = arith.select %eq3A_1817, %select_n3A_1814, %broadcast_in_dim3A_1816 : vector<16xi1>, vector<16xf32>
    %eq3A_1819 = arith.cmpf oeq, %get3A_1698, %max3A_1794 : vector<16xf32>
    %select_n3A_1820 = arith.select %eq3A_1819, %select_n3A_1818, %select_n3A_1814 : vector<16xi1>, vector<16xf32>
    %broadcast_in_dim3A_1821 = arith.constant 3.000000e+00 : f32
    %broadcast_in_dim3A_1822 = vector.broadcast %broadcast_in_dim3A_1821 : f32 to vector<16xf32>
    %eq3A_1823 = arith.cmpf oeq, %select_n3A_1754, %broadcast_in_dim3A_1822 : vector<16xf32>
    %select_n3A_1824 = arith.select %eq3A_1823, %select_n3A_1820, %broadcast_in_dim3A_1822 : vector<16xi1>, vector<16xf32>
    %eq3A_1825 = arith.cmpf oeq, %get3A_1693, %max3A_1794 : vector<16xf32>
    %select_n3A_1826 = arith.select %eq3A_1825, %select_n3A_1824, %select_n3A_1820 : vector<16xi1>, vector<16xf32>
    %broadcast_in_dim3A_1827 = arith.constant 2.000000e+00 : f32
    %broadcast_in_dim3A_1828 = vector.broadcast %broadcast_in_dim3A_1827 : f32 to vector<16xf32>
    %eq3A_1829 = arith.cmpf oeq, %select_n3A_1754, %broadcast_in_dim3A_1828 : vector<16xf32>
    %select_n3A_1830 = arith.select %eq3A_1829, %select_n3A_1826, %broadcast_in_dim3A_1828 : vector<16xi1>, vector<16xf32>
    %eq3A_1831 = arith.cmpf oeq, %get3A_1688, %max3A_1794 : vector<16xf32>
    %select_n3A_1832 = arith.select %eq3A_1831, %select_n3A_1830, %select_n3A_1826 : vector<16xi1>, vector<16xf32>
    %broadcast_in_dim3A_1833 = arith.constant 1.000000e+00 : f32
    %broadcast_in_dim3A_1834 = vector.broadcast %broadcast_in_dim3A_1833 : f32 to vector<16xf32>
    %eq3A_1835 = arith.cmpf oeq, %select_n3A_1754, %broadcast_in_dim3A_1834 : vector<16xf32>
    %select_n3A_1836 = arith.select %eq3A_1835, %select_n3A_1832, %broadcast_in_dim3A_1834 : vector<16xi1>, vector<16xf32>
    %eq3A_1837 = arith.cmpf oeq, %get3A_1683, %max3A_1794 : vector<16xf32>
    %select_n3A_1838 = arith.select %eq3A_1837, %select_n3A_1836, %select_n3A_1832 : vector<16xi1>, vector<16xf32>
    %broadcast_in_dim3A_1839 = arith.constant 0.000000e+00 : f32
    %broadcast_in_dim3A_1840 = vector.broadcast %broadcast_in_dim3A_1839 : f32 to vector<16xf32>
    %eq3A_1841 = arith.cmpf oeq, %select_n3A_1754, %broadcast_in_dim3A_1840 : vector<16xf32>
    %select_n3A_1842 = arith.select %eq3A_1841, %select_n3A_1838, %broadcast_in_dim3A_1840 : vector<16xi1>, vector<16xf32>
    %eq3A_1843 = arith.cmpf oeq, %get3A_1678, %max3A_1794 : vector<16xf32>
    %select_n3A_1844 = arith.select %eq3A_1843, %select_n3A_1842, %select_n3A_1838 : vector<16xi1>, vector<16xf32>
    %broadcast_in_dim3A_1845 = arith.constant 1.000000e+00 : f32
    %broadcast_in_dim3A_1846 = vector.broadcast %broadcast_in_dim3A_1845 : f32 to vector<16xf32>
    %broadcast_in_dim3A_1847 = arith.constant 0.000000e+00 : f32
    %broadcast_in_dim3A_1848 = vector.broadcast %broadcast_in_dim3A_1847 : f32 to vector<16xf32>
    %broadcast_in_dim3A_1849 = arith.constant 0.000000e+00 : f32
    %broadcast_in_dim3A_1850 = vector.broadcast %broadcast_in_dim3A_1849 : f32 to vector<16xf32>
    %eq3A_1851 = arith.cmpf oeq, %select_n3A_1754, %broadcast_in_dim3A_1850 : vector<16xf32>
    %select_n3A_1852 = arith.select %eq3A_1851, %broadcast_in_dim3A_1846, %broadcast_in_dim3A_1848 : vector<16xi1>, vector<16xf32>
    %eq3A_1853 = arith.cmpf oeq, %select_n3A_1844, %broadcast_in_dim3A_1850 : vector<16xf32>
    %select_n3A_1854 = arith.select %eq3A_1853, %broadcast_in_dim3A_1846, %broadcast_in_dim3A_1848 : vector<16xi1>, vector<16xf32>
    %max3A_1855 = arith.maximumf %select_n3A_1852, %select_n3A_1854 : vector<16xf32>
    %swap3A_1856 = arith.constant 0 : i32
    %swap3A_1857 = arith.index_cast %swap3A_1856 : i32 to index
    %swap3A_1858 = arith.constant 96 : index
    %swap3A_1859 = tpu.vector_load %arg5[%swap3A_1857, %swap3A_1858] {strides = array<i32>} : memref<8x128xf32, #tpu.memory_space<vmem>>, vector<1x16xf32>,
    %swap3A_1860 = vector.shape_cast %swap3A_1859 : vector<1x16xf32> to vector<16xf32>
    %swap3A_1861 = vector.shape_cast %max3A_1855 : vector<16xf32> to vector<1x16xf32>
    tpu.vector_store %arg5[%swap3A_1857, %swap3A_1858], %swap3A_1861 {strides = array<i32>} : memref<8x128xf32, #tpu.memory_space<vmem>>, vector<1x16xf32>,
    %broadcast_in_dim3A_1862 = arith.constant 1.000000e+00 : f32
    %broadcast_in_dim3A_1863 = vector.broadcast %broadcast_in_dim3A_1862 : f32 to vector<16xf32>
    %eq3A_1864 = arith.cmpf oeq, %select_n3A_1754, %broadcast_in_dim3A_1863 : vector<16xf32>
    %select_n3A_1865 = arith.select %eq3A_1864, %broadcast_in_dim3A_1846, %broadcast_in_dim3A_1848 : vector<16xi1>, vector<16xf32>
    %eq3A_1866 = arith.cmpf oeq, %select_n3A_1844, %broadcast_in_dim3A_1863 : vector<16xf32>
    %select_n3A_1867 = arith.select %eq3A_1866, %broadcast_in_dim3A_1846, %broadcast_in_dim3A_1848 : vector<16xi1>, vector<16xf32>
    %max3A_1868 = arith.maximumf %select_n3A_1865, %select_n3A_1867 : vector<16xf32>
    %swap3A_1869 = arith.constant 1 : i32
    %swap3A_1870 = arith.index_cast %swap3A_1869 : i32 to index
    %swap3A_1871 = arith.constant 96 : index
    %swap3A_1872 = tpu.vector_load %arg5[%swap3A_1870, %swap3A_1871] {strides = array<i32>} : memref<8x128xf32, #tpu.memory_space<vmem>>, vector<1x16xf32>,
    %swap3A_1873 = vector.shape_cast %swap3A_1872 : vector<1x16xf32> to vector<16xf32>
    %swap3A_1874 = vector.shape_cast %max3A_1868 : vector<16xf32> to vector<1x16xf32>
    tpu.vector_store %arg5[%swap3A_1870, %swap3A_1871], %swap3A_1874 {strides = array<i32>} : memref<8x128xf32, #tpu.memory_space<vmem>>, vector<1x16xf32>,
    %broadcast_in_dim3A_1875 = arith.constant 2.000000e+00 : f32
    %broadcast_in_dim3A_1876 = vector.broadcast %broadcast_in_dim3A_1875 : f32 to vector<16xf32>
    %eq3A_1877 = arith.cmpf oeq, %select_n3A_1754, %broadcast_in_dim3A_1876 : vector<16xf32>
    %select_n3A_1878 = arith.select %eq3A_1877, %broadcast_in_dim3A_1846, %broadcast_in_dim3A_1848 : vector<16xi1>, vector<16xf32>
    %eq3A_1879 = arith.cmpf oeq, %select_n3A_1844, %broadcast_in_dim3A_1876 : vector<16xf32>
    %select_n3A_1880 = arith.select %eq3A_1879, %broadcast_in_dim3A_1846, %broadcast_in_dim3A_1848 : vector<16xi1>, vector<16xf32>
    %max3A_1881 = arith.maximumf %select_n3A_1878, %select_n3A_1880 : vector<16xf32>
    %swap3A_1882 = arith.constant 2 : i32
    %swap3A_1883 = arith.index_cast %swap3A_1882 : i32 to index
    %swap3A_1884 = arith.constant 96 : index
    %swap3A_1885 = tpu.vector_load %arg5[%swap3A_1883, %swap3A_1884] {strides = array<i32>} : memref<8x128xf32, #tpu.memory_space<vmem>>, vector<1x16xf32>,
    %swap3A_1886 = vector.shape_cast %swap3A_1885 : vector<1x16xf32> to vector<16xf32>
    %swap3A_1887 = vector.shape_cast %max3A_1881 : vector<16xf32> to vector<1x16xf32>
    tpu.vector_store %arg5[%swap3A_1883, %swap3A_1884], %swap3A_1887 {strides = array<i32>} : memref<8x128xf32, #tpu.memory_space<vmem>>, vector<1x16xf32>,
    %broadcast_in_dim3A_1888 = arith.constant 3.000000e+00 : f32
    %broadcast_in_dim3A_1889 = vector.broadcast %broadcast_in_dim3A_1888 : f32 to vector<16xf32>
    %eq3A_1890 = arith.cmpf oeq, %select_n3A_1754, %broadcast_in_dim3A_1889 : vector<16xf32>
    %select_n3A_1891 = arith.select %eq3A_1890, %broadcast_in_dim3A_1846, %broadcast_in_dim3A_1848 : vector<16xi1>, vector<16xf32>
    %eq3A_1892 = arith.cmpf oeq, %select_n3A_1844, %broadcast_in_dim3A_1889 : vector<16xf32>
    %select_n3A_1893 = arith.select %eq3A_1892, %broadcast_in_dim3A_1846, %broadcast_in_dim3A_1848 : vector<16xi1>, vector<16xf32>
    %max3A_1894 = arith.maximumf %select_n3A_1891, %select_n3A_1893 : vector<16xf32>
    %swap3A_1895 = arith.constant 3 : i32
    %swap3A_1896 = arith.index_cast %swap3A_1895 : i32 to index
    %swap3A_1897 = arith.constant 96 : index
    %swap3A_1898 = tpu.vector_load %arg5[%swap3A_1896, %swap3A_1897] {strides = array<i32>} : memref<8x128xf32, #tpu.memory_space<vmem>>, vector<1x16xf32>,
    %swap3A_1899 = vector.shape_cast %swap3A_1898 : vector<1x16xf32> to vector<16xf32>
    %swap3A_1900 = vector.shape_cast %max3A_1894 : vector<16xf32> to vector<1x16xf32>
    tpu.vector_store %arg5[%swap3A_1896, %swap3A_1897], %swap3A_1900 {strides = array<i32>} : memref<8x128xf32, #tpu.memory_space<vmem>>, vector<1x16xf32>,
    %broadcast_in_dim3A_1901 = arith.constant 4.000000e+00 : f32
    %broadcast_in_dim3A_1902 = vector.broadcast %broadcast_in_dim3A_1901 : f32 to vector<16xf32>
    %eq3A_1903 = arith.cmpf oeq, %select_n3A_1754, %broadcast_in_dim3A_1902 : vector<16xf32>
    %select_n3A_1904 = arith.select %eq3A_1903, %broadcast_in_dim3A_1846, %broadcast_in_dim3A_1848 : vector<16xi1>, vector<16xf32>
    %eq3A_1905 = arith.cmpf oeq, %select_n3A_1844, %broadcast_in_dim3A_1902 : vector<16xf32>
    %select_n3A_1906 = arith.select %eq3A_1905, %broadcast_in_dim3A_1846, %broadcast_in_dim3A_1848 : vector<16xi1>, vector<16xf32>
    %max3A_1907 = arith.maximumf %select_n3A_1904, %select_n3A_1906 : vector<16xf32>
    %swap3A_1908 = arith.constant 4 : i32
    %swap3A_1909 = arith.index_cast %swap3A_1908 : i32 to index
    %swap3A_1910 = arith.constant 96 : index
    %swap3A_1911 = tpu.vector_load %arg5[%swap3A_1909, %swap3A_1910] {strides = array<i32>} : memref<8x128xf32, #tpu.memory_space<vmem>>, vector<1x16xf32>,
    %swap3A_1912 = vector.shape_cast %swap3A_1911 : vector<1x16xf32> to vector<16xf32>
    %swap3A_1913 = vector.shape_cast %max3A_1907 : vector<16xf32> to vector<1x16xf32>
    tpu.vector_store %arg5[%swap3A_1909, %swap3A_1910], %swap3A_1913 {strides = array<i32>} : memref<8x128xf32, #tpu.memory_space<vmem>>, vector<1x16xf32>,
    %broadcast_in_dim3A_1914 = arith.constant 5.000000e+00 : f32
    %broadcast_in_dim3A_1915 = vector.broadcast %broadcast_in_dim3A_1914 : f32 to vector<16xf32>
    %eq3A_1916 = arith.cmpf oeq, %select_n3A_1754, %broadcast_in_dim3A_1915 : vector<16xf32>
    %select_n3A_1917 = arith.select %eq3A_1916, %broadcast_in_dim3A_1846, %broadcast_in_dim3A_1848 : vector<16xi1>, vector<16xf32>
    %eq3A_1918 = arith.cmpf oeq, %select_n3A_1844, %broadcast_in_dim3A_1915 : vector<16xf32>
    %select_n3A_1919 = arith.select %eq3A_1918, %broadcast_in_dim3A_1846, %broadcast_in_dim3A_1848 : vector<16xi1>, vector<16xf32>
    %max3A_1920 = arith.maximumf %select_n3A_1917, %select_n3A_1919 : vector<16xf32>
    %swap3A_1921 = arith.constant 5 : i32
    %swap3A_1922 = arith.index_cast %swap3A_1921 : i32 to index
    %swap3A_1923 = arith.constant 96 : index
    %swap3A_1924 = tpu.vector_load %arg5[%swap3A_1922, %swap3A_1923] {strides = array<i32>} : memref<8x128xf32, #tpu.memory_space<vmem>>, vector<1x16xf32>,
    %swap3A_1925 = vector.shape_cast %swap3A_1924 : vector<1x16xf32> to vector<16xf32>
    %swap3A_1926 = vector.shape_cast %max3A_1920 : vector<16xf32> to vector<1x16xf32>
    tpu.vector_store %arg5[%swap3A_1922, %swap3A_1923], %swap3A_1926 {strides = array<i32>} : memref<8x128xf32, #tpu.memory_space<vmem>>, vector<1x16xf32>,
    %broadcast_in_dim3A_1927 = arith.constant 6.000000e+00 : f32
    %broadcast_in_dim3A_1928 = vector.broadcast %broadcast_in_dim3A_1927 : f32 to vector<16xf32>
    %eq3A_1929 = arith.cmpf oeq, %select_n3A_1754, %broadcast_in_dim3A_1928 : vector<16xf32>
    %select_n3A_1930 = arith.select %eq3A_1929, %broadcast_in_dim3A_1846, %broadcast_in_dim3A_1848 : vector<16xi1>, vector<16xf32>
    %eq3A_1931 = arith.cmpf oeq, %select_n3A_1844, %broadcast_in_dim3A_1928 : vector<16xf32>
    %select_n3A_1932 = arith.select %eq3A_1931, %broadcast_in_dim3A_1846, %broadcast_in_dim3A_1848 : vector<16xi1>, vector<16xf32>
    %max3A_1933 = arith.maximumf %select_n3A_1930, %select_n3A_1932 : vector<16xf32>
    %swap3A_1934 = arith.constant 6 : i32
    %swap3A_1935 = arith.index_cast %swap3A_1934 : i32 to index
    %swap3A_1936 = arith.constant 96 : index
    %swap3A_1937 = tpu.vector_load %arg5[%swap3A_1935, %swap3A_1936] {strides = array<i32>} : memref<8x128xf32, #tpu.memory_space<vmem>>, vector<1x16xf32>,
    %swap3A_1938 = vector.shape_cast %swap3A_1937 : vector<1x16xf32> to vector<16xf32>
    %swap3A_1939 = vector.shape_cast %max3A_1933 : vector<16xf32> to vector<1x16xf32>
    tpu.vector_store %arg5[%swap3A_1935, %swap3A_1936], %swap3A_1939 {strides = array<i32>} : memref<8x128xf32, #tpu.memory_space<vmem>>, vector<1x16xf32>,
    %broadcast_in_dim3A_1940 = arith.constant 7.000000e+00 : f32
    %broadcast_in_dim3A_1941 = vector.broadcast %broadcast_in_dim3A_1940 : f32 to vector<16xf32>
    %eq3A_1942 = arith.cmpf oeq, %select_n3A_1754, %broadcast_in_dim3A_1941 : vector<16xf32>
    %select_n3A_1943 = arith.select %eq3A_1942, %broadcast_in_dim3A_1846, %broadcast_in_dim3A_1848 : vector<16xi1>, vector<16xf32>
    %eq3A_1944 = arith.cmpf oeq, %select_n3A_1844, %broadcast_in_dim3A_1941 : vector<16xf32>
    %select_n3A_1945 = arith.select %eq3A_1944, %broadcast_in_dim3A_1846, %broadcast_in_dim3A_1848 : vector<16xi1>, vector<16xf32>
    %max3A_1946 = arith.maximumf %select_n3A_1943, %select_n3A_1945 : vector<16xf32>
    %swap3A_1947 = arith.constant 7 : i32
    %swap3A_1948 = arith.index_cast %swap3A_1947 : i32 to index
    %swap3A_1949 = arith.constant 96 : index
    %swap3A_1950 = tpu.vector_load %arg5[%swap3A_1948, %swap3A_1949] {strides = array<i32>} : memref<8x128xf32, #tpu.memory_space<vmem>>, vector<1x16xf32>,
    %swap3A_1951 = vector.shape_cast %swap3A_1950 : vector<1x16xf32> to vector<16xf32>
    %swap3A_1952 = vector.shape_cast %max3A_1946 : vector<16xf32> to vector<1x16xf32>
    tpu.vector_store %arg5[%swap3A_1948, %swap3A_1949], %swap3A_1952 {strides = array<i32>} : memref<8x128xf32, #tpu.memory_space<vmem>>, vector<1x16xf32>,
    %get3A_1953 = arith.constant 0 : i32
    %get3A_1954 = arith.index_cast %get3A_1953 : i32 to index
    %get3A_1955 = arith.constant 112 : index
    %get3A_1956 = tpu.vector_load %arg4[%get3A_1954, %get3A_1955] {strides = array<i32>} : memref<8x128xf32, #tpu.memory_space<vmem>>, vector<1x16xf32>,
    %get3A_1957 = vector.shape_cast %get3A_1956 : vector<1x16xf32> to vector<16xf32>
    %get3A_1958 = arith.constant 1 : i32
    %get3A_1959 = arith.index_cast %get3A_1958 : i32 to index
    %get3A_1960 = arith.constant 112 : index
    %get3A_1961 = tpu.vector_load %arg4[%get3A_1959, %get3A_1960] {strides = array<i32>} : memref<8x128xf32, #tpu.memory_space<vmem>>, vector<1x16xf32>,
    %get3A_1962 = vector.shape_cast %get3A_1961 : vector<1x16xf32> to vector<16xf32>
    %get3A_1963 = arith.constant 2 : i32
    %get3A_1964 = arith.index_cast %get3A_1963 : i32 to index
    %get3A_1965 = arith.constant 112 : index
    %get3A_1966 = tpu.vector_load %arg4[%get3A_1964, %get3A_1965] {strides = array<i32>} : memref<8x128xf32, #tpu.memory_space<vmem>>, vector<1x16xf32>,
    %get3A_1967 = vector.shape_cast %get3A_1966 : vector<1x16xf32> to vector<16xf32>
    %get3A_1968 = arith.constant 3 : i32
    %get3A_1969 = arith.index_cast %get3A_1968 : i32 to index
    %get3A_1970 = arith.constant 112 : index
    %get3A_1971 = tpu.vector_load %arg4[%get3A_1969, %get3A_1970] {strides = array<i32>} : memref<8x128xf32, #tpu.memory_space<vmem>>, vector<1x16xf32>,
    %get3A_1972 = vector.shape_cast %get3A_1971 : vector<1x16xf32> to vector<16xf32>
    %get3A_1973 = arith.constant 4 : i32
    %get3A_1974 = arith.index_cast %get3A_1973 : i32 to index
    %get3A_1975 = arith.constant 112 : index
    %get3A_1976 = tpu.vector_load %arg4[%get3A_1974, %get3A_1975] {strides = array<i32>} : memref<8x128xf32, #tpu.memory_space<vmem>>, vector<1x16xf32>,
    %get3A_1977 = vector.shape_cast %get3A_1976 : vector<1x16xf32> to vector<16xf32>
    %get3A_1978 = arith.constant 5 : i32
    %get3A_1979 = arith.index_cast %get3A_1978 : i32 to index
    %get3A_1980 = arith.constant 112 : index
    %get3A_1981 = tpu.vector_load %arg4[%get3A_1979, %get3A_1980] {strides = array<i32>} : memref<8x128xf32, #tpu.memory_space<vmem>>, vector<1x16xf32>,
    %get3A_1982 = vector.shape_cast %get3A_1981 : vector<1x16xf32> to vector<16xf32>
    %get3A_1983 = arith.constant 6 : i32
    %get3A_1984 = arith.index_cast %get3A_1983 : i32 to index
    %get3A_1985 = arith.constant 112 : index
    %get3A_1986 = tpu.vector_load %arg4[%get3A_1984, %get3A_1985] {strides = array<i32>} : memref<8x128xf32, #tpu.memory_space<vmem>>, vector<1x16xf32>,
    %get3A_1987 = vector.shape_cast %get3A_1986 : vector<1x16xf32> to vector<16xf32>
    %get3A_1988 = arith.constant 7 : i32
    %get3A_1989 = arith.index_cast %get3A_1988 : i32 to index
    %get3A_1990 = arith.constant 112 : index
    %get3A_1991 = tpu.vector_load %arg4[%get3A_1989, %get3A_1990] {strides = array<i32>} : memref<8x128xf32, #tpu.memory_space<vmem>>, vector<1x16xf32>,
    %get3A_1992 = vector.shape_cast %get3A_1991 : vector<1x16xf32> to vector<16xf32>
    %max3A_1993 = arith.maximumf %get3A_1957, %get3A_1962 : vector<16xf32>
    %max3A_1994 = arith.maximumf %max3A_1993, %get3A_1967 : vector<16xf32>
    %max3A_1995 = arith.maximumf %max3A_1994, %get3A_1972 : vector<16xf32>
    %max3A_1996 = arith.maximumf %max3A_1995, %get3A_1977 : vector<16xf32>
    %max3A_1997 = arith.maximumf %max3A_1996, %get3A_1982 : vector<16xf32>
    %max3A_1998 = arith.maximumf %max3A_1997, %get3A_1987 : vector<16xf32>
    %max3A_1999 = arith.maximumf %max3A_1998, %get3A_1992 : vector<16xf32>
    %broadcast_in_dim3A_2000 = arith.constant 8.000000e+00 : f32
    %broadcast_in_dim3A_2001 = vector.broadcast %broadcast_in_dim3A_2000 : f32 to vector<16xf32>
    %broadcast_in_dim3A_2002 = arith.constant 7.000000e+00 : f32
    %broadcast_in_dim3A_2003 = vector.broadcast %broadcast_in_dim3A_2002 : f32 to vector<16xf32>
    %eq3A_2004 = arith.cmpf oeq, %get3A_1992, %max3A_1999 : vector<16xf32>
    %select_n3A_2005 = arith.select %eq3A_2004, %broadcast_in_dim3A_2003, %broadcast_in_dim3A_2001 : vector<16xi1>, vector<16xf32>
    %broadcast_in_dim3A_2006 = arith.constant 6.000000e+00 : f32
    %broadcast_in_dim3A_2007 = vector.broadcast %broadcast_in_dim3A_2006 : f32 to vector<16xf32>
    %eq3A_2008 = arith.cmpf oeq, %get3A_1987, %max3A_1999 : vector<16xf32>
    %select_n3A_2009 = arith.select %eq3A_2008, %broadcast_in_dim3A_2007, %select_n3A_2005 : vector<16xi1>, vector<16xf32>
    %broadcast_in_dim3A_2010 = arith.constant 5.000000e+00 : f32
    %broadcast_in_dim3A_2011 = vector.broadcast %broadcast_in_dim3A_2010 : f32 to vector<16xf32>
    %eq3A_2012 = arith.cmpf oeq, %get3A_1982, %max3A_1999 : vector<16xf32>
    %select_n3A_2013 = arith.select %eq3A_2012, %broadcast_in_dim3A_2011, %select_n3A_2009 : vector<16xi1>, vector<16xf32>
    %broadcast_in_dim3A_2014 = arith.constant 4.000000e+00 : f32
    %broadcast_in_dim3A_2015 = vector.broadcast %broadcast_in_dim3A_2014 : f32 to vector<16xf32>
    %eq3A_2016 = arith.cmpf oeq, %get3A_1977, %max3A_1999 : vector<16xf32>
    %select_n3A_2017 = arith.select %eq3A_2016, %broadcast_in_dim3A_2015, %select_n3A_2013 : vector<16xi1>, vector<16xf32>
    %broadcast_in_dim3A_2018 = arith.constant 3.000000e+00 : f32
    %broadcast_in_dim3A_2019 = vector.broadcast %broadcast_in_dim3A_2018 : f32 to vector<16xf32>
    %eq3A_2020 = arith.cmpf oeq, %get3A_1972, %max3A_1999 : vector<16xf32>
    %select_n3A_2021 = arith.select %eq3A_2020, %broadcast_in_dim3A_2019, %select_n3A_2017 : vector<16xi1>, vector<16xf32>
    %broadcast_in_dim3A_2022 = arith.constant 2.000000e+00 : f32
    %broadcast_in_dim3A_2023 = vector.broadcast %broadcast_in_dim3A_2022 : f32 to vector<16xf32>
    %eq3A_2024 = arith.cmpf oeq, %get3A_1967, %max3A_1999 : vector<16xf32>
    %select_n3A_2025 = arith.select %eq3A_2024, %broadcast_in_dim3A_2023, %select_n3A_2021 : vector<16xi1>, vector<16xf32>
    %broadcast_in_dim3A_2026 = arith.constant 1.000000e+00 : f32
    %broadcast_in_dim3A_2027 = vector.broadcast %broadcast_in_dim3A_2026 : f32 to vector<16xf32>
    %eq3A_2028 = arith.cmpf oeq, %get3A_1962, %max3A_1999 : vector<16xf32>
    %select_n3A_2029 = arith.select %eq3A_2028, %broadcast_in_dim3A_2027, %select_n3A_2025 : vector<16xi1>, vector<16xf32>
    %broadcast_in_dim3A_2030 = arith.constant 0.000000e+00 : f32
    %broadcast_in_dim3A_2031 = vector.broadcast %broadcast_in_dim3A_2030 : f32 to vector<16xf32>
    %eq3A_2032 = arith.cmpf oeq, %get3A_1957, %max3A_1999 : vector<16xf32>
    %select_n3A_2033 = arith.select %eq3A_2032, %broadcast_in_dim3A_2031, %select_n3A_2029 : vector<16xi1>, vector<16xf32>
    %broadcast_in_dim3A_2034 = arith.constant 0.000000e+00 : f32
    %broadcast_in_dim3A_2035 = vector.broadcast %broadcast_in_dim3A_2034 : f32 to vector<16xf32>
    %eq3A_2036 = arith.cmpf oeq, %select_n3A_2033, %broadcast_in_dim3A_2035 : vector<16xf32>
    %select_n3A_2037 = arith.select %eq3A_2036, %broadcast_in_dim3A_4, %get3A_1957 : vector<16xi1>, vector<16xf32>
    %max3A_2038 = arith.maximumf %broadcast_in_dim3A_4, %select_n3A_2037 : vector<16xf32>
    %broadcast_in_dim3A_2039 = arith.constant 1.000000e+00 : f32
    %broadcast_in_dim3A_2040 = vector.broadcast %broadcast_in_dim3A_2039 : f32 to vector<16xf32>
    %eq3A_2041 = arith.cmpf oeq, %select_n3A_2033, %broadcast_in_dim3A_2040 : vector<16xf32>
    %select_n3A_2042 = arith.select %eq3A_2041, %broadcast_in_dim3A_4, %get3A_1962 : vector<16xi1>, vector<16xf32>
    %max3A_2043 = arith.maximumf %max3A_2038, %select_n3A_2042 : vector<16xf32>
    %broadcast_in_dim3A_2044 = arith.constant 2.000000e+00 : f32
    %broadcast_in_dim3A_2045 = vector.broadcast %broadcast_in_dim3A_2044 : f32 to vector<16xf32>
    %eq3A_2046 = arith.cmpf oeq, %select_n3A_2033, %broadcast_in_dim3A_2045 : vector<16xf32>
    %select_n3A_2047 = arith.select %eq3A_2046, %broadcast_in_dim3A_4, %get3A_1967 : vector<16xi1>, vector<16xf32>
    %max3A_2048 = arith.maximumf %max3A_2043, %select_n3A_2047 : vector<16xf32>
    %broadcast_in_dim3A_2049 = arith.constant 3.000000e+00 : f32
    %broadcast_in_dim3A_2050 = vector.broadcast %broadcast_in_dim3A_2049 : f32 to vector<16xf32>
    %eq3A_2051 = arith.cmpf oeq, %select_n3A_2033, %broadcast_in_dim3A_2050 : vector<16xf32>
    %select_n3A_2052 = arith.select %eq3A_2051, %broadcast_in_dim3A_4, %get3A_1972 : vector<16xi1>, vector<16xf32>
    %max3A_2053 = arith.maximumf %max3A_2048, %select_n3A_2052 : vector<16xf32>
    %broadcast_in_dim3A_2054 = arith.constant 4.000000e+00 : f32
    %broadcast_in_dim3A_2055 = vector.broadcast %broadcast_in_dim3A_2054 : f32 to vector<16xf32>
    %eq3A_2056 = arith.cmpf oeq, %select_n3A_2033, %broadcast_in_dim3A_2055 : vector<16xf32>
    %select_n3A_2057 = arith.select %eq3A_2056, %broadcast_in_dim3A_4, %get3A_1977 : vector<16xi1>, vector<16xf32>
    %max3A_2058 = arith.maximumf %max3A_2053, %select_n3A_2057 : vector<16xf32>
    %broadcast_in_dim3A_2059 = arith.constant 5.000000e+00 : f32
    %broadcast_in_dim3A_2060 = vector.broadcast %broadcast_in_dim3A_2059 : f32 to vector<16xf32>
    %eq3A_2061 = arith.cmpf oeq, %select_n3A_2033, %broadcast_in_dim3A_2060 : vector<16xf32>
    %select_n3A_2062 = arith.select %eq3A_2061, %broadcast_in_dim3A_4, %get3A_1982 : vector<16xi1>, vector<16xf32>
    %max3A_2063 = arith.maximumf %max3A_2058, %select_n3A_2062 : vector<16xf32>
    %broadcast_in_dim3A_2064 = arith.constant 6.000000e+00 : f32
    %broadcast_in_dim3A_2065 = vector.broadcast %broadcast_in_dim3A_2064 : f32 to vector<16xf32>
    %eq3A_2066 = arith.cmpf oeq, %select_n3A_2033, %broadcast_in_dim3A_2065 : vector<16xf32>
    %select_n3A_2067 = arith.select %eq3A_2066, %broadcast_in_dim3A_4, %get3A_1987 : vector<16xi1>, vector<16xf32>
    %max3A_2068 = arith.maximumf %max3A_2063, %select_n3A_2067 : vector<16xf32>
    %broadcast_in_dim3A_2069 = arith.constant 7.000000e+00 : f32
    %broadcast_in_dim3A_2070 = vector.broadcast %broadcast_in_dim3A_2069 : f32 to vector<16xf32>
    %eq3A_2071 = arith.cmpf oeq, %select_n3A_2033, %broadcast_in_dim3A_2070 : vector<16xf32>
    %select_n3A_2072 = arith.select %eq3A_2071, %broadcast_in_dim3A_4, %get3A_1992 : vector<16xi1>, vector<16xf32>
    %max3A_2073 = arith.maximumf %max3A_2068, %select_n3A_2072 : vector<16xf32>
    %broadcast_in_dim3A_2074 = arith.constant 8.000000e+00 : f32
    %broadcast_in_dim3A_2075 = vector.broadcast %broadcast_in_dim3A_2074 : f32 to vector<16xf32>
    %broadcast_in_dim3A_2076 = arith.constant 7.000000e+00 : f32
    %broadcast_in_dim3A_2077 = vector.broadcast %broadcast_in_dim3A_2076 : f32 to vector<16xf32>
    %eq3A_2078 = arith.cmpf oeq, %select_n3A_2033, %broadcast_in_dim3A_2077 : vector<16xf32>
    %select_n3A_2079 = arith.select %eq3A_2078, %broadcast_in_dim3A_2075, %broadcast_in_dim3A_2077 : vector<16xi1>, vector<16xf32>
    %eq3A_2080 = arith.cmpf oeq, %get3A_1992, %max3A_2073 : vector<16xf32>
    %select_n3A_2081 = arith.select %eq3A_2080, %select_n3A_2079, %broadcast_in_dim3A_2075 : vector<16xi1>, vector<16xf32>
    %broadcast_in_dim3A_2082 = arith.constant 6.000000e+00 : f32
    %broadcast_in_dim3A_2083 = vector.broadcast %broadcast_in_dim3A_2082 : f32 to vector<16xf32>
    %eq3A_2084 = arith.cmpf oeq, %select_n3A_2033, %broadcast_in_dim3A_2083 : vector<16xf32>
    %select_n3A_2085 = arith.select %eq3A_2084, %select_n3A_2081, %broadcast_in_dim3A_2083 : vector<16xi1>, vector<16xf32>
    %eq3A_2086 = arith.cmpf oeq, %get3A_1987, %max3A_2073 : vector<16xf32>
    %select_n3A_2087 = arith.select %eq3A_2086, %select_n3A_2085, %select_n3A_2081 : vector<16xi1>, vector<16xf32>
    %broadcast_in_dim3A_2088 = arith.constant 5.000000e+00 : f32
    %broadcast_in_dim3A_2089 = vector.broadcast %broadcast_in_dim3A_2088 : f32 to vector<16xf32>
    %eq3A_2090 = arith.cmpf oeq, %select_n3A_2033, %broadcast_in_dim3A_2089 : vector<16xf32>
    %select_n3A_2091 = arith.select %eq3A_2090, %select_n3A_2087, %broadcast_in_dim3A_2089 : vector<16xi1>, vector<16xf32>
    %eq3A_2092 = arith.cmpf oeq, %get3A_1982, %max3A_2073 : vector<16xf32>
    %select_n3A_2093 = arith.select %eq3A_2092, %select_n3A_2091, %select_n3A_2087 : vector<16xi1>, vector<16xf32>
    %broadcast_in_dim3A_2094 = arith.constant 4.000000e+00 : f32
    %broadcast_in_dim3A_2095 = vector.broadcast %broadcast_in_dim3A_2094 : f32 to vector<16xf32>
    %eq3A_2096 = arith.cmpf oeq, %select_n3A_2033, %broadcast_in_dim3A_2095 : vector<16xf32>
    %select_n3A_2097 = arith.select %eq3A_2096, %select_n3A_2093, %broadcast_in_dim3A_2095 : vector<16xi1>, vector<16xf32>
    %eq3A_2098 = arith.cmpf oeq, %get3A_1977, %max3A_2073 : vector<16xf32>
    %select_n3A_2099 = arith.select %eq3A_2098, %select_n3A_2097, %select_n3A_2093 : vector<16xi1>, vector<16xf32>
    %broadcast_in_dim3A_2100 = arith.constant 3.000000e+00 : f32
    %broadcast_in_dim3A_2101 = vector.broadcast %broadcast_in_dim3A_2100 : f32 to vector<16xf32>
    %eq3A_2102 = arith.cmpf oeq, %select_n3A_2033, %broadcast_in_dim3A_2101 : vector<16xf32>
    %select_n3A_2103 = arith.select %eq3A_2102, %select_n3A_2099, %broadcast_in_dim3A_2101 : vector<16xi1>, vector<16xf32>
    %eq3A_2104 = arith.cmpf oeq, %get3A_1972, %max3A_2073 : vector<16xf32>
    %select_n3A_2105 = arith.select %eq3A_2104, %select_n3A_2103, %select_n3A_2099 : vector<16xi1>, vector<16xf32>
    %broadcast_in_dim3A_2106 = arith.constant 2.000000e+00 : f32
    %broadcast_in_dim3A_2107 = vector.broadcast %broadcast_in_dim3A_2106 : f32 to vector<16xf32>
    %eq3A_2108 = arith.cmpf oeq, %select_n3A_2033, %broadcast_in_dim3A_2107 : vector<16xf32>
    %select_n3A_2109 = arith.select %eq3A_2108, %select_n3A_2105, %broadcast_in_dim3A_2107 : vector<16xi1>, vector<16xf32>
    %eq3A_2110 = arith.cmpf oeq, %get3A_1967, %max3A_2073 : vector<16xf32>
    %select_n3A_2111 = arith.select %eq3A_2110, %select_n3A_2109, %select_n3A_2105 : vector<16xi1>, vector<16xf32>
    %broadcast_in_dim3A_2112 = arith.constant 1.000000e+00 : f32
    %broadcast_in_dim3A_2113 = vector.broadcast %broadcast_in_dim3A_2112 : f32 to vector<16xf32>
    %eq3A_2114 = arith.cmpf oeq, %select_n3A_2033, %broadcast_in_dim3A_2113 : vector<16xf32>
    %select_n3A_2115 = arith.select %eq3A_2114, %select_n3A_2111, %broadcast_in_dim3A_2113 : vector<16xi1>, vector<16xf32>
    %eq3A_2116 = arith.cmpf oeq, %get3A_1962, %max3A_2073 : vector<16xf32>
    %select_n3A_2117 = arith.select %eq3A_2116, %select_n3A_2115, %select_n3A_2111 : vector<16xi1>, vector<16xf32>
    %broadcast_in_dim3A_2118 = arith.constant 0.000000e+00 : f32
    %broadcast_in_dim3A_2119 = vector.broadcast %broadcast_in_dim3A_2118 : f32 to vector<16xf32>
    %eq3A_2120 = arith.cmpf oeq, %select_n3A_2033, %broadcast_in_dim3A_2119 : vector<16xf32>
    %select_n3A_2121 = arith.select %eq3A_2120, %select_n3A_2117, %broadcast_in_dim3A_2119 : vector<16xi1>, vector<16xf32>
    %eq3A_2122 = arith.cmpf oeq, %get3A_1957, %max3A_2073 : vector<16xf32>
    %select_n3A_2123 = arith.select %eq3A_2122, %select_n3A_2121, %select_n3A_2117 : vector<16xi1>, vector<16xf32>
    %broadcast_in_dim3A_2124 = arith.constant 1.000000e+00 : f32
    %broadcast_in_dim3A_2125 = vector.broadcast %broadcast_in_dim3A_2124 : f32 to vector<16xf32>
    %broadcast_in_dim3A_2126 = arith.constant 0.000000e+00 : f32
    %broadcast_in_dim3A_2127 = vector.broadcast %broadcast_in_dim3A_2126 : f32 to vector<16xf32>
    %broadcast_in_dim3A_2128 = arith.constant 0.000000e+00 : f32
    %broadcast_in_dim3A_2129 = vector.broadcast %broadcast_in_dim3A_2128 : f32 to vector<16xf32>
    %eq3A_2130 = arith.cmpf oeq, %select_n3A_2033, %broadcast_in_dim3A_2129 : vector<16xf32>
    %select_n3A_2131 = arith.select %eq3A_2130, %broadcast_in_dim3A_2125, %broadcast_in_dim3A_2127 : vector<16xi1>, vector<16xf32>
    %eq3A_2132 = arith.cmpf oeq, %select_n3A_2123, %broadcast_in_dim3A_2129 : vector<16xf32>
    %select_n3A_2133 = arith.select %eq3A_2132, %broadcast_in_dim3A_2125, %broadcast_in_dim3A_2127 : vector<16xi1>, vector<16xf32>
    %max3A_2134 = arith.maximumf %select_n3A_2131, %select_n3A_2133 : vector<16xf32>
    %swap3A_2135 = arith.constant 0 : i32
    %swap3A_2136 = arith.index_cast %swap3A_2135 : i32 to index
    %swap3A_2137 = arith.constant 112 : index
    %swap3A_2138 = tpu.vector_load %arg5[%swap3A_2136, %swap3A_2137] {strides = array<i32>} : memref<8x128xf32, #tpu.memory_space<vmem>>, vector<1x16xf32>,
    %swap3A_2139 = vector.shape_cast %swap3A_2138 : vector<1x16xf32> to vector<16xf32>
    %swap3A_2140 = vector.shape_cast %max3A_2134 : vector<16xf32> to vector<1x16xf32>
    tpu.vector_store %arg5[%swap3A_2136, %swap3A_2137], %swap3A_2140 {strides = array<i32>} : memref<8x128xf32, #tpu.memory_space<vmem>>, vector<1x16xf32>,
    %broadcast_in_dim3A_2141 = arith.constant 1.000000e+00 : f32
    %broadcast_in_dim3A_2142 = vector.broadcast %broadcast_in_dim3A_2141 : f32 to vector<16xf32>
    %eq3A_2143 = arith.cmpf oeq, %select_n3A_2033, %broadcast_in_dim3A_2142 : vector<16xf32>
    %select_n3A_2144 = arith.select %eq3A_2143, %broadcast_in_dim3A_2125, %broadcast_in_dim3A_2127 : vector<16xi1>, vector<16xf32>
    %eq3A_2145 = arith.cmpf oeq, %select_n3A_2123, %broadcast_in_dim3A_2142 : vector<16xf32>
    %select_n3A_2146 = arith.select %eq3A_2145, %broadcast_in_dim3A_2125, %broadcast_in_dim3A_2127 : vector<16xi1>, vector<16xf32>
    %max3A_2147 = arith.maximumf %select_n3A_2144, %select_n3A_2146 : vector<16xf32>
    %swap3A_2148 = arith.constant 1 : i32
    %swap3A_2149 = arith.index_cast %swap3A_2148 : i32 to index
    %swap3A_2150 = arith.constant 112 : index
    %swap3A_2151 = tpu.vector_load %arg5[%swap3A_2149, %swap3A_2150] {strides = array<i32>} : memref<8x128xf32, #tpu.memory_space<vmem>>, vector<1x16xf32>,
    %swap3A_2152 = vector.shape_cast %swap3A_2151 : vector<1x16xf32> to vector<16xf32>
    %swap3A_2153 = vector.shape_cast %max3A_2147 : vector<16xf32> to vector<1x16xf32>
    tpu.vector_store %arg5[%swap3A_2149, %swap3A_2150], %swap3A_2153 {strides = array<i32>} : memref<8x128xf32, #tpu.memory_space<vmem>>, vector<1x16xf32>,
    %broadcast_in_dim3A_2154 = arith.constant 2.000000e+00 : f32
    %broadcast_in_dim3A_2155 = vector.broadcast %broadcast_in_dim3A_2154 : f32 to vector<16xf32>
    %eq3A_2156 = arith.cmpf oeq, %select_n3A_2033, %broadcast_in_dim3A_2155 : vector<16xf32>
    %select_n3A_2157 = arith.select %eq3A_2156, %broadcast_in_dim3A_2125, %broadcast_in_dim3A_2127 : vector<16xi1>, vector<16xf32>
    %eq3A_2158 = arith.cmpf oeq, %select_n3A_2123, %broadcast_in_dim3A_2155 : vector<16xf32>
    %select_n3A_2159 = arith.select %eq3A_2158, %broadcast_in_dim3A_2125, %broadcast_in_dim3A_2127 : vector<16xi1>, vector<16xf32>
    %max3A_2160 = arith.maximumf %select_n3A_2157, %select_n3A_2159 : vector<16xf32>
    %swap3A_2161 = arith.constant 2 : i32
    %swap3A_2162 = arith.index_cast %swap3A_2161 : i32 to index
    %swap3A_2163 = arith.constant 112 : index
    %swap3A_2164 = tpu.vector_load %arg5[%swap3A_2162, %swap3A_2163] {strides = array<i32>} : memref<8x128xf32, #tpu.memory_space<vmem>>, vector<1x16xf32>,
    %swap3A_2165 = vector.shape_cast %swap3A_2164 : vector<1x16xf32> to vector<16xf32>
    %swap3A_2166 = vector.shape_cast %max3A_2160 : vector<16xf32> to vector<1x16xf32>
    tpu.vector_store %arg5[%swap3A_2162, %swap3A_2163], %swap3A_2166 {strides = array<i32>} : memref<8x128xf32, #tpu.memory_space<vmem>>, vector<1x16xf32>,
    %broadcast_in_dim3A_2167 = arith.constant 3.000000e+00 : f32
    %broadcast_in_dim3A_2168 = vector.broadcast %broadcast_in_dim3A_2167 : f32 to vector<16xf32>
    %eq3A_2169 = arith.cmpf oeq, %select_n3A_2033, %broadcast_in_dim3A_2168 : vector<16xf32>
    %select_n3A_2170 = arith.select %eq3A_2169, %broadcast_in_dim3A_2125, %broadcast_in_dim3A_2127 : vector<16xi1>, vector<16xf32>
    %eq3A_2171 = arith.cmpf oeq, %select_n3A_2123, %broadcast_in_dim3A_2168 : vector<16xf32>
    %select_n3A_2172 = arith.select %eq3A_2171, %broadcast_in_dim3A_2125, %broadcast_in_dim3A_2127 : vector<16xi1>, vector<16xf32>
    %max3A_2173 = arith.maximumf %select_n3A_2170, %select_n3A_2172 : vector<16xf32>
    %swap3A_2174 = arith.constant 3 : i32
    %swap3A_2175 = arith.index_cast %swap3A_2174 : i32 to index
    %swap3A_2176 = arith.constant 112 : index
    %swap3A_2177 = tpu.vector_load %arg5[%swap3A_2175, %swap3A_2176] {strides = array<i32>} : memref<8x128xf32, #tpu.memory_space<vmem>>, vector<1x16xf32>,
    %swap3A_2178 = vector.shape_cast %swap3A_2177 : vector<1x16xf32> to vector<16xf32>
    %swap3A_2179 = vector.shape_cast %max3A_2173 : vector<16xf32> to vector<1x16xf32>
    tpu.vector_store %arg5[%swap3A_2175, %swap3A_2176], %swap3A_2179 {strides = array<i32>} : memref<8x128xf32, #tpu.memory_space<vmem>>, vector<1x16xf32>,
    %broadcast_in_dim3A_2180 = arith.constant 4.000000e+00 : f32
    %broadcast_in_dim3A_2181 = vector.broadcast %broadcast_in_dim3A_2180 : f32 to vector<16xf32>
    %eq3A_2182 = arith.cmpf oeq, %select_n3A_2033, %broadcast_in_dim3A_2181 : vector<16xf32>
    %select_n3A_2183 = arith.select %eq3A_2182, %broadcast_in_dim3A_2125, %broadcast_in_dim3A_2127 : vector<16xi1>, vector<16xf32>
    %eq3A_2184 = arith.cmpf oeq, %select_n3A_2123, %broadcast_in_dim3A_2181 : vector<16xf32>
    %select_n3A_2185 = arith.select %eq3A_2184, %broadcast_in_dim3A_2125, %broadcast_in_dim3A_2127 : vector<16xi1>, vector<16xf32>
    %max3A_2186 = arith.maximumf %select_n3A_2183, %select_n3A_2185 : vector<16xf32>
    %swap3A_2187 = arith.constant 4 : i32
    %swap3A_2188 = arith.index_cast %swap3A_2187 : i32 to index
    %swap3A_2189 = arith.constant 112 : index
    %swap3A_2190 = tpu.vector_load %arg5[%swap3A_2188, %swap3A_2189] {strides = array<i32>} : memref<8x128xf32, #tpu.memory_space<vmem>>, vector<1x16xf32>,
    %swap3A_2191 = vector.shape_cast %swap3A_2190 : vector<1x16xf32> to vector<16xf32>
    %swap3A_2192 = vector.shape_cast %max3A_2186 : vector<16xf32> to vector<1x16xf32>
    tpu.vector_store %arg5[%swap3A_2188, %swap3A_2189], %swap3A_2192 {strides = array<i32>} : memref<8x128xf32, #tpu.memory_space<vmem>>, vector<1x16xf32>,
    %broadcast_in_dim3A_2193 = arith.constant 5.000000e+00 : f32
    %broadcast_in_dim3A_2194 = vector.broadcast %broadcast_in_dim3A_2193 : f32 to vector<16xf32>
    %eq3A_2195 = arith.cmpf oeq, %select_n3A_2033, %broadcast_in_dim3A_2194 : vector<16xf32>
    %select_n3A_2196 = arith.select %eq3A_2195, %broadcast_in_dim3A_2125, %broadcast_in_dim3A_2127 : vector<16xi1>, vector<16xf32>
    %eq3A_2197 = arith.cmpf oeq, %select_n3A_2123, %broadcast_in_dim3A_2194 : vector<16xf32>
    %select_n3A_2198 = arith.select %eq3A_2197, %broadcast_in_dim3A_2125, %broadcast_in_dim3A_2127 : vector<16xi1>, vector<16xf32>
    %max3A_2199 = arith.maximumf %select_n3A_2196, %select_n3A_2198 : vector<16xf32>
    %swap3A_2200 = arith.constant 5 : i32
    %swap3A_2201 = arith.index_cast %swap3A_2200 : i32 to index
    %swap3A_2202 = arith.constant 112 : index
    %swap3A_2203 = tpu.vector_load %arg5[%swap3A_2201, %swap3A_2202] {strides = array<i32>} : memref<8x128xf32, #tpu.memory_space<vmem>>, vector<1x16xf32>,
    %swap3A_2204 = vector.shape_cast %swap3A_2203 : vector<1x16xf32> to vector<16xf32>
    %swap3A_2205 = vector.shape_cast %max3A_2199 : vector<16xf32> to vector<1x16xf32>
    tpu.vector_store %arg5[%swap3A_2201, %swap3A_2202], %swap3A_2205 {strides = array<i32>} : memref<8x128xf32, #tpu.memory_space<vmem>>, vector<1x16xf32>,
    %broadcast_in_dim3A_2206 = arith.constant 6.000000e+00 : f32
    %broadcast_in_dim3A_2207 = vector.broadcast %broadcast_in_dim3A_2206 : f32 to vector<16xf32>
    %eq3A_2208 = arith.cmpf oeq, %select_n3A_2033, %broadcast_in_dim3A_2207 : vector<16xf32>
    %select_n3A_2209 = arith.select %eq3A_2208, %broadcast_in_dim3A_2125, %broadcast_in_dim3A_2127 : vector<16xi1>, vector<16xf32>
    %eq3A_2210 = arith.cmpf oeq, %select_n3A_2123, %broadcast_in_dim3A_2207 : vector<16xf32>
    %select_n3A_2211 = arith.select %eq3A_2210, %broadcast_in_dim3A_2125, %broadcast_in_dim3A_2127 : vector<16xi1>, vector<16xf32>
    %max3A_2212 = arith.maximumf %select_n3A_2209, %select_n3A_2211 : vector<16xf32>
    %swap3A_2213 = arith.constant 6 : i32
    %swap3A_2214 = arith.index_cast %swap3A_2213 : i32 to index
    %swap3A_2215 = arith.constant 112 : index
    %swap3A_2216 = tpu.vector_load %arg5[%swap3A_2214, %swap3A_2215] {strides = array<i32>} : memref<8x128xf32, #tpu.memory_space<vmem>>, vector<1x16xf32>,
    %swap3A_2217 = vector.shape_cast %swap3A_2216 : vector<1x16xf32> to vector<16xf32>
    %swap3A_2218 = vector.shape_cast %max3A_2212 : vector<16xf32> to vector<1x16xf32>
    tpu.vector_store %arg5[%swap3A_2214, %swap3A_2215], %swap3A_2218 {strides = array<i32>} : memref<8x128xf32, #tpu.memory_space<vmem>>, vector<1x16xf32>,
    %broadcast_in_dim3A_2219 = arith.constant 7.000000e+00 : f32
    %broadcast_in_dim3A_2220 = vector.broadcast %broadcast_in_dim3A_2219 : f32 to vector<16xf32>
    %eq3A_2221 = arith.cmpf oeq, %select_n3A_2033, %broadcast_in_dim3A_2220 : vector<16xf32>
    %select_n3A_2222 = arith.select %eq3A_2221, %broadcast_in_dim3A_2125, %broadcast_in_dim3A_2127 : vector<16xi1>, vector<16xf32>
    %eq3A_2223 = arith.cmpf oeq, %select_n3A_2123, %broadcast_in_dim3A_2220 : vector<16xf32>
    %select_n3A_2224 = arith.select %eq3A_2223, %broadcast_in_dim3A_2125, %broadcast_in_dim3A_2127 : vector<16xi1>, vector<16xf32>
    %max3A_2225 = arith.maximumf %select_n3A_2222, %select_n3A_2224 : vector<16xf32>
    %swap3A_2226 = arith.constant 7 : i32
    %swap3A_2227 = arith.index_cast %swap3A_2226 : i32 to index
    %swap3A_2228 = arith.constant 112 : index
    %swap3A_2229 = tpu.vector_load %arg5[%swap3A_2227, %swap3A_2228] {strides = array<i32>} : memref<8x128xf32, #tpu.memory_space<vmem>>, vector<1x16xf32>,
    %swap3A_2230 = vector.shape_cast %swap3A_2229 : vector<1x16xf32> to vector<16xf32>
    %swap3A_2231 = vector.shape_cast %max3A_2225 : vector<16xf32> to vector<1x16xf32>
    tpu.vector_store %arg5[%swap3A_2227, %swap3A_2228], %swap3A_2231 {strides = array<i32>} : memref<8x128xf32, #tpu.memory_space<vmem>>, vector<1x16xf32>,
    %lt3A = arith.constant 16 : i32
    %lt3A_2232 = arith.cmpi slt, %add3A, %lt3A : i32
    %convert_element_type3A = arith.extui %lt3A_2232 : i1 to i32
    %cond3A = arith.constant 0 : i32
    %cond3A_2233 = arith.cmpi ne, %convert_element_type3A, %cond3A : i32
    scf.if %cond3A_2233 {
      "tpu.region"() ({
        %run_scoped3A = tpu.sem_alloc : memref<!tpu.dma_semaphore, #tpu.memory_space<semaphore_mem>>
        %dma_start3A = arith.constant 0 : i32
        %dma_start3A_2234 = tpu.memref_slice %arg3[%dma_start3A, %mul3A_3] : memref<8x2048xf32, #tpu.memory_space<hbm>> -> memref<8x128xf32, #tpu.memory_space<hbm>>
        %dma_start3A_2235 = arith.constant 0 : i32
        %dma_start3A_2236 = tpu.memref_slice %arg3[%dma_start3A_2235, %mul3A_3] : memref<8x2048xf32, #tpu.memory_space<hbm>> -> memref<8x128xf32, #tpu.memory_space<hbm>>
        tpu.enqueue_dma source(%arg5 : memref<8x128xf32, #tpu.memory_space<vmem>>) target(%dma_start3A_2236 : memref<8x128xf32, #tpu.memory_space<hbm>>) target_semaphore(%run_scoped3A : memref<!tpu.dma_semaphore, #tpu.memory_space<semaphore_mem>>)
        %dma_wait3A = arith.constant 0 : i32
        %dma_wait3A_2237 = tpu.memref_slice %arg3[%dma_wait3A, %mul3A_3] : memref<8x2048xf32, #tpu.memory_space<hbm>> -> memref<8x128xf32, #tpu.memory_space<hbm>>
        %dma_wait3A_2238 = arith.constant 0 : i32
        %dma_wait3A_2239 = tpu.memref_slice %arg3[%dma_wait3A_2238, %mul3A_3] : memref<8x2048xf32, #tpu.memory_space<hbm>> -> memref<8x128xf32, #tpu.memory_space<hbm>>
        tpu.wait_dma2 semaphore(%run_scoped3A : memref<!tpu.dma_semaphore, #tpu.memory_space<semaphore_mem>>) src(%arg5 : memref<8x128xf32, #tpu.memory_space<vmem>>) dst(%dma_wait3A_2239 : memref<8x128xf32, #tpu.memory_space<hbm>>)
        tpu.yield
      }) : () -> ()
    } else {
    }
    return
  }
}

module attributes {stable_mosaic.version = 14 : i64} {
  func.func @_router_block(%arg0: i32, %arg1: memref<1x512x1024xf32, #tpu.memory_space<vmem>>, %arg2: memref<8x1024xf32, #tpu.memory_space<vmem>>, %arg3: memref<512x8xf32, #tpu.memory_space<vmem>>, %arg4: memref<8x512xf32, #tpu.memory_space<vmem>>) attributes {dimension_semantics = [#tpu.dimension_semantics<arbitrary>], iteration_bounds = array<i64: 4>, scalar_prefetch = 0 : i64, scratch_operands = 0 : i64, tpu.core_type = #tpu.core_type<tc>, window_params = [{transform_indices = @transform_0, window_bounds = array<i64: 1, 512, 1024>}, {pipeline_mode = #tpu.pipeline_mode<synchronous>, transform_indices = @transform_1, window_bounds = array<i64: 8, 1024>}, {transform_indices = @transform_2, window_bounds = array<i64: 512, 8>}, {transform_indices = @transform_3, window_bounds = array<i64: 8, 512>}]} {
    %get3A = arith.constant 0 : index
    %get3A_0 = arith.constant 0 : index
    %get3A_1 = arith.constant 0 : index
    %get3A_2 = vector.load %arg1[%get3A, %get3A_0, %get3A_1] : memref<1x512x1024xf32, #tpu.memory_space<vmem>>, vector<1x512x1024xf32>
    %get3A_3 = vector.shape_cast %get3A_2 : vector<1x512x1024xf32> to vector<512x1024xf32>
    %get3A_4 = arith.constant 0 : index
    %get3A_5 = arith.constant 0 : index
    %get3A_6 = vector.load %arg2[%get3A_4, %get3A_5] : memref<8x1024xf32, #tpu.memory_space<vmem>>, vector<8x1024xf32>
    %dot_general3A = arith.constant dense<0.000000e+00> : vector<512x8xf32>
    %dot_general3A_7 = tpu.matmul %get3A_3, %get3A_6, %dot_general3A {dimension_numbers = #tpu.dot_dimension_numbers<[1], [1], [0], [0], [0, 0, 1, 0], [], []>, transpose_lhs_hint = false} : vector<512x1024xf32>, vector<8x1024xf32>, vector<512x8xf32> -> vector<512x8xf32>
    %swap3A = arith.constant 0 : index
    %swap3A_8 = arith.constant 0 : index
    %swap3A_9 = vector.load %arg3[%swap3A, %swap3A_8] : memref<512x8xf32, #tpu.memory_space<vmem>>, vector<512x8xf32>
    tpu.vector_store %arg3[%swap3A, %swap3A_8], %dot_general3A_7 {strides = array<i32>} : memref<512x8xf32, #tpu.memory_space<vmem>>, vector<512x8xf32>,
    %dot_general3A_10 = arith.constant dense<0.000000e+00> : vector<8x512xf32>
    %dot_general3A_11 = tpu.matmul %get3A_6, %get3A_3, %dot_general3A_10 {dimension_numbers = #tpu.dot_dimension_numbers<[1], [1], [0], [0], [0, 0, 1, 0], [], []>, transpose_lhs_hint = false} : vector<8x1024xf32>, vector<512x1024xf32>, vector<8x512xf32> -> vector<8x512xf32>
    %swap3A_12 = arith.constant 0 : index
    %swap3A_13 = arith.constant 0 : index
    %swap3A_14 = vector.load %arg4[%swap3A_12, %swap3A_13] : memref<8x512xf32, #tpu.memory_space<vmem>>, vector<8x512xf32>
    tpu.vector_store %arg4[%swap3A_12, %swap3A_13], %dot_general3A_11 {strides = array<i32>} : memref<8x512xf32, #tpu.memory_space<vmem>>, vector<8x512xf32>,
    return
  }
  func.func @transform_0(%arg0: i32) -> (i32, i32, i32) {
    %c0_i32 = arith.constant 0 : i32
    %c0_i32_0 = arith.constant 0 : i32
    %c0_i32_1 = arith.constant 0 : i32
    return %c0_i32, %arg0, %c0_i32_0 : i32, i32, i32
  }
  func.func @transform_1(%arg0: i32) -> (i32, i32) {
    %c0_i32 = arith.constant 0 : i32
    %c0_i32_0 = arith.constant 0 : i32
    %c0_i32_1 = arith.constant 0 : i32
    return %c0_i32, %c0_i32_0 : i32, i32
  }
  func.func @transform_2(%arg0: i32) -> (i32, i32) {
    %c0_i32 = arith.constant 0 : i32
    %c0_i32_0 = arith.constant 0 : i32
    return %arg0, %c0_i32 : i32, i32
  }
  func.func @transform_3(%arg0: i32) -> (i32, i32) {
    %c0_i32 = arith.constant 0 : i32
    %c0_i32_0 = arith.constant 0 : i32
    return %c0_i32, %arg0 : i32, i32
  }
}

module attributes {stable_mosaic.version = 14 : i64} {
  func.func @_moe_block(%arg0: i32, %arg1: memref<1x512x1024xf32, #tpu.memory_space<vmem>>, %arg2: memref<8x512xf32, #tpu.memory_space<vmem>>, %arg3: memref<2048x1024xf32, #tpu.memory_space<vmem>>, %arg4: memref<2048x1024xf32, #tpu.memory_space<vmem>>, %arg5: memref<1024x2048xf32, #tpu.memory_space<vmem>>, %arg6: memref<128x1024xf32, #tpu.memory_space<vmem>>, %arg7: memref<128x1024xf32, #tpu.memory_space<vmem>>, %arg8: memref<1x512x1024xf32, #tpu.memory_space<vmem>>) attributes {dimension_semantics = [#tpu.dimension_semantics<arbitrary>], iteration_bounds = array<i64: 4>, scalar_prefetch = 0 : i64, scratch_operands = 0 : i64, tpu.core_type = #tpu.core_type<tc>, window_params = [{transform_indices = @transform_0, window_bounds = array<i64: 1, 512, 1024>}, {transform_indices = @transform_1, window_bounds = array<i64: 8, 512>}, {pipeline_mode = #tpu.pipeline_mode<synchronous>, transform_indices = @transform_2, window_bounds = array<i64: 2048, 1024>}, {pipeline_mode = #tpu.pipeline_mode<synchronous>, transform_indices = @transform_3, window_bounds = array<i64: 2048, 1024>}, {pipeline_mode = #tpu.pipeline_mode<synchronous>, transform_indices = @transform_4, window_bounds = array<i64: 1024, 2048>}, {pipeline_mode = #tpu.pipeline_mode<synchronous>, transform_indices = @transform_5, window_bounds = array<i64: 128, 1024>}, {pipeline_mode = #tpu.pipeline_mode<synchronous>, transform_indices = @transform_6, window_bounds = array<i64: 128, 1024>}, {transform_indices = @transform_7, window_bounds = array<i64: 1, 512, 1024>}]} {
    %get3A = arith.constant 0 : index
    %get3A_0 = arith.constant 0 : index
    %get3A_1 = arith.constant 0 : index
    %get3A_2 = vector.load %arg1[%get3A, %get3A_0, %get3A_1] : memref<1x512x1024xf32, #tpu.memory_space<vmem>>, vector<1x512x1024xf32>
    %get3A_3 = vector.shape_cast %get3A_2 : vector<1x512x1024xf32> to vector<512x1024xf32>
    %get3A_4 = arith.constant 0 : index
    %get3A_5 = arith.constant 0 : index
    %get3A_6 = vector.load %arg2[%get3A_4, %get3A_5] : memref<8x512xf32, #tpu.memory_space<vmem>>, vector<8x512xf32>
    %iota3A = tpu.iota {dimensions = array<i32: 1>} : vector<8x128xi32>
    %jit3A = arith.constant 16 : i32
    %div3A = vector.broadcast %jit3A : i32 to vector<8x128xi32>
    %div3A_7 = arith.divsi %iota3A, %div3A : vector<8x128xi32>
    %sign3A = arith.constant 0 : i32
    %sign3A_8 = vector.broadcast %sign3A : i32 to vector<8x128xi32>
    %sign3A_9 = arith.cmpi sgt, %iota3A, %sign3A_8 : vector<8x128xi32>
    %sign3A_10 = arith.extui %sign3A_9 : vector<8x128xi1> to vector<8x128xi32>
    %sign3A_11 = arith.constant 0 : i32
    %sign3A_12 = vector.broadcast %sign3A_11 : i32 to vector<8x128xi32>
    %sign3A_13 = arith.cmpi slt, %iota3A, %sign3A_12 : vector<8x128xi32>
    %sign3A_14 = arith.extui %sign3A_13 : vector<8x128xi1> to vector<8x128xi32>
    %sign3A_15 = arith.subi %sign3A_10, %sign3A_14 : vector<8x128xi32>
    %sign3A_16 = arith.constant 0 : i32
    %sign3A_17 = arith.cmpi sgt, %jit3A, %sign3A_16 : i32
    %sign3A_18 = arith.extui %sign3A_17 : i1 to i32
    %sign3A_19 = arith.constant 0 : i32
    %sign3A_20 = arith.cmpi slt, %jit3A, %sign3A_19 : i32
    %sign3A_21 = arith.extui %sign3A_20 : i1 to i32
    %sign3A_22 = arith.subi %sign3A_18, %sign3A_21 : i32
    %ne3A = vector.broadcast %sign3A_22 : i32 to vector<8x128xi32>
    %ne3A_23 = arith.cmpi ne, %sign3A_15, %ne3A : vector<8x128xi32>
    %rem3A = vector.broadcast %jit3A : i32 to vector<8x128xi32>
    %rem3A_24 = arith.remsi %iota3A, %rem3A : vector<8x128xi32>
    %ne3A_25 = arith.constant 0 : i32
    %ne3A_26 = vector.broadcast %ne3A_25 : i32 to vector<8x128xi32>
    %ne3A_27 = arith.cmpi ne, %rem3A_24, %ne3A_26 : vector<8x128xi32>
    %and3A = arith.andi %ne3A_23, %ne3A_27 : vector<8x128xi1>
    %sub3A = arith.constant 1 : i32
    %sub3A_28 = vector.broadcast %sub3A : i32 to vector<8x128xi32>
    %sub3A_29 = arith.subi %div3A_7, %sub3A_28 : vector<8x128xi32>
    %select_n3A = arith.select %and3A, %sub3A_29, %div3A_7 : vector<8x128xi1>, vector<8x128xi32>
    %iota3A_30 = tpu.iota {dimensions = array<i32: 0>} : vector<8x128xi32>
    %eq3A = arith.cmpi eq, %select_n3A, %iota3A_30 : vector<8x128xi32>
    %convert_element_type3A = arith.extui %eq3A : vector<8x128xi1> to vector<8x128xi32>
    %convert_element_type3A_31 = arith.sitofp %convert_element_type3A : vector<8x128xi32> to vector<8x128xf32>
    %dot_general3A = arith.constant dense<0.000000e+00> : vector<512x128xf32>
    %dot_general3A_32 = tpu.matmul %get3A_6, %convert_element_type3A_31, %dot_general3A {dimension_numbers = #tpu.dot_dimension_numbers<[0], [0], [1], [1], [0, 1, 1, 1], [], []>, transpose_lhs_hint = false} : vector<8x512xf32>, vector<8x128xf32>, vector<512x128xf32> -> vector<512x128xf32>
    %get3A_33 = arith.constant 0 : index
    %get3A_34 = arith.constant 0 : index
    %get3A_35 = vector.load %arg3[%get3A_33, %get3A_34] : memref<2048x1024xf32, #tpu.memory_space<vmem>>, vector<2048x1024xf32>
    %dot_general3A_36 = arith.constant dense<0.000000e+00> : vector<512x2048xf32>
    %dot_general3A_37 = tpu.matmul %get3A_3, %get3A_35, %dot_general3A_36 {dimension_numbers = #tpu.dot_dimension_numbers<[1], [1], [0], [0], [0, 0, 1, 0], [], []>, transpose_lhs_hint = false} : vector<512x1024xf32>, vector<2048x1024xf32>, vector<512x2048xf32> -> vector<512x2048xf32>
    %get3A_38 = arith.constant 0 : index
    %get3A_39 = arith.constant 0 : index
    %get3A_40 = vector.load %arg4[%get3A_38, %get3A_39] : memref<2048x1024xf32, #tpu.memory_space<vmem>>, vector<2048x1024xf32>
    %dot_general3A_41 = arith.constant dense<0.000000e+00> : vector<512x2048xf32>
    %dot_general3A_42 = tpu.matmul %get3A_3, %get3A_40, %dot_general3A_41 {dimension_numbers = #tpu.dot_dimension_numbers<[1], [1], [0], [0], [0, 0, 1, 0], [], []>, transpose_lhs_hint = false} : vector<512x1024xf32>, vector<2048x1024xf32>, vector<512x2048xf32> -> vector<512x2048xf32>
    %logistic3A = arith.negf %dot_general3A_37 : vector<512x2048xf32>
    %logistic3A_43 = math.exp %logistic3A : vector<512x2048xf32>
    %logistic3A_44 = arith.constant 1.000000e+00 : f32
    %logistic3A_45 = vector.broadcast %logistic3A_44 : f32 to vector<512x2048xf32>
    %logistic3A_46 = arith.addf %logistic3A_45, %logistic3A_43 : vector<512x2048xf32>
    %logistic3A_47 = arith.divf %logistic3A_45, %logistic3A_46 : vector<512x2048xf32>
    %mul3A = arith.mulf %dot_general3A_37, %logistic3A_47 : vector<512x2048xf32>
    %mul3A_48 = arith.mulf %mul3A, %dot_general3A_42 : vector<512x2048xf32>
    %get3A_49 = arith.constant 0 : index
    %get3A_50 = arith.constant 0 : index
    %get3A_51 = vector.load %arg5[%get3A_49, %get3A_50] : memref<1024x2048xf32, #tpu.memory_space<vmem>>, vector<1024x2048xf32>
    %dot_general3A_52 = arith.constant dense<0.000000e+00> : vector<512x1024xf32>
    %dot_general3A_53 = tpu.matmul %mul3A_48, %get3A_51, %dot_general3A_52 {dimension_numbers = #tpu.dot_dimension_numbers<[1], [1], [0], [0], [0, 0, 1, 0], [], []>, transpose_lhs_hint = false} : vector<512x2048xf32>, vector<1024x2048xf32>, vector<512x1024xf32> -> vector<512x1024xf32>
    %get3A_54 = arith.constant 0 : index
    %get3A_55 = arith.constant 0 : index
    %get3A_56 = vector.load %arg6[%get3A_54, %get3A_55] : memref<128x1024xf32, #tpu.memory_space<vmem>>, vector<128x1024xf32>
    %dot_general3A_57 = arith.constant dense<0.000000e+00> : vector<512x128xf32>
    %dot_general3A_58 = tpu.matmul %get3A_3, %get3A_56, %dot_general3A_57 {dimension_numbers = #tpu.dot_dimension_numbers<[1], [1], [0], [0], [0, 0, 1, 0], [], []>, transpose_lhs_hint = false} : vector<512x1024xf32>, vector<128x1024xf32>, vector<512x128xf32> -> vector<512x128xf32>
    %mul3A_59 = arith.mulf %dot_general3A_58, %dot_general3A_32 : vector<512x128xf32>
    %get3A_60 = arith.constant 0 : index
    %get3A_61 = arith.constant 0 : index
    %get3A_62 = vector.load %arg7[%get3A_60, %get3A_61] : memref<128x1024xf32, #tpu.memory_space<vmem>>, vector<128x1024xf32>
    %dot_general3A_63 = arith.constant dense<0.000000e+00> : vector<512x1024xf32>
    %dot_general3A_64 = tpu.matmul %mul3A_59, %get3A_62, %dot_general3A_63 {dimension_numbers = #tpu.dot_dimension_numbers<[1], [0], [0], [1], [0, 0, 1, 1], [], []>, transpose_lhs_hint = false} : vector<512x128xf32>, vector<128x1024xf32>, vector<512x1024xf32> -> vector<512x1024xf32>
    %mul3A_65 = arith.constant 2.000000e+00 : f32
    %mul3A_66 = vector.broadcast %mul3A_65 : f32 to vector<512x1024xf32>
    %mul3A_67 = arith.mulf %mul3A_66, %dot_general3A_64 : vector<512x1024xf32>
    %add3A = arith.addf %dot_general3A_53, %mul3A_67 : vector<512x1024xf32>
    %swap3A = arith.constant 0 : index
    %swap3A_68 = arith.constant 0 : index
    %swap3A_69 = arith.constant 0 : index
    %swap3A_70 = vector.load %arg8[%swap3A, %swap3A_68, %swap3A_69] : memref<1x512x1024xf32, #tpu.memory_space<vmem>>, vector<1x512x1024xf32>
    %swap3A_71 = vector.shape_cast %swap3A_70 : vector<1x512x1024xf32> to vector<512x1024xf32>
    %swap3A_72 = vector.shape_cast %add3A : vector<512x1024xf32> to vector<1x512x1024xf32>
    tpu.vector_store %arg8[%swap3A, %swap3A_68, %swap3A_69], %swap3A_72 {strides = array<i32>} : memref<1x512x1024xf32, #tpu.memory_space<vmem>>, vector<1x512x1024xf32>,
    return
  }
  func.func @transform_0(%arg0: i32) -> (i32, i32, i32) {
    %c0_i32 = arith.constant 0 : i32
    %c0_i32_0 = arith.constant 0 : i32
    %c0_i32_1 = arith.constant 0 : i32
    return %c0_i32, %arg0, %c0_i32_0 : i32, i32, i32
  }
  func.func @transform_1(%arg0: i32) -> (i32, i32) {
    %c0_i32 = arith.constant 0 : i32
    %c0_i32_0 = arith.constant 0 : i32
    return %c0_i32, %arg0 : i32, i32
  }
  func.func @transform_2(%arg0: i32) -> (i32, i32) {
    %c0_i32 = arith.constant 0 : i32
    %c0_i32_0 = arith.constant 0 : i32
    %c0_i32_1 = arith.constant 0 : i32
    return %c0_i32, %c0_i32_0 : i32, i32
  }
  func.func @transform_3(%arg0: i32) -> (i32, i32) {
    %c0_i32 = arith.constant 0 : i32
    %c0_i32_0 = arith.constant 0 : i32
    %c0_i32_1 = arith.constant 0 : i32
    return %c0_i32, %c0_i32_0 : i32, i32
  }
  func.func @transform_4(%arg0: i32) -> (i32, i32) {
    %c0_i32 = arith.constant 0 : i32
    %c0_i32_0 = arith.constant 0 : i32
    %c0_i32_1 = arith.constant 0 : i32
    return %c0_i32, %c0_i32_0 : i32, i32
  }
  func.func @transform_5(%arg0: i32) -> (i32, i32) {
    %c0_i32 = arith.constant 0 : i32
    %c0_i32_0 = arith.constant 0 : i32
    %c0_i32_1 = arith.constant 0 : i32
    return %c0_i32, %c0_i32_0 : i32, i32
  }
  func.func @transform_6(%arg0: i32) -> (i32, i32) {
    %c0_i32 = arith.constant 0 : i32
    %c0_i32_0 = arith.constant 0 : i32
    %c0_i32_1 = arith.constant 0 : i32
    return %c0_i32, %c0_i32_0 : i32, i32
  }
  func.func @transform_7(%arg0: i32) -> (i32, i32, i32) {
    %c0_i32 = arith.constant 0 : i32
    %c0_i32_0 = arith.constant 0 : i32
    %c0_i32_1 = arith.constant 0 : i32
    return %c0_i32, %arg0, %c0_i32_0 : i32, i32, i32
  }
}

</mosaic_0001>

<sc_bundles>
// kernel: kernel.5.cloned.1.call-start
scs
__scs_entry_jumppad:
0x0: {  	(pc) =	sbr.rel $0x88, $3  }
0x1: {  	(tag) =	ssettag $0x0;
	lr =	simm.s32 $0x1  }
0x2: {  	[smem:$0x3F9A] =	sst lr;
	_ =	strace $0xD0000000  }
0x3: {  	_ = 	snop  }
0x4: {  	_ = 	snop  }
0x5: {  	_ = 	snop  }
0x6: {  	_ = 	snop  }
0x7: {  	_ = 	snop  }
__scs_overlays_trampoline_lowered:
0x8: {  	[smem:$0x3FA9] =	sst s0  }
0x9: {  	[smem:$0x3FAA] =	sst s1  }
0xa: {  	[smem:$0x3FAB] =	sst s2  }
0xb: {  	[smem:$0x3FAC] =	sst s3  }
0xc: {  	[smem:$0x3FAD] =	sst s4  }
0xd: {  	[smem:$0x3FAE] =	sst s5  }
0xe: {  	[smem:$0x3FAF] =	sst s6  }
0xf: {  	[smem:$0x3FB0] =	sst s7  }
0x10: {  	[smem:$0x3FB1] =	sst s8  }
0x11: {  	[smem:$0x3FB2] =	sst s9;
	s0 =	simm.s32 @!p0 $0x0  }
0x12: {  	s1 =	sld [smem:$0x3F98];
	s0 =	simm.s32 @p0 $0x1  }
0x13: {  	[smem:$0x3FB3] =	sst s0;
	s0 =	simm.s32 @!p1 $0x0  }
0x14: {  	s2 =	sld [smem:$0x3F97];
	s0 =	simm.s32 @p1 $0x1  }
0x15: {  	[smem:$0x3FB4] =	sst s0;
	s0 =	simm.s32 @!p2 $0x0  }
0x16: {  	s3 =	sld [smem:$0x3FDB];
	s0 =	simm.s32 @p2 $0x1  }
0x17: {  	s4 =	simm.s32 $0x1BF5;
	[smem:$0x3FB6] =	sst s0  }
0x18: {  	s0 =	sld [smem:$0x3F99];
	_ =	swait.ge [sflag:s4], $0x0  }
0x19: {  	s7 =	sld [smem:$0x3F9A]  }
0x1a: {  	s8 =	sadd.s32 $0xFFFFE003, lr  }
0x1b: {  	s9 =	sadd.s32 $0xFFFFFEF7, lr;
	s5 =	simm.s32 $0xFFFFFFFF;
	p2 =	slt.u32 s8, $0xFFFFF086  }
0x1c: {  	p1 =	slt.u32 s9, $0xF7A;
	s5 =	simm.s32 @!p2 $0x0  }
0x1d: {  	s5 =	simm.s32 @p1 $0x1;
	p0 =	seq.s32 s7, s2  }
0x1e: {  	s7 =	smul.u32 @!p0 $0xF7A, s2;
	p2 =	seq.s32 @!p0 s5, $0x0  }
0x1f: {  	s9 =	smul.u32 $0xF7A, s1;
	s8 =	simm.s32 @!p0 $0x1BF5;
	p2 =	por !p2, p0  }
0x20: {  	[sflag:s8] =	ssyncset.s32 @!p0 $0xFFFFF086;
	s6 =	sadd.s32 @!p0 s3, s7;
	s7 =	simm.s32 @!p0 $0x108  }
0x21: {  	s3 =	sadd.s32 s3, s9;
	s6 =	sadd.s32 @!p0 $0x88, s6;
	s7 =	simm.s32 @p2 $0x1082  }
0x22: {  	[simem:s7], [sflag:s8] =	dma.local @!p0 [hbm:s6], $0xF7A  }
0x23: {  	s9 =	sor.u32 $0xD0000000, s2;
	s6 =	simm.s32 $0x108;
	_ =	swait.ge @!p0 [sflag:s8], $0x0  }
0x24: {  	s3 =	sadd.s32 $0x88, s3;
	s6 =	simm.s32 @!p1 $0x1082;
	[sflag:s4] =	ssyncset.s32 $0xFFFFF086  }
0x25: {  	[simem:s6], [sflag:s4] =	dma.local [hbm:s3], $0xF7A  }
0x26: {  	[smem:$0x3F9A] =	sst s1;
	(tag) =	ssettag s2;
	_ =	strace s9  }
0x27: {  	s1 =	sld [smem:$0x3FAA]  }
0x28: {  	s2 =	sld [smem:$0x3FAB]  }
0x29: {  	s4 =	sld [smem:$0x3FAD]  }
0x2a: {  	p0 =	seq.s32 s5, $0x0;
	s5 =	sld [smem:$0x3FAE]  }
0x2b: {  	s6 =	sld [smem:$0x3FAF]  }
0x2c: {  	s7 =	sld [smem:$0x3FB0]  }
0x2d: {  	s3 =	simm.s32 $0x108;
	s8 =	sld [smem:$0x3FB1]  }
0x2e: {  	s3 =	simm.s32 @!p0 $0x1082;
	s9 =	sld [smem:$0x3FB2]  }
0x2f: {  	lr =	sadd.s32 s0, s3;
	s0 =	sld [smem:$0x3FA9]  }
0x30: {  	s3 =	sld [smem:$0x3FAC]  }
0x31: {  	[smem:$0x3FB5] =	sst s10  }
0x32: {  	s10 =	sld [smem:$0x3FB3];
	_ =	sdelay $0x3  }
0x33: {  	p0 =	seq.s32 s10, $0x1;
	s10 =	sld [smem:$0x3FB5];
	_ =	sdelay $0x3  }
0x34: {  	[smem:$0x3FB5] =	sst s10  }
0x35: {  	s10 =	sld [smem:$0x3FB4];
	_ =	sdelay $0x3  }
0x36: {  	p1 =	seq.s32 s10, $0x1;
	s10 =	sld [smem:$0x3FB5];
	_ =	sdelay $0x3  }
0x37: {  	[smem:$0x3FB5] =	sst s10  }
0x38: {  	s10 =	sld [smem:$0x3FB6]  }
0x39: {  	_ = 	snop;
	(pc) =	sbr.ind lr, $3  }
0x3a: {  	_ = 	snop  }
0x3b: {  	_ = 	snop  }
0x3c: {  	p2 =	seq.s32 s10, $0x1;
	s10 =	sld [smem:$0x3FB5]  }
0x3d: {  	_ =	shalt  }
0x3e: {  	_ =	shalt  }
0x3f: {  	_ =	shalt  }
0x40: {  	_ =	shalt  }
0x41: {  	_ =	shalt  }
0x42: {  	_ =	shalt  }
0x43: {  	_ =	shalt  }
0x44: {  	_ =	shalt  }
0x45: {  	_ =	shalt  }
0x46: {  	_ =	shalt  }
0x47: {  	_ =	shalt  }
0x48: {  	_ =	shalt  }
0x49: {  	_ =	shalt  }
0x4a: {  	_ =	shalt  }
0x4b: {  	_ =	shalt  }
0x4c: {  	_ =	shalt  }
0x4d: {  	_ =	shalt  }
0x4e: {  	_ =	shalt  }
0x4f: {  	_ =	shalt  }
0x50: {  	_ =	shalt  }
0x51: {  	_ =	shalt  }
0x52: {  	_ =	shalt  }
0x53: {  	_ =	shalt  }
0x54: {  	_ =	shalt  }
0x55: {  	_ =	shalt  }
0x56: {  	_ =	shalt  }
0x57: {  	_ =	shalt  }
0x58: {  	_ =	shalt  }
0x59: {  	_ =	shalt  }
0x5a: {  	_ =	shalt  }
0x5b: {  	_ =	shalt  }
0x5c: {  	_ =	shalt  }
0x5d: {  	_ =	shalt  }
0x5e: {  	_ =	shalt  }
0x5f: {  	_ =	shalt  }
0x60: {  	_ =	shalt  }
0x61: {  	_ =	shalt  }
0x62: {  	_ =	shalt  }
0x63: {  	_ =	shalt  }
0x64: {  	_ =	shalt  }
0x65: {  	_ =	shalt  }
0x66: {  	_ =	shalt  }
0x67: {  	_ =	shalt  }
0x68: {  	_ =	shalt  }
0x69: {  	_ =	shalt  }
0x6a: {  	_ =	shalt  }
0x6b: {  	_ =	shalt  }
0x6c: {  	_ =	shalt  }
0x6d: {  	_ =	shalt  }
0x6e: {  	_ =	shalt  }
0x6f: {  	_ =	shalt  }
0x70: {  	_ =	shalt  }
0x71: {  	_ =	shalt  }
0x72: {  	_ =	shalt  }
0x73: {  	_ =	shalt  }
0x74: {  	_ =	shalt  }
0x75: {  	_ =	shalt  }
0x76: {  	_ =	shalt  }
0x77: {  	_ =	shalt  }
0x78: {  	_ =	shalt  }
0x79: {  	_ =	shalt  }
0x7a: {  	_ =	shalt  }
0x7b: {  	_ =	shalt  }
0x7c: {  	_ =	shalt  }
0x7d: {  	_ =	shalt  }
0x7e: {  	_ =	shalt  }
0x7f: {  	_ =	shalt  }
0x80: {  	_ =	shalt  }
0x81: {  	_ =	shalt  }
0x82: {  	_ =	shalt  }
0x83: {  	_ =	shalt  }
0x84: {  	_ =	shalt  }
0x85: {  	_ =	shalt  }
0x86: {  	_ =	shalt  }
0x87: {  	_ =	shalt  }
.Lfunc_end0:
.L_simem_size_0:
called_computation_lowered:
.L_overlay_start_0:
0x88: {  	s2 =	sld [smem:$0x3FD9]  }
0x89: {  	s3 =	sld [smem:$0x3FFE];
	_ =	sdelay $0x1  }
0x8a: {  	s1 =	srdreg.scid  }
0x8b: {  	s0 =	sand.u32 $0x1, s1  }
0x8c: {  	s14 =	sshll.u32 s0, $0xA;
	s2 =	sadd.s32 s3, s2  }
0x8d: {  	s2 =	sadd.s32 s2, s14  }
0x8e: {  	[smem:$0x3FC1] =	sst s2  }
0x8f: {  	_ = 	snop  }
0x90: {  	s2 =	sld [smem:$0x3FD0];
	_ =	sdelay $0x2  }
0x91: {  	s15 =	simm.s32 $0xA;
	s4 =	simm.s32 $0x10  }
0x92: {  	[smem:s4], [sflag:s15] =	dma.local [hbm:s2], $0x1  }
0x93: {  	_ =	swait.eq [sflag:s15], $0x1  }
0x94: {  	[sflag:s15] =	ssyncset.done $0x0  }
0x95: {  	[sflag:s15] =	ssyncadd.s32 $0xFFFFFFFF  }
0x96: {  	s16 =	sld [smem:$0x10];
	(tm) =	ssettm $0x1  }
0x97: {  	s17 =	sld [smem:$0x3FFB];
	_ =	sdelay $0x3  }
0x98: {  	_ =	strace s17  }
0x99: {  	s3 =	sld [smem:$0x3FFC];
	_ =	sdelay $0x3  }
0x9a: {  	_ =	strace s3  }
0x9b: {  	s3 =	sld [smem:$0x3FFD];
	_ =	sdelay $0x3  }
0x9c: {  	_ =	strace s3  }
0x9d: {  	_ =	strace $0x8FFFFFFF  }
0x9e: {  	s18 =	sld [smem:$0x3FDB];
	_ =	sdelay $0x1  }
0x9f: {  	s19 =	simm.s32 $_scs_section_size  }
0xa0: {  	s5 =	simm.s32 $_size__tile_overlayer_lowered;
	s6 =	simm.s32 $_tile_overlayer_lowered  }
0xa1: {  	s22 =	simm.s32 $0x1BFF;
	s21 =	sshll.u32 s6, $0x1;
	s3 =	sadd.s32 s19, s18  }
0xa2: {  	s7 =	simm.s32 $0x0;
	s20 =	sshll.u32 s5, $0x1;
	s5 =	sadd.s32 s21, s3  }
0xa3: {  	[timem:s7], [sflag:s22] =	dma.local [hbm:s5], s20  }
0xa4: {  	_ =	swait.ge [sflag:s22], s20  }
0xa5: {  	s4 =	ssub.s32 $0x0, s20;
	[sflag:s22] =	ssyncset.done $0x0  }
0xa6: {  	[sflag:s22] =	ssyncadd.s32 s4;
	_ =	sdelay $0x1  }
0xa7: {  	s23 =	simm.s32 $0x1B8B  }
0xa8: {  	_ =	swait.ge [sflag:s23], $0x1  }
0xa9: {  	[sflag:s23] =	ssyncset.done $0x0  }
0xaa: {  	s25 =	simm.s32 $0x1B8E;
	s24 =	sld [smem:$0x3FFE];
	[sflag:s23] =	ssyncadd.s32 $0xFFFFFFFF  }
0xab: {  	s26 =	simm.s32 $execute0_lowered;
	[smem:$0x3FD2] =	sst s25  }
0xac: {  	s5 =	sshll.u32 s26, $0x1;
	_ =	strace $0x80000046;
	[dreg:$0x1] =	wrdreg $0xFFFFFFFF  }
0xad: {  	s28 =	simm.s32 $_size_execute0_lowered;
	s3 =	sadd.s32 s3, s5;
	[dreg:$0x0] =	wrdreg $0x0  }
0xae: {  	s5 =	sshll.u32 s28, $0x1;
	[dreg:$0x2] =	wrdreg s3  }
0xaf: {  	[dreg:$0x3] =	wrdreg s5  }
0xb0: {  	[dreg:$0x4] =	wrdreg $0xC0  }
0xb1: {  	_ =	task [dreg:s7], $0x5FFFF  }
0xb2: {  	[dreg:$0x1] =	wrdreg $0xFFFFFFFF  }
0xb3: {  	[dreg:$0x0] =	wrdreg $0x60  }
0xb4: {  	[dreg:$0x2] =	wrdreg s16  }
0xb5: {  	[dreg:$0x3] =	wrdreg s24  }
0xb6: {  	[dreg:$0x4] =	wrdreg $0x9  }
0xb7: {  	_ =	task.clear_ibuf [dreg:s7], $0x5FFFF;
	_ =	strace $0x90000046  }
0xb8: {  	s29 =	simm.s32 $0x9;
	_ =	strace $0x80000048  }
0xb9: {  	_ =	swait.ge [sflag:s29], $0x1  }
0xba: {  	[sflag:s29] =	ssyncadd.s32 $0xFFFFFFFF  }
0xbb: {  	_ =	strace $0x90000048  }
0xbc: {  	_ =	sfence  }
0xbd: {  	s30 =	sld [smem:$0x0];
	_ =	sdelay $0x2  }
0xbe: {  	s31 =	sshll.u32 s1, $0xD;
	s1 =	sshrl.u32 s1, $0x2  }
0xbf: {  	s3 =	sand.u32 $0x4000, s31;
	s1 =	sadd.s32 s1, s30  }
0xc0: {  	s0 =	sor.u32 s3, s0;
	s1 =	sshll.u32 s1, $0x11  }
0xc1: {  	s0 =	sor.u32 s1, s0  }
0xc2: {  	s0 =	sadd.s32 $0x8F2B, s0  }
0xc3: {  	[sflag:s0] =	ssyncadd.remote.s32 $0x1  }
0xc4: {  	_ =	sfence.sel $0xFFFF  }
0xc5: {  	[dreg:$0x0] =	wrdreg $0xFFFFFFFF;
	(pc) =	sbr.abs _section_cstart, $3  }
0xc6: {  	[dreg:$0x1] =	wrdreg $0xFFFFFFFF  }
0xc7: {  	_ =	task.clear_ibuf [dreg:s7], $0x2FFFF;
	_ =	strace $0x9FFFFFFF  }
0xc8: {  	(tm) =	ssettm $0x7FFFFFFF  }
0xc9: {  	_ =	shalt  }
tec
execute0_lowered:
.L_overlay_start_1:
0x0: {  	(tag) =	ssettag $0x1  }
0x1: {  	s1 =	srdreg.scid;
	s3 =	rddreg [dreg:$0x0]  }
0x2: {  	s0 =	stileid.u32;
	s5 =	rddreg [dreg:$0x1];
	s2 =	simm.s32 $0x0  }
0x3: {  	s4 =	sand.u32 $0x1, s1;
	s31 =	sshll.u32 s0, $0x1;
	s1 =	rddreg [dreg:$0x2]  }
0x4: {  	[smem:$0x7FF] =	sst s2;
	s6 =	sor.u32 s4, s31  }
0x5: {  	p0 =	sgt.u32 s0, $0x7;
	s4 =	ssub.s32 $0x2, s4;
	s6 =	smin.u32 s6, $0xF  }
0x6: {  	_ =	strace $0x80000047;
	s7 =	sshrl.u32 s4, $0x1;
	s6 =	sshll.u32 s6, $0x7  }
0x7: {  	s7 =	ssub.s32 s4, s7;
	s5 =	sadd.s32 s6, s5;
	s3 =	sadd.s32 s3, s6  }
0x8: {  	v1 =	vimm.f32 $1.000000000e+00;
	v2 =	vimm.f32 $0.0e+00;
	v57 =	vimm.f32 $8.000000000e+00;
	s6 =	simm.s32 $0x1;
	s4 =	sadd.s32 $0x1400, s5;
	s5 =	smax.u32 s7, $0x1  }
.LBB2_1:
0x9: {  	[tilespmem:s2], [sflag:$0x1] =	stream.linear.gather [hbm4b:s3+s2], $0x400, $0x38;
	[tilespmem:$0x800] =	vst v63  }
0xa: {  	_ =	swait.ge [sflag:s6], $0x400  }
0xb: {  	[sflag:s6] =	ssyncset.done $0x0  }
0xc: {  	[sflag:s6] =	ssyncadd.s32 $0xFFFFFC00  }
0xd: {  	v3 =	vld [tilespmem:$0x0]  }
0xe: {  	v4 =	vld [tilespmem:$0x80]  }
0xf: {  	v5 =	vld [tilespmem:$0x100]  }
0x10: {  	v6 =	vld [tilespmem:$0x180]  }
0x11: {  	v7 =	vld [tilespmem:$0x200]  }
0x12: {  	v8 =	vld [tilespmem:$0x280]  }
0x13: {  	v9 =	vld [tilespmem:$0x300];
	v0 =	vmax.f32 v3, v4  }
0x14: {  	v10 =	vld [tilespmem:$0x380];
	v0 =	vmax.f32 v0, v5  }
0x15: {  	v0 =	vmax.f32 v0, v6  }
0x16: {  	v0 =	vmax.f32 v0, v7  }
0x17: {  	v0 =	vmax.f32 v0, v8  }
0x18: {  	v0 =	vmax.f32 v0, v9  }
0x19: {  	v0 =	vmax.f32 v0, v10  }
0x1a: {  	vm0 =	veq.f32 v10, v0  }
0x1b: {  	vm8 =	veq.f32 v9, v0;
	v11 =	vsel vm0, $0x40E00000, v57  }
0x1c: {  	vm9 =	veq.f32 v8, v0;
	v11 =	vsel vm8, $0x40C00000, v11  }
0x1d: {  	vm10 =	veq.f32 v7, v0;
	v11 =	vsel vm9, $0x40A00000, v11  }
0x1e: {  	vm11 =	veq.f32 v6, v0;
	v11 =	vsel vm10, $0x40800000, v11  }
0x1f: {  	vm12 =	veq.f32 v5, v0;
	v11 =	vsel vm11, $0x40400000, v11  }
0x20: {  	vm13 =	veq.f32 v4, v0;
	v11 =	vsel vm12, $0x40000000, v11  }
0x21: {  	v15 =	vmax.f32 v3, $-3.000000010e+38;
	vm6 =	vne.f32 v3, v0;
	v11 =	vsel vm13, $0x3F800000, v11  }
0x22: {  	v41 =	vsel vm6, $0x0, v1;
	v0 =	vnsel vm6, $0x0, v11;
	v11 =	vnsel vm6, $0xFF61B1E6, v15  }
0x23: {  	vm7 =	vne.f32 v0, $1.000000000e+00;
	vm5 =	vne.f32 v0, $2.000000000e+00;
	vm4 =	vne.f32 v0, $3.000000000e+00  }
0x24: {  	vm3 =	vne.f32 v0, $4.000000000e+00;
	vm1 =	vne.f32 v0, $5.000000000e+00;
	v12 =	vnsel vm7, $0xFF61B1E6, v4  }
0x25: {  	vm2 =	vne.f32 v0, $6.000000000e+00;
	v16 =	vnsel vm5, $0xFF61B1E6, v5;
	v11 =	vmax.f32 v11, v12  }
0x26: {  	v52 =	vld [tilespmem:$0x20];
	vm0 =	vne.f32 v0, $7.000000000e+00;
	v17 =	vnsel vm4, $0xFF61B1E6, v6;
	v11 =	vmax.f32 v11, v16  }
0x27: {  	v60 =	vld [tilespmem:$0xA0];
	v18 =	vnsel vm3, $0xFF61B1E6, v7;
	v19 =	vnsel vm1, $0xFF61B1E6, v8;
	v11 =	vmax.f32 v11, v17  }
0x28: {  	v20 =	vnsel vm2, $0xFF61B1E6, v9;
	v21 =	vnsel vm0, $0xFF61B1E6, v10;
	v11 =	vmax.f32 v11, v18  }
0x29: {  	v22 =	vld [tilespmem:$0x90];
	v43 =	vsel vm7, $0x0, v1;
	v45 =	vsel vm5, $0x0, v1;
	v11 =	vmax.f32 v11, v19  }
0x2a: {  	v24 =	vld [tilespmem:$0x110];
	v47 =	vsel vm4, $0x0, v1;
	v49 =	vsel vm3, $0x0, v1;
	v0 =	vmax.f32 v11, v20  }
0x2b: {  	v51 =	vsel vm1, $0x0, v1;
	v55 =	vsel vm2, $0x0, v1;
	v11 =	vmax.f32 v0, v21;
	v0 =	vld [tilespmem:$0x10]  }
0x2c: {  	v25 =	vld [tilespmem:$0x190];
	v40 =	vsel vm0, $0x0, v1;
	v20 =	vmax.f32 v52, v60;
	vm8 =	veq.f32 v10, v11  }
0x2d: {  	v26 =	vld [tilespmem:$0x210];
	vm9 =	veq.f32 v9, v11;
	vm15 =	veq.f32 v8, v11;
	vm8 =	vmand vm8, vm0  }
0x2e: {  	v27 =	vld [tilespmem:$0x290];
	vm13 =	veq.f32 v7, v11;
	vm14 =	vmand vm9, vm2;
	v23 =	vsel vm8, $0x40E00000, v57  }
0x2f: {  	v28 =	vld [tilespmem:$0x310];
	vm12 =	vmand vm15, vm1;
	vm15 =	veq.f32 v6, v11;
	v10 =	vsel vm14, $0x40C00000, v23  }
0x30: {  	v62 =	vld [tilespmem:$0x120];
	vm14 =	vmand vm13, vm3;
	v10 =	vsel vm12, $0x40A00000, v10;
	v13 =	vmax.f32 v0, v22  }
0x31: {  	v29 =	vld [tilespmem:$0x390];
	vm12 =	vmand vm15, vm4;
	v10 =	vsel vm14, $0x40800000, v10;
	v13 =	vmax.f32 v13, v24  }
0x32: {  	v10 =	vsel vm12, $0x40400000, v10;
	vm12 =	veq.f32 v3, v11;
	v3 =	vmax.f32 v13, v25  }
0x33: {  	vm13 =	veq.f32 v5, v11;
	vm15 =	veq.f32 v4, v11;
	v3 =	vmax.f32 v3, v26  }
0x34: {  	v31 =	vmax.f32 v0, $-3.000000010e+38;
	vm14 =	vmand vm13, vm5;
	v3 =	vmax.f32 v3, v27  }
0x35: {  	vm8 =	vmand vm15, vm7;
	v13 =	vmax.f32 v20, v62;
	v3 =	vmax.f32 v3, v28  }
0x36: {  	v10 =	vsel vm14, $0x40000000, v10;
	vm13 =	vmand vm12, vm6;
	v3 =	vmax.f32 v3, v29  }
0x37: {  	v10 =	vsel vm8, $0x3F800000, v10;
	v42 =	vsel vm13, $0x3F800000, v2;
	vm15 =	veq.f32 v29, v3  }
0x38: {  	v10 =	vsel vm13, $0x0, v10;
	vm10 =	veq.f32 v28, v3;
	v30 =	vsel vm15, $0x40E00000, v57  }
0x39: {  	vm14 =	veq.f32 v10, $1.000000000e+00;
	vm11 =	veq.f32 v27, v3;
	v11 =	vsel vm10, $0x40C00000, v30  }
0x3a: {  	vm9 =	veq.f32 v10, $2.000000000e+00;
	vm12 =	veq.f32 v26, v3;
	v11 =	vsel vm11, $0x40A00000, v11  }
0x3b: {  	v44 =	vsel vm14, $0x3F800000, v2;
	vm14 =	veq.f32 v25, v3;
	v11 =	vsel vm12, $0x40800000, v11  }
0x3c: {  	vm13 =	veq.f32 v10, $3.000000000e+00;
	vm15 =	veq.f32 v24, v3;
	v11 =	vsel vm14, $0x40400000, v11  }
0x3d: {  	vm0 =	veq.f32 v10, $7.000000000e+00;
	vm8 =	veq.f32 v22, v3;
	v11 =	vsel vm15, $0x40000000, v11  }
0x3e: {  	v46 =	vsel vm9, $0x3F800000, v2;
	vm7 =	vne.f32 v0, v3;
	v11 =	vsel vm8, $0x3F800000, v11  }
0x3f: {  	vm9 =	veq.f32 v10, $4.000000000e+00;
	vm10 =	veq.f32 v10, $5.000000000e+00;
	v3 =	vnsel vm7, $0x0, v11  }
0x40: {  	v50 =	vsel vm9, $0x3F800000, v2;
	v54 =	vsel vm10, $0x3F800000, v2;
	vm9 =	vne.f32 v3, $1.000000000e+00  }
0x41: {  	v11 =	vnsel vm7, $0xFF61B1E6, v31;
	vm8 =	vne.f32 v3, $2.000000000e+00;
	v32 =	vnsel vm9, $0xFF61B1E6, v22  }
0x42: {  	vm6 =	vne.f32 v3, $3.000000000e+00;
	v33 =	vnsel vm8, $0xFF61B1E6, v24;
	v11 =	vmax.f32 v11, v32  }
0x43: {  	vm5 =	vne.f32 v3, $4.000000000e+00;
	v34 =	vnsel vm6, $0xFF61B1E6, v25;
	v11 =	vmax.f32 v11, v33  }
0x44: {  	vm4 =	vne.f32 v3, $5.000000000e+00;
	v35 =	vnsel vm5, $0xFF61B1E6, v26;
	v11 =	vmax.f32 v11, v34  }
0x45: {  	vm3 =	vne.f32 v3, $6.000000000e+00;
	v36 =	vnsel vm4, $0xFF61B1E6, v27;
	v11 =	vmax.f32 v11, v35  }
0x46: {  	vm1 =	vne.f32 v3, $7.000000000e+00;
	v37 =	vnsel vm3, $0xFF61B1E6, v28;
	v11 =	vmax.f32 v11, v36  }
0x47: {  	vm10 =	veq.f32 v10, $6.000000000e+00;
	v38 =	vnsel vm1, $0xFF61B1E6, v29;
	v3 =	vmax.f32 v11, v37  }
0x48: {  	v48 =	vsel vm13, $0x3F800000, v2;
	v39 =	vsel vm10, $0x3F800000, v2;
	v3 =	vmax.f32 v3, v38  }
0x49: {  	v34 =	vsel vm3, $0x0, v1;
	vm11 =	veq.f32 v29, v3;
	vm12 =	veq.f32 v28, v3  }
0x4a: {  	vm14 =	veq.f32 v27, v3;
	v27 =	vsel vm5, $0x0, v1;
	vm2 =	vmand vm11, vm1  }
0x4b: {  	vm13 =	vmand vm12, vm3;
	vm15 =	vmand vm14, vm4;
	v61 =	vsel vm2, $0x40E00000, v57  }
0x4c: {  	v63 =	vld [tilespmem:$0x1A0];
	vm12 =	veq.f32 v26, v3;
	vm14 =	veq.f32 v25, v3;
	v11 =	vsel vm13, $0x40C00000, v61  }
0x4d: {  	v17 =	vld [tilespmem:$0x220];
	v25 =	vsel vm6, $0x0, v1;
	vm13 =	vmand vm12, vm5;
	v16 =	vsel vm15, $0x40A00000, v11  }
0x4e: {  	v18 =	vld [tilespmem:$0x2A0];
	vm12 =	veq.f32 v24, v3;
	vm15 =	vmand vm14, vm6;
	v6 =	vsel vm13, $0x40800000, v16  }
0x4f: {  	v19 =	vld [tilespmem:$0x320];
	vm14 =	veq.f32 v22, v3;
	vm13 =	vmand vm12, vm8;
	v6 =	vsel vm15, $0x40400000, v6  }
0x50: {  	v21 =	vld [tilespmem:$0x3A0];
	vm2 =	vmand vm14, vm9;
	vm15 =	veq.f32 v0, v3;
	v6 =	vsel vm13, $0x40000000, v6  }
0x51: {  	v0 =	vmax.f32 v13, v63;
	vm12 =	vmand vm15, vm7;
	v3 =	vsel vm2, $0x3F800000, v6  }
0x52: {  	v0 =	vmax.f32 v0, v17;
	v23 =	vsel vm12, $0x0, v3;
	v3 =	vsel vm7, $0x0, v1  }
0x53: {  	v22 =	vsel vm0, $0x3F800000, v2;
	v0 =	vmax.f32 v0, v18;
	[tilespmem:$0x1FD60] =	vst v3;
	v3 =	vsel vm12, $0x3F800000, v2  }
0x54: {  	v0 =	vmax.f32 v0, v19;
	vm13 =	veq.f32 v23, $1.000000000e+00;
	[tilespmem:$0x1FD70] =	vst v3;
	v3 =	vsel vm9, $0x0, v1  }
0x55: {  	v0 =	vmax.f32 v0, v21;
	vm15 =	veq.f32 v23, $2.000000000e+00;
	[tilespmem:$0x1FD80] =	vst v3;
	v3 =	vsel vm13, $0x3F800000, v2  }
0x56: {  	vm10 =	veq.f32 v23, $3.000000000e+00;
	vm14 =	veq.f32 v21, v0;
	[tilespmem:$0x1FD90] =	vst v3;
	v3 =	vsel vm8, $0x0, v1  }
0x57: {  	vm7 =	veq.f32 v19, v0;
	v24 =	vsel vm15, $0x3F800000, v2;
	[tilespmem:$0x1FDA0] =	vst v3;
	v3 =	vsel vm14, $0x40E00000, v57  }
0x58: {  	vm9 =	veq.f32 v17, v0;
	vm8 =	veq.f32 v18, v0;
	v3 =	vsel vm7, $0x40C00000, v3  }
0x59: {  	vm11 =	veq.f32 v63, v0;
	v26 =	vsel vm10, $0x3F800000, v2;
	v3 =	vsel vm8, $0x40A00000, v3  }
0x5a: {  	vm12 =	veq.f32 v62, v0;
	vm15 =	veq.f32 v23, $5.000000000e+00;
	v3 =	vsel vm9, $0x40800000, v3  }
0x5b: {  	vm13 =	veq.f32 v60, v0;
	vm14 =	veq.f32 v23, $4.000000000e+00;
	v3 =	vsel vm11, $0x40400000, v3  }
0x5c: {  	vm7 =	vne.f32 v52, v0;
	v0 =	vsel vm14, $0x3F800000, v2;
	v3 =	vsel vm12, $0x40000000, v3  }
0x5d: {  	vm10 =	veq.f32 v23, $6.000000000e+00;
	[tilespmem:$0x1FDF0] =	vst v0;
	v0 =	vsel vm4, $0x0, v1;
	v3 =	vsel vm13, $0x3F800000, v3  }
0x5e: {  	v14 =	vsel vm10, $0x3F800000, v2;
	[tilespmem:$0x1FE00] =	vst v0;
	v0 =	vnsel vm7, $0x0, v3;
	v3 =	vmax.f32 v52, $-3.000000010e+38  }
0x5f: {  	vm9 =	vne.f32 v0, $1.000000000e+00;
	v3 =	vnsel vm7, $0xFF61B1E6, v3;
	vm8 =	vne.f32 v0, $2.000000000e+00  }
0x60: {  	vm6 =	vne.f32 v0, $3.000000000e+00;
	vm5 =	vne.f32 v0, $4.000000000e+00;
	v28 =	vnsel vm9, $0xFF61B1E6, v60  }
0x61: {  	vm4 =	vne.f32 v0, $5.000000000e+00;
	v29 =	vnsel vm8, $0xFF61B1E6, v62;
	v3 =	vmax.f32 v3, v28  }
0x62: {  	vm2 =	vne.f32 v0, $6.000000000e+00;
	v30 =	vnsel vm6, $0xFF61B1E6, v63;
	v3 =	vmax.f32 v3, v29  }
0x63: {  	vm0 =	vne.f32 v0, $7.000000000e+00;
	v31 =	vnsel vm5, $0xFF61B1E6, v17;
	v3 =	vmax.f32 v3, v30  }
0x64: {  	v0 =	vsel vm15, $0x3F800000, v2;
	v32 =	vnsel vm4, $0xFF61B1E6, v18;
	v3 =	vmax.f32 v3, v31  }
0x65: {  	v33 =	vnsel vm2, $0xFF61B1E6, v19;
	v13 =	vsel vm9, $0x0, v1;
	v3 =	vmax.f32 v3, v32  }
0x66: {  	[tilespmem:$0x1FE10] =	vst v0;
	v15 =	vsel vm8, $0x0, v1;
	v0 =	vmax.f32 v3, v33;
	v3 =	vnsel vm0, $0xFF61B1E6, v21  }
0x67: {  	v20 =	vsel vm5, $0x0, v1;
	v32 =	vsel vm2, $0x0, v1;
	v35 =	vmax.f32 v0, v3  }
0x68: {  	v0 =	vsel vm1, $0x0, v1;
	vm1 =	veq.f32 v23, $7.000000000e+00;
	vm11 =	veq.f32 v21, v35  }
0x69: {  	v3 =	vld [tilespmem:$0x30];
	vm12 =	veq.f32 v19, v35;
	vm14 =	veq.f32 v18, v35;
	v61 =	vsel vm1, $0x3F800000, v2  }
0x6a: {  	[tilespmem:$0x1FE30] =	vst v0;
	v0 =	vld [tilespmem:$0xB0];
	v18 =	vsel vm6, $0x0, v1;
	v21 =	vsel vm4, $0x0, v1;
	vm3 =	vmand vm11, vm0  }
0x6b: {  	v6 =	vld [tilespmem:$0x130];
	vm13 =	vmand vm12, vm2;
	vm15 =	vmand vm14, vm4;
	v36 =	vsel vm3, $0x40E00000, v57  }
0x6c: {  	v9 =	vld [tilespmem:$0x1B0];
	vm12 =	veq.f32 v17, v35;
	vm14 =	veq.f32 v63, v35;
	v37 =	vsel vm13, $0x40C00000, v36  }
0x6d: {  	[tilespmem:$0x1FD30] =	vst v39;
	v39 =	vld [tilespmem:$0x230];
	vm13 =	vmand vm12, vm5;
	vm12 =	veq.f32 v62, v35;
	v62 =	vsel vm7, $0x0, v1  }
0x6e: {  	[tilespmem:$0x1FD40] =	vst v40;
	v40 =	vld [tilespmem:$0x2B0];
	v38 =	vsel vm15, $0x40A00000, v37;
	vm15 =	vmand vm14, vm6;
	vm14 =	veq.f32 v60, v35  }
0x6f: {  	v56 =	vld [tilespmem:$0x330];
	v23 =	vmax.f32 v3, $-3.000000010e+38;
	v7 =	vsel vm13, $0x40800000, v38;
	v58 =	vmax.f32 v3, v0  }
0x70: {  	v59 =	vld [tilespmem:$0x3B0];
	vm13 =	vmand vm12, vm8;
	v53 =	vsel vm15, $0x40400000, v7;
	v7 =	vmax.f32 v58, v6  }
0x71: {  	vm3 =	vmand vm14, vm9;
	vm15 =	veq.f32 v52, v35;
	v60 =	vmax.f32 v7, v9  }
0x72: {  	v35 =	vsel vm0, $0x0, v1;
	v5 =	vsel vm13, $0x40000000, v53;
	v4 =	vmax.f32 v60, v39  }
0x73: {  	vm12 =	vmand vm15, vm7;
	v5 =	vsel vm3, $0x3F800000, v5;
	v4 =	vmax.f32 v4, v40  }
0x74: {  	v58 =	vimm.s32 $0x0;
	v5 =	vsel vm12, $0x0, v5;
	v4 =	vmax.f32 v4, v56  }
0x75: {  	v63 =	vsel vm12, $0x3F800000, v2;
	vm13 =	veq.f32 v5, $1.000000000e+00;
	v4 =	vmax.f32 v4, v59  }
0x76: {  	vm15 =	veq.f32 v5, $2.000000000e+00;
	vm10 =	veq.f32 v5, $3.000000000e+00;
	vm14 =	veq.f32 v59, v4  }
0x77: {  	vm3 =	veq.f32 v5, $5.000000000e+00;
	vm7 =	veq.f32 v56, v4;
	v16 =	vsel vm14, $0x40E00000, v57  }
0x78: {  	vm6 =	veq.f32 v5, $6.000000000e+00;
	vm8 =	veq.f32 v40, v4;
	v7 =	vsel vm7, $0x40C00000, v16  }
0x79: {  	v29 =	vsel vm13, $0x3F800000, v2;
	vm9 =	veq.f32 v39, v4;
	v7 =	vsel vm8, $0x40A00000, v7  }
0x7a: {  	v17 =	vsel vm15, $0x3F800000, v2;
	vm11 =	veq.f32 v9, v4;
	v7 =	vsel vm9, $0x40800000, v7  }
0x7b: {  	[tilespmem:$0x1FDE0] =	vst v27;
	v19 =	vsel vm10, $0x3F800000, v2;
	vm12 =	veq.f32 v6, v4;
	v7 =	vsel vm11, $0x40400000, v7  }
0x7c: {  	[tilespmem:$0x1FED0] =	vst v21;
	v21 =	vsel vm3, $0x3F800000, v2;
	vm13 =	veq.f32 v0, v4;
	v7 =	vsel vm12, $0x40000000, v7  }
0x7d: {  	[tilespmem:$0x1FD50] =	vst v22;
	v33 =	vsel vm6, $0x3F800000, v2;
	vm1 =	vne.f32 v3, v4;
	v7 =	vsel vm13, $0x3F800000, v7  }
0x7e: {  	[tilespmem:$0x1FEB0] =	vst v19;
	v19 =	vimm.s32 $0x0;
	vm14 =	veq.f32 v5, $4.000000000e+00;
	v22 =	vnsel vm1, $0x0, v7  }
0x7f: {  	[tilespmem:$0x1FDC0] =	vst v25;
	v4 =	vnsel vm1, $0xFF61B1E6, v23;
	v31 =	vsel vm14, $0x3F800000, v2;
	vm13 =	vne.f32 v22, $1.000000000e+00  }
0x80: {  	[tilespmem:$0x1FDB0] =	vst v24;
	v52 =	vld [tilespmem:$0x40];
	vm12 =	vne.f32 v22, $2.000000000e+00;
	vm11 =	vne.f32 v22, $3.000000000e+00;
	v24 =	vnsel vm13, $0xFF61B1E6, v0  }
0x81: {  	[tilespmem:$0x1FE80] =	vst v15;
	vm10 =	vne.f32 v22, $4.000000000e+00;
	v15 =	vnsel vm12, $0xFF61B1E6, v6;
	v7 =	vmax.f32 v4, v24;
	v4 =	vld [tilespmem:$0xC0]  }
0x82: {  	[tilespmem:$0x1FDD0] =	vst v26;
	vm7 =	vne.f32 v22, $5.000000000e+00;
	vm9 =	vne.f32 v22, $6.000000000e+00;
	v15 =	vmax.f32 v7, v15;
	v7 =	vld [tilespmem:$0x140]  }
0x83: {  	[tilespmem:$0x1FE90] =	vst v17;
	v17 =	vld [tilespmem:$0x1C0];
	vm15 =	vne.f32 v22, $7.000000000e+00;
	v22 =	vimm.s32 $0x0;
	v16 =	vnsel vm11, $0xFF61B1E6, v9  }
0x84: {  	[tilespmem:$0x1FE70] =	vst v13;
	v25 =	vnsel vm10, $0xFF61B1E6, v39;
	v26 =	vnsel vm7, $0xFF61B1E6, v40;
	v15 =	vmax.f32 v15, v16  }
0x85: {  	[tilespmem:$0x1FEA0] =	vst v18;
	v18 =	vld [tilespmem:$0x240];
	v27 =	vnsel vm9, $0xFF61B1E6, v56;
	v28 =	vnsel vm15, $0xFF61B1E6, v59;
	v15 =	vmax.f32 v15, v25  }
0x86: {  	[tilespmem:$0x1FEC0] =	vst v20;
	v13 =	vld [tilespmem:$0x2C0];
	v19 =	vsel vm15, $0xFFFFFFFF, v19;
	v15 =	vmax.f32 v15, v26;
	v20 =	vmax.f32 v52, v4  }
0x87: {  	[tilespmem:$0x1FCE0] =	vst v19;
	v19 =	vld [tilespmem:$0x340];
	v25 =	vimm.s32 $0x0;
	v15 =	vmax.f32 v15, v27;
	v30 =	vmax.f32 v20, v7  }
0x88: {  	[tilespmem:$0x1FEE0] =	vst v21;
	v21 =	vld [tilespmem:$0x3C0];
	v27 =	vimm.s32 $0x0;
	v16 =	vmax.f32 v15, v28;
	v15 =	vmax.f32 v30, v17  }
0x89: {  	v53 =	vld [tilespmem:$0x50];
	vm8 =	veq.f32 v59, v16;
	vm14 =	veq.f32 v56, v16;
	vm6 =	veq.f32 v40, v16  }
0x8a: {  	[tilespmem:$0x1FE20] =	vst v34;
	v56 =	vmax.f32 v52, $-3.000000010e+38;
	v30 =	vsel vm1, $0x0, v1;
	v34 =	vmax.f32 v15, v18  }
0x8b: {  	vm15 =	vmand vm8, vm15;
	vm8 =	vmand vm14, vm9;
	v10 =	vmax.f32 v34, v13  }
0x8c: {  	vm14 =	vmand vm6, vm7;
	v36 =	vsel vm15, $0x40E00000, v57;
	v10 =	vmax.f32 v10, v19  }
0x8d: {  	vm6 =	veq.f32 v39, v16;
	v11 =	vsel vm8, $0x40C00000, v36;
	v10 =	vmax.f32 v10, v21  }
0x8e: {  	v36 =	vmax.f32 v53, $-3.000000010e+38;
	v11 =	vsel vm14, $0x40A00000, v11;
	vm15 =	veq.f32 v21, v10  }
0x8f: {  	vm8 =	veq.f32 v19, v10;
	vm14 =	veq.f32 v13, v10;
	vm4 =	veq.f32 v18, v10  }
0x90: {  	vm5 =	veq.f32 v17, v10;
	v37 =	vsel vm15, $0x40E00000, v57;
	vm15 =	vmand vm6, vm10  }
0x91: {  	vm6 =	veq.f32 v9, v16;
	v8 =	vsel vm8, $0x40C00000, v37;
	v11 =	vsel vm15, $0x40800000, v11  }
0x92: {  	vm8 =	veq.f32 v7, v10;
	vm2 =	vmand vm6, vm11;
	v8 =	vsel vm14, $0x40A00000, v8  }
0x93: {  	vm15 =	veq.f32 v6, v16;
	vm6 =	vne.f32 v52, v10;
	v8 =	vsel vm4, $0x40800000, v8  }
0x94: {  	vm14 =	veq.f32 v4, v10;
	v39 =	vsel vm2, $0x40400000, v11;
	v8 =	vsel vm5, $0x40400000, v8  }
0x95: {  	v6 =	vnsel vm6, $0xFF61B1E6, v56;
	vm5 =	vmand vm15, vm12;
	v8 =	vsel vm8, $0x40000000, v8  }
0x96: {  	v56 =	vsel vm11, $0x0, v1;
	v38 =	vsel vm14, $0x3F800000, v8;
	v8 =	vsel vm5, $0x40000000, v39  }
0x97: {  	vm14 =	veq.f32 v0, v16;
	v0 =	vimm.s32 $0x0;
	v40 =	vnsel vm6, $0x0, v38  }
0x98: {  	vm14 =	vmand vm14, vm13;
	vm8 =	vne.f32 v40, $1.000000000e+00;
	vm5 =	vne.f32 v40, $2.000000000e+00  }
0x99: {  	vm4 =	vne.f32 v40, $3.000000000e+00;
	vm3 =	vne.f32 v40, $4.000000000e+00;
	vm2 =	vne.f32 v40, $5.000000000e+00  }
0x9a: {  	v8 =	vsel vm14, $0x3F800000, v8;
	vm14 =	veq.f32 v5, $7.000000000e+00;
	v10 =	vsel vm8, $0xFFFFFFFF, v58  }
0x9b: {  	[tilespmem:$0x1FE40] =	vst v61;
	v59 =	vnsel vm8, $0xFF61B1E6, v4;
	v60 =	vnsel vm5, $0xFF61B1E6, v7;
	v61 =	vnsel vm4, $0xFF61B1E6, v17  }
0x9c: {  	[tilespmem:$0x1FE50] =	vst v62;
	v62 =	vnsel vm3, $0xFF61B1E6, v18;
	v0 =	vsel vm3, $0xFFFFFFFF, v0;
	vm8 =	vne.f32 v40, $6.000000000e+00  }
0x9d: {  	v20 =	vnsel vm2, $0xFF61B1E6, v13;
	v26 =	vsel vm14, $0x3F800000, v2;
	v6 =	vmax.f32 v6, v59  }
0x9e: {  	vm14 =	veq.f32 v3, v16;
	v58 =	vsel vm12, $0x0, v1;
	[tilespmem:$0x1FCD0] =	vst v10;
	v6 =	vmax.f32 v6, v60  }
0x9f: {  	v16 =	vsel vm9, $0x0, v1;
	[tilespmem:$0x1FCF0] =	vst v0;
	v0 =	vld [tilespmem:$0xD0];
	v10 =	vsel vm2, $0xFFFFFFFF, v22;
	v6 =	vmax.f32 v6, v61  }
0xa0: {  	[tilespmem:$0x1FE60] =	vst v63;
	v24 =	vnsel vm8, $0xFF61B1E6, v19;
	vm0 =	vmmov vm8;
	v63 =	vmax.f32 v6, v62;
	v6 =	vld [tilespmem:$0x150]  }
0xa1: {  	v12 =	vsel vm8, $0xFFFFFFFF, v25;
	vm8 =	vne.f32 v40, $7.000000000e+00;
	vm14 =	vmand vm14, vm1  }
0xa2: {  	[tilespmem:$0x1FD00] =	vst v10;
	v10 =	vld [tilespmem:$0x1D0];
	v9 =	vnsel vm8, $0xFF61B1E6, v21;
	v11 =	vsel vm8, $0xFFFFFFFF, v27;
	v23 =	vmax.f32 v63, v20  }
0xa3: {  	v15 =	vld [tilespmem:$0x250];
	v59 =	vsel vm14, $0x3F800000, v2;
	v60 =	vsel vm13, $0x0, v1;
	v5 =	vmax.f32 v23, v24  }
0xa4: {  	[tilespmem:$0x1FD10] =	vst v12;
	v12 =	vsel vm7, $0x0, v1;
	v20 =	vld [tilespmem:$0x2D0];
	v28 =	vmax.f32 v53, v0;
	v23 =	vmax.f32 v5, v9  }
0xa5: {  	v22 =	vld [tilespmem:$0x350];
	vm15 =	veq.f32 v21, v23;
	v21 =	vsel vm14, $0x0, v8;
	v3 =	vmax.f32 v28, v6  }
0xa6: {  	v24 =	vld [tilespmem:$0x3D0];
	vm1 =	vmand vm15, vm8;
	vm15 =	veq.f32 v19, v23;
	vm11 =	veq.f32 v21, $4.000000000e+00  }
0xa7: {  	[tilespmem:$0x1FEF0] =	vst v32;
	v3 =	vmax.f32 v3, v10;
	v32 =	vsel vm1, $0x40E00000, v57;
	vm8 =	vmand vm15, vm0  }
0xa8: {  	vm15 =	veq.f32 v13, v23;
	v3 =	vmax.f32 v3, v15;
	v5 =	vsel vm8, $0x40C00000, v32  }
0xa9: {  	vm1 =	vmand vm15, vm2;
	vm2 =	veq.f32 v18, v23;
	v3 =	vmax.f32 v3, v20  }
0xaa: {  	[tilespmem:$0x1FF30] =	vst v30;
	v30 =	vld [tilespmem:$0x60];
	v5 =	vsel vm1, $0x40A00000, v5;
	vm1 =	vmand vm2, vm3;
	v3 =	vmax.f32 v3, v22  }
0xab: {  	[tilespmem:$0x1FD20] =	vst v11;
	v11 =	vsel vm11, $0x3F800000, v2;
	v18 =	vld [tilespmem:$0xE0];
	v5 =	vsel vm1, $0x40800000, v5;
	v3 =	vmax.f32 v3, v24  }
0xac: {  	vm8 =	veq.f32 v24, v3;
	vm15 =	veq.f32 v22, v3;
	vm3 =	veq.f32 v20, v3  }
0xad: {  	[tilespmem:$0x1FF00] =	vst v33;
	vm0 =	veq.f32 v6, v3;
	vm2 =	veq.f32 v0, v3;
	v33 =	vsel vm8, $0x40E00000, v57  }
0xae: {  	vm14 =	vne.f32 v53, v3;
	vm8 =	veq.f32 v17, v23;
	v9 =	vsel vm15, $0x40C00000, v33  }
0xaf: {  	vm1 =	vmand vm8, vm4;
	vm8 =	veq.f32 v15, v3;
	vm15 =	veq.f32 v10, v3  }
0xb0: {  	[tilespmem:$0x1FF10] =	vst v35;
	v35 =	vld [tilespmem:$0x1FCD0];
	v33 =	vmax.f32 v30, v18;
	v9 =	vsel vm3, $0x40A00000, v9;
	v5 =	vsel vm1, $0x40400000, v5  }
0xb1: {  	v3 =	vld [tilespmem:$0x1FCE0];
	vm3 =	vmmov vm5;
	v9 =	vsel vm8, $0x40800000, v9;
	vm8 =	veq.f32 v7, v23  }
0xb2: {  	v9 =	vsel vm15, $0x40400000, v9;
	vm1 =	vmand vm8, vm5;
	vm5 =	veq.f32 v4, v23  }
0xb3: {  	vm8 =	veq.f32 v21, $1.000000000e+00;
	v34 =	vsel vm0, $0x40000000, v9;
	v5 =	vsel vm1, $0x40000000, v5  }
0xb4: {  	v4 =	vsel vm8, $0x3F800000, v2;
	vm8 =	veq.f32 v21, $3.000000000e+00;
	vm0 =	veq.f32 v52, v23  }
0xb5: {  	v7 =	vsel vm2, $0x3F800000, v34;
	vm2 =	vnez.u8 v35;
	v9 =	vsel vm8, $0x3F800000, v2  }
0xb6: {  	vm11 =	vnez.u8 v3;
	v3 =	vimm.s32 $0x0;
	vm1 =	vmand vm5, vm2  }
0xb7: {  	[tilespmem:$0x1FF20] =	vst v26;
	v28 =	vnsel vm14, $0x0, v7;
	vm5 =	veq.f32 v21, $2.000000000e+00;
	v26 =	vsel vm1, $0x3F800000, v5  }
0xb8: {  	vm13 =	vne.f32 v28, $1.000000000e+00;
	v5 =	vnsel vm14, $0xFF61B1E6, v36;
	v8 =	vsel vm5, $0x3F800000, v2  }
0xb9: {  	v13 =	vld [tilespmem:$0x160];
	vm12 =	vne.f32 v28, $2.000000000e+00;
	vm15 =	vne.f32 v28, $3.000000000e+00;
	vm8 =	vne.f32 v28, $4.000000000e+00  }
0xba: {  	vm1 =	veq.f32 v21, $5.000000000e+00;
	vm7 =	vne.f32 v28, $5.000000000e+00;
	vm5 =	vne.f32 v28, $6.000000000e+00  }
0xbb: {  	v37 =	vnsel vm13, $0xFF61B1E6, v0;
	v38 =	vnsel vm12, $0xFF61B1E6, v6;
	v40 =	vnsel vm15, $0xFF61B1E6, v10  }
0xbc: {  	v62 =	vnsel vm8, $0xFF61B1E6, v15;
	v17 =	vsel vm1, $0x3F800000, v2;
	v32 =	vnsel vm7, $0xFF61B1E6, v20  }
0xbd: {  	v27 =	vld [tilespmem:$0x1E0];
	vm1 =	vne.f32 v28, $7.000000000e+00;
	v63 =	vnsel vm5, $0xFF61B1E6, v22;
	v7 =	vmax.f32 v5, v37  }
0xbe: {  	v3 =	vsel vm1, $0xFFFFFFFF, v3;
	v5 =	vmax.f32 v33, v13;
	v39 =	vmax.f32 v7, v38  }
0xbf: {  	v35 =	vld [tilespmem:$0x260];
	v7 =	vsel vm10, $0x0, v1;
	vm10 =	veq.f32 v21, $6.000000000e+00;
	[tilespmem:$0x1FF60] =	vst v3;
	v3 =	vimm.s32 $0x0  }
0xc0: {  	v36 =	vld [tilespmem:$0x2E0];
	v61 =	vmax.f32 v39, v40;
	v19 =	vsel vm10, $0x3F800000, v2;
	vm10 =	veq.f32 v21, $7.000000000e+00  }
0xc1: {  	v37 =	vld [tilespmem:$0x360];
	v21 =	vsel vm11, $0x0, v1;
	v3 =	vsel vm5, $0xFFFFFFFF, v3;
	vm11 =	vmand vm0, vm6  }
0xc2: {  	v25 =	vmax.f32 v61, v62;
	v61 =	vnsel vm1, $0xFF61B1E6, v24;
	v62 =	vmax.f32 v5, v27  }
0xc3: {  	v38 =	vld [tilespmem:$0x3E0];
	[tilespmem:$0x1FF50] =	vst v3;
	v3 =	vsel vm3, $0x0, v1;
	v32 =	vmax.f32 v25, v32;
	v25 =	vsel vm10, $0x3F800000, v2  }
0xc4: {  	[tilespmem:$0x1FF70] =	vst v3;
	v3 =	vsel vm4, $0x0, v1;
	v28 =	vmax.f32 v32, v63;
	v63 =	vmax.f32 v62, v35  }
0xc5: {  	v39 =	vmax.f32 v28, v61;
	v28 =	vsel vm6, $0x0, v1;
	v23 =	vmax.f32 v63, v36  }
0xc6: {  	vm0 =	veq.f32 v24, v39;
	v23 =	vmax.f32 v23, v37;
	vm10 =	veq.f32 v22, v39  }
0xc7: {  	vm9 =	vmand vm0, vm1;
	vm0 =	vmand vm10, vm5;
	vm1 =	veq.f32 v20, v39  }
0xc8: {  	v32 =	vmax.f32 v23, v38;
	v5 =	vsel vm9, $0x40E00000, v57;
	vm5 =	vmand vm1, vm7  }
0xc9: {  	vm6 =	veq.f32 v38, v32;
	vm10 =	veq.f32 v37, v32;
	vm1 =	veq.f32 v35, v32  }
0xca: {  	v33 =	vsel vm0, $0x40C00000, v5;
	v34 =	vsel vm6, $0x40E00000, v57;
	vm6 =	veq.f32 v36, v32  }
0xcb: {  	v20 =	vsel vm5, $0x40A00000, v33;
	v23 =	vsel vm10, $0x40C00000, v34;
	vm5 =	veq.f32 v15, v39  }
0xcc: {  	vm10 =	veq.f32 v6, v39;
	v40 =	vsel vm6, $0x40A00000, v23;
	vm0 =	vmand vm5, vm8  }
0xcd: {  	vm5 =	veq.f32 v27, v32;
	vm6 =	veq.f32 v10, v39;
	v20 =	vsel vm0, $0x40800000, v20  }
0xce: {  	v15 =	vsel vm1, $0x40800000, v40;
	vm0 =	vmand vm6, vm15;
	vm6 =	veq.f32 v18, v32  }
0xcf: {  	v15 =	vsel vm5, $0x40400000, v15;
	vm5 =	veq.f32 v13, v32;
	v61 =	vsel vm0, $0x40400000, v20  }
0xd0: {  	v20 =	vsel vm11, $0x0, v26;
	vm0 =	vmand vm10, vm12;
	v52 =	vsel vm5, $0x40000000, v15  }
0xd1: {  	vm10 =	vne.f32 v30, v32;
	v10 =	vsel vm6, $0x3F800000, v52;
	vm6 =	veq.f32 v20, $3.000000000e+00  }
0xd2: {  	[tilespmem:$0x1FF80] =	vst v3;
	v6 =	vnsel vm10, $0x0, v10;
	v3 =	vsel vm6, $0x3F800000, v2  }
0xd3: {  	[tilespmem:$0x1FF90] =	vst v3;
	vm4 =	vne.f32 v6, $3.000000000e+00;
	v3 =	vimm.s32 $0x0  }
0xd4: {  	v3 =	vsel vm4, $0xFFFFFFFF, v3  }
0xd5: {  	[tilespmem:$0x1FF40] =	vst v3;
	v3 =	vld [tilespmem:$0x1FCF0];
	_ =	sdelay $0x3  }
0xd6: {  	vm5 =	veq.f32 v20, $2.000000000e+00  }
0xd7: {  	v15 =	vsel vm0, $0x40000000, v61;
	v61 =	vsel vm5, $0x3F800000, v2;
	vm5 =	vnez.u8 v3  }
0xd8: {  	vm6 =	veq.f32 v20, $4.000000000e+00;
	v3 =	vsel vm5, $0x0, v1  }
0xd9: {  	[tilespmem:$0x1FFA0] =	vst v3;
	v3 =	vsel vm6, $0x3F800000, v2  }
0xda: {  	[tilespmem:$0x1FFB0] =	vst v3;
	v3 =	vld [tilespmem:$0x1FD00];
	_ =	sdelay $0x4  }
0xdb: {  	v24 =	vnsel vm4, $0xFF61B1E6, v27;
	vm4 =	vnez.u8 v3  }
0xdc: {  	v3 =	vsel vm4, $0x0, v1  }
0xdd: {  	[tilespmem:$0x1FFC0] =	vst v3;
	v3 =	vld [tilespmem:$0x1FD10];
	_ =	sdelay $0x2  }
0xde: {  	v62 =	vmax.f32 v30, $-3.000000010e+38;
	vm5 =	veq.f32 v20, $5.000000000e+00  }
0xdf: {  	v10 =	vnsel vm10, $0xFF61B1E6, v62;
	v62 =	vsel vm5, $0x3F800000, v2  }
0xe0: {  	vm5 =	vne.f32 v6, $5.000000000e+00;
	vm4 =	vnez.u8 v3;
	v3 =	vimm.s32 $0x0  }
0xe1: {  	v32 =	vsel vm11, $0x3F800000, v2;
	v3 =	vsel vm5, $0xFFFFFFFF, v3  }
0xe2: {  	vm11 =	veq.f32 v20, $1.000000000e+00;
	vm3 =	vne.f32 v6, $6.000000000e+00;
	[tilespmem:$0x1FFD0] =	vst v3;
	v3 =	vimm.s32 $0x0  }
0xe3: {  	v34 =	vsel vm11, $0x3F800000, v2;
	v3 =	vsel vm3, $0xFFFFFFFF, v3  }
0xe4: {  	vm11 =	vne.f32 v6, $1.000000000e+00;
	vm1 =	vne.f32 v6, $7.000000000e+00;
	[tilespmem:$0x1FFE0] =	vst v3;
	v3 =	vimm.s32 $0x0  }
0xe5: {  	vm9 =	vne.f32 v6, $2.000000000e+00;
	v63 =	vnsel vm11, $0xFF61B1E6, v18;
	v3 =	vsel vm1, $0xFFFFFFFF, v3  }
0xe6: {  	v5 =	vnsel vm9, $0xFF61B1E6, v13;
	v10 =	vmax.f32 v10, v63;
	[tilespmem:$0x1FFF0] =	vst v3;
	v3 =	vld [tilespmem:$0x1FD20]  }
0xe7: {  	v10 =	vmax.f32 v10, v5;
	vm6 =	vne.f32 v6, $4.000000000e+00  }
0xe8: {  	v10 =	vmax.f32 v10, v24;
	v26 =	vnsel vm6, $0xFF61B1E6, v35  }
0xe9: {  	v52 =	vnsel vm3, $0xFF61B1E6, v37;
	v40 =	vnsel vm5, $0xFF61B1E6, v36;
	v10 =	vmax.f32 v10, v26  }
0xea: {  	v10 =	vmax.f32 v10, v40;
	v63 =	vsel vm4, $0x0, v1;
	vm4 =	veq.f32 v20, $6.000000000e+00  }
0xeb: {  	v22 =	vmax.f32 v10, v52;
	v10 =	vsel vm4, $0x3F800000, v2;
	vm4 =	vnez.u8 v3  }
0xec: {  	v52 =	vsel vm4, $0x0, v1;
	vm4 =	veq.f32 v0, v39;
	v0 =	vld [tilespmem:$0x1FD30]  }
0xed: {  	v24 =	vnsel vm1, $0xFF61B1E6, v38  }
0xee: {  	v40 =	vmax.f32 v22, v24  }
0xef: {  	v33 =	vsel vm2, $0x0, v1;
	vm2 =	veq.f32 v38, v40  }
0xf0: {  	vm2 =	vmand vm2, vm1;
	v3 =	vld [tilespmem:$0x1FD50]  }
0xf1: {  	vm1 =	veq.f32 v30, v40;
	v30 =	vmax.f32 v41, v42;
	v42 =	vmax.f32 v55, v0;
	v0 =	vld [tilespmem:$0x1FD40]  }
0xf2: {  	vm4 =	vmand vm4, vm13  }
0xf3: {  	vm0 =	veq.f32 v20, $7.000000000e+00;
	v15 =	vsel vm4, $0x3F800000, v15;
	vm4 =	veq.f32 v37, v40  }
0xf4: {  	v6 =	vsel vm0, $0x3F800000, v2;
	v26 =	vsel vm2, $0x40E00000, v57;
	vm0 =	vmand vm4, vm3  }
0xf5: {  	v38 =	vsel vm0, $0x40C00000, v26  }
0xf6: {  	vm0 =	veq.f32 v35, v40;
	v35 =	vmax.f32 v43, v44;
	v43 =	vmax.f32 v0, v3;
	v0 =	vld [tilespmem:$0x1FD60]  }
0xf7: {  	v3 =	vld [tilespmem:$0x1FD70];
	_ =	sdelay $0x4  }
0xf8: {  	v44 =	vmax.f32 v0, v3;
	v0 =	vld [tilespmem:$0x1FD80]  }
0xf9: {  	v3 =	vld [tilespmem:$0x1FD90];
	_ =	sdelay $0x2  }
0xfa: {  	vm2 =	veq.f32 v36, v40  }
0xfb: {  	vm5 =	vmand vm2, vm5  }
0xfc: {  	v36 =	vsel vm5, $0x40A00000, v38;
	v38 =	vmax.f32 v45, v46;
	v45 =	vmax.f32 v0, v3;
	v0 =	vld [tilespmem:$0x1FDA0]  }
0xfd: {  	v3 =	vld [tilespmem:$0x1FDB0];
	_ =	sdelay $0x4  }
0xfe: {  	v46 =	vmax.f32 v0, v3;
	v0 =	vld [tilespmem:$0x1FDC0]  }
0xff: {  	v3 =	vld [tilespmem:$0x1FDD0];
	_ =	sdelay $0x4  }
0x100: {  	vm4 =	veq.f32 v53, v39;
	v39 =	vmax.f32 v47, v48;
	v47 =	vmax.f32 v0, v3;
	v0 =	vld [tilespmem:$0x1FDE0]  }
0x101: {  	v3 =	vld [tilespmem:$0x1FDF0];
	_ =	sdelay $0x4  }
0x102: {  	v48 =	vmax.f32 v0, v3;
	v0 =	vld [tilespmem:$0x1FE00]  }
0x103: {  	v3 =	vld [tilespmem:$0x1FE10];
	_ =	sdelay $0x2  }
0x104: {  	v23 =	vsel vm12, $0x0, v1;
	v22 =	vsel vm13, $0x0, v1;
	vm12 =	veq.f32 v18, v40  }
0x105: {  	v20 =	vsel vm14, $0x0, v1;
	vm13 =	veq.f32 v13, v40;
	vm4 =	vmand vm4, vm14  }
0x106: {  	vm14 =	veq.f32 v27, v40;
	v40 =	vmax.f32 v49, v50;
	v49 =	vmax.f32 v0, v3;
	v0 =	vld [tilespmem:$0x1FE20];
	_ =	sdelay $0x3  }
0x107: {  	v3 =	vld [tilespmem:$0x1FE40]  }
0x108: {  	v50 =	vmax.f32 v0, v14;
	v0 =	vld [tilespmem:$0x1FE30];
	_ =	sdelay $0x4  }
0x109: {  	[tilespmem:$0x480] =	vst v35;
	v35 =	vmax.f32 v0, v3;
	v0 =	vld [tilespmem:$0x1FE50]  }
0x10a: {  	v3 =	vld [tilespmem:$0x1FE60];
	_ =	sdelay $0x4  }
0x10b: {  	v41 =	vmax.f32 v51, v54;
	v51 =	vmax.f32 v0, v3;
	v0 =	vld [tilespmem:$0x1FE70];
	_ =	sdelay $0x3  }
0x10c: {  	v3 =	vld [tilespmem:$0x1FE90]  }
0x10d: {  	v54 =	vmax.f32 v0, v29;
	v0 =	vld [tilespmem:$0x1FE80];
	_ =	sdelay $0x4  }
0x10e: {  	[tilespmem:$0x500] =	vst v38;
	v38 =	vmax.f32 v0, v3;
	v0 =	vld [tilespmem:$0x1FEA0]  }
0x10f: {  	v3 =	vld [tilespmem:$0x1FEB0];
	_ =	sdelay $0x3  }
0x110: {  	[tilespmem:$0x580] =	vst v39;
	v39 =	vld [tilespmem:$0x1FEE0]  }
0x111: {  	v55 =	vmax.f32 v0, v3;
	v3 =	vld [tilespmem:$0x1FED0];
	_ =	sdelay $0x1  }
0x112: {  	v9 =	vmax.f32 v56, v9;
	[tilespmem:$0x600] =	vst v40;
	v40 =	vld [tilespmem:$0x1FF30]  }
0x113: {  	v8 =	vmax.f32 v58, v8;
	v12 =	vmax.f32 v12, v17;
	v11 =	vmax.f32 v7, v11;
	v58 =	vld [tilespmem:$0x1FF40]  }
0x114: {  	v16 =	vmax.f32 v16, v19;
	v19 =	vmax.f32 v21, v25;
	v21 =	vmax.f32 v28, v32;
	[tilespmem:$0x400] =	vst v30;
	v30 =	vld [tilespmem:$0x1FF00]  }
0x115: {  	[tilespmem:$0x5B0] =	vst v9;
	v25 =	vmax.f32 v33, v34;
	v9 =	vsel vm9, $0x0, v1;
	v39 =	vmax.f32 v3, v39;
	v3 =	vld [tilespmem:$0x1FEF0]  }
0x116: {  	v5 =	vld [tilespmem:$0x1FF10];
	v10 =	vmax.f32 v63, v10;
	vm1 =	vmand vm1, vm10;
	v6 =	vmax.f32 v52, v6  }
0x117: {  	[tilespmem:$0x680] =	vst v41;
	v41 =	vld [tilespmem:$0x2F0];
	v53 =	vsel vm15, $0x0, v1;
	v40 =	vmax.f32 v40, v59;
	v59 =	vmax.f32 v60, v4  }
0x118: {  	v37 =	vsel vm4, $0x0, v15;
	v24 =	vsel vm4, $0x3F800000, v2;
	v15 =	vsel vm8, $0x0, v1;
	[tilespmem:$0x4B0] =	vst v59;
	v59 =	vld [tilespmem:$0x1FFC0]  }
0x119: {  	vm0 =	vmand vm0, vm6;
	vm8 =	vnez.u8 v58;
	vm4 =	veq.f32 v37, $1.000000000e+00;
	v0 =	vld [tilespmem:$0x1FEC0]  }
0x11a: {  	vm5 =	veq.f32 v37, $2.000000000e+00;
	v36 =	vsel vm0, $0x40800000, v36;
	v3 =	vmax.f32 v3, v30;
	v30 =	vld [tilespmem:$0x1FF20]  }
0x11b: {  	vm15 =	vmand vm14, vm8;
	vm2 =	veq.f32 v37, $6.000000000e+00;
	v20 =	vmax.f32 v20, v24;
	[tilespmem:$0x690] =	vst v49;
	v49 =	vld [tilespmem:$0x1FF50]  }
0x11c: {  	[tilespmem:$0x440] =	vst v21;
	v26 =	vsel vm4, $0x3F800000, v2;
	v27 =	vsel vm5, $0x3F800000, v2;
	vm4 =	veq.f32 v37, $3.000000000e+00;
	v14 =	vld [tilespmem:$0x70]  }
0x11d: {  	[tilespmem:$0x700] =	vst v42;
	vm5 =	veq.f32 v37, $4.000000000e+00;
	v36 =	vsel vm15, $0x40400000, v36;
	v13 =	vsel vm4, $0x3F800000, v2;
	v29 =	vld [tilespmem:$0xF0]  }
0x11e: {  	v18 =	vsel vm5, $0x3F800000, v2;
	vm4 =	vmand vm13, vm9;
	[tilespmem:$0x780] =	vst v43;
	v0 =	vmax.f32 v0, v31;
	v31 =	vld [tilespmem:$0x170]  }
0x11f: {  	vm5 =	veq.f32 v37, $5.000000000e+00;
	vm13 =	veq.f32 v37, $7.000000000e+00;
	[tilespmem:$0x430] =	vst v40;
	v5 =	vmax.f32 v5, v30;
	v30 =	vld [tilespmem:$0x1F0]  }
0x120: {  	v33 =	vsel vm5, $0x3F800000, v2;
	v4 =	vld [tilespmem:$0x270];
	v21 =	vmax.f32 v59, v62;
	v62 =	vmax.f32 v23, v27;
	[tilespmem:$0x590] =	vst v47  }
0x121: {  	v42 =	vld [tilespmem:$0x370];
	v27 =	vmax.f32 v53, v13;
	v47 =	vsel vm4, $0x40000000, v36;
	[tilespmem:$0x710] =	vst v50;
	vm15 =	vnez.u8 v49  }
0x122: {  	v36 =	vsel vm2, $0x3F800000, v2;
	v50 =	vld [tilespmem:$0x1FF60];
	[tilespmem:$0x790] =	vst v35;
	v35 =	vsel vm15, $0x0, v1;
	v60 =	vmax.f32 v14, v29  }
0x123: {  	v17 =	vld [tilespmem:$0x3F0];
	v49 =	vsel vm8, $0x0, v1;
	v40 =	vmax.f32 v35, v36;
	[tilespmem:$0x4A0] =	vst v54;
	v43 =	vmax.f32 v60, v31  }
0x124: {  	v54 =	vmax.f32 v14, $-3.000000010e+38;
	[tilespmem:$0x520] =	vst v38;
	v38 =	vsel vm13, $0x3F800000, v2;
	v7 =	vmax.f32 v43, v30  }
0x125: {  	[tilespmem:$0x490] =	vst v45;
	v45 =	vmax.f32 v7, v4;
	v7 =	vsel vm7, $0x0, v1;
	vm7 =	vmand vm12, vm11  }
0x126: {  	[tilespmem:$0x720] =	vst v3;
	v3 =	vsel vm11, $0x0, v1;
	v28 =	vmax.f32 v45, v41;
	v32 =	vsel vm7, $0x3F800000, v47  }
0x127: {  	[tilespmem:$0x6A0] =	vst v39;
	vm7 =	vnez.u8 v50;
	v39 =	vmax.f32 v7, v33;
	v28 =	vmax.f32 v28, v42  }
0x128: {  	[tilespmem:$0x620] =	vst v0;
	v37 =	vsel vm7, $0x0, v1;
	v0 =	vsel vm1, $0x0, v32;
	v28 =	vmax.f32 v28, v17  }
0x129: {  	vm15 =	veq.f32 v0, $1.000000000e+00;
	vm9 =	veq.f32 v0, $2.000000000e+00;
	vm12 =	veq.f32 v17, v28  }
0x12a: {  	[tilespmem:$0x530] =	vst v8;
	v47 =	vld [tilespmem:$0x1FF70];
	vm14 =	veq.f32 v42, v28;
	vm4 =	veq.f32 v41, v28;
	vm5 =	veq.f32 v4, v28  }
0x12b: {  	[tilespmem:$0x610] =	vst v48;
	vm13 =	veq.f32 v31, v28;
	v8 =	vsel vm15, $0x3F800000, v2;
	v48 =	vsel vm12, $0x40E00000, v57  }
0x12c: {  	vm15 =	veq.f32 v0, $3.000000000e+00;
	vm12 =	veq.f32 v30, v28;
	v34 =	vsel vm14, $0x40C00000, v48  }
0x12d: {  	v50 =	vsel vm15, $0x3F800000, v2;
	vm15 =	veq.f32 v0, $4.000000000e+00;
	v34 =	vsel vm4, $0x40A00000, v34  }
0x12e: {  	[tilespmem:$0x6B0] =	vst v12;
	v3 =	vmax.f32 v3, v8;
	vm14 =	veq.f32 v29, v28;
	v34 =	vsel vm5, $0x40800000, v34  }
0x12f: {  	[tilespmem:$0x630] =	vst v11;
	v12 =	vmax.f32 v47, v61;
	v48 =	vsel vm9, $0x3F800000, v2;
	v34 =	vsel vm12, $0x40400000, v34  }
0x130: {  	[tilespmem:$0x420] =	vst v51;
	v61 =	vmax.f32 v22, v26;
	v63 =	vsel vm15, $0x3F800000, v2;
	v34 =	vsel vm13, $0x40000000, v34  }
0x131: {  	[tilespmem:$0x4E0] =	vst v3;
	v3 =	vmax.f32 v9, v48;
	vm5 =	vne.f32 v14, v28;
	v51 =	vsel vm14, $0x3F800000, v34  }
0x132: {  	[tilespmem:$0x5A0] =	vst v55;
	v28 =	vsel vm10, $0x0, v1;
	v55 =	vnsel vm5, $0xFF61B1E6, v54;
	v32 =	vnsel vm5, $0x0, v51  }
0x133: {  	[tilespmem:$0x730] =	vst v16;
	v34 =	vsel vm1, $0x3F800000, v2;
	vm11 =	vne.f32 v32, $1.000000000e+00;
	vm13 =	vne.f32 v32, $2.000000000e+00  }
0x134: {  	[tilespmem:$0x7B0] =	vst v19;
	v54 =	vld [tilespmem:$0x1FF80];
	vm12 =	vne.f32 v32, $3.000000000e+00;
	vm7 =	vne.f32 v32, $4.000000000e+00;
	vm4 =	vne.f32 v32, $5.000000000e+00  }
0x135: {  	[tilespmem:$0x4C0] =	vst v25;
	vm10 =	vne.f32 v32, $6.000000000e+00;
	vm1 =	vne.f32 v32, $7.000000000e+00;
	v32 =	vld [tilespmem:$0x1FFE0];
	v56 =	vnsel vm11, $0xFF61B1E6, v29  }
0x136: {  	[tilespmem:$0x7A0] =	vst v5;
	v58 =	vnsel vm13, $0xFF61B1E6, v31;
	v60 =	vnsel vm12, $0xFF61B1E6, v30;
	v5 =	vmax.f32 v55, v56;
	v55 =	vld [tilespmem:$0x1FF90]  }
0x137: {  	[tilespmem:$0x410] =	vst v44;
	v43 =	vnsel vm7, $0xFF61B1E6, v4;
	v44 =	vnsel vm4, $0xFF61B1E6, v41;
	v45 =	vnsel vm10, $0xFF61B1E6, v42;
	v56 =	vld [tilespmem:$0x1FFA0]  }
0x138: {  	[tilespmem:$0x510] =	vst v46;
	v46 =	vnsel vm1, $0xFF61B1E6, v17;
	v53 =	vsel vm12, $0x0, v1;
	v5 =	vmax.f32 v5, v58;
	v58 =	vld [tilespmem:$0x1FFB0]  }
0x139: {  	[tilespmem:$0x740] =	vst v10;
	v59 =	vsel vm4, $0x0, v1;
	v5 =	vmax.f32 v5, v60;
	v60 =	vsel vm6, $0x0, v1  }
0x13a: {  	[tilespmem:$0x560] =	vst v3;
	v5 =	vmax.f32 v5, v43;
	vm15 =	vnez.u8 v32;
	v3 =	vmax.f32 v60, v63  }
0x13b: {  	[tilespmem:$0x540] =	vst v12;
	v5 =	vmax.f32 v5, v44;
	v13 =	vsel vm15, $0x0, v1;
	vm15 =	veq.f32 v0, $7.000000000e+00  }
0x13c: {  	v24 =	vld [tilespmem:$0x1FFD0];
	[tilespmem:$0x660] =	vst v3;
	v3 =	vsel vm5, $0x0, v1;
	v5 =	vmax.f32 v5, v45;
	v12 =	vmax.f32 v54, v55  }
0x13d: {  	v45 =	vsel vm15, $0x3F800000, v2;
	v5 =	vmax.f32 v5, v46;
	[tilespmem:$0x5C0] =	vst v12;
	v12 =	vmax.f32 v56, v58  }
0x13e: {  	[tilespmem:$0x7C0] =	vst v6;
	v46 =	vmax.f32 v49, v50;
	v49 =	vsel vm11, $0x0, v1;
	vm14 =	veq.f32 v17, v5  }
0x13f: {  	[tilespmem:$0x450] =	vst v20;
	vm8 =	veq.f32 v42, v5;
	vm6 =	veq.f32 v4, v5;
	v42 =	vmax.f32 v28, v34  }
0x140: {  	[tilespmem:$0x6C0] =	vst v21;
	v44 =	vld [tilespmem:$0x1FFF0];
	vm0 =	vmand vm14, vm1;
	vm9 =	vmand vm8, vm10;
	vm14 =	veq.f32 v41, v5  }
0x141: {  	[tilespmem:$0x550] =	vst v62;
	vm8 =	vnez.u8 v24;
	v41 =	vmax.f32 v37, v38;
	v51 =	vsel vm0, $0x40E00000, v57  }
0x142: {  	[tilespmem:$0x5D0] =	vst v27;
	vm0 =	vmand vm14, vm4;
	v4 =	vsel vm8, $0x0, v1;
	vm14 =	veq.f32 v0, $5.000000000e+00  }
0x143: {  	[tilespmem:$0x750] =	vst v40;
	vm8 =	veq.f32 v0, $6.000000000e+00;
	v19 =	vsel vm9, $0x40C00000, v51;
	vm9 =	veq.f32 v30, v5  }
0x144: {  	[tilespmem:$0x6D0] =	vst v39;
	v26 =	vsel vm14, $0x3F800000, v2;
	v30 =	vmax.f32 v15, v18;
	v43 =	vsel vm8, $0x3F800000, v2  }
0x145: {  	[tilespmem:$0x4D0] =	vst v61;
	vm14 =	vnez.u8 v44;
	v51 =	vsel vm13, $0x0, v1;
	v19 =	vsel vm0, $0x40A00000, v19  }
0x146: {  	[tilespmem:$0x640] =	vst v12;
	vm0 =	vmand vm6, vm7;
	vm2 =	vmand vm9, vm12;
	vm6 =	veq.f32 v31, v5  }
0x147: {  	[tilespmem:$0x5E0] =	vst v46;
	vm9 =	veq.f32 v29, v5;
	v6 =	vsel vm14, $0x0, v1;
	v25 =	vsel vm0, $0x40800000, v19  }
0x148: {  	[tilespmem:$0x460] =	vst v42;
	v4 =	vmax.f32 v4, v26;
	vm0 =	vmand vm6, vm13;
	v10 =	vsel vm2, $0x40400000, v25  }
0x149: {  	[tilespmem:$0x7D0] =	vst v41;
	vm6 =	veq.f32 v14, v5;
	v10 =	vsel vm0, $0x40000000, v10;
	vm0 =	vmand vm9, vm11  }
0x14a: {  	[tilespmem:$0x650] =	vst v30;
	v47 =	vmax.f32 v13, v43;
	v0 =	vsel vm0, $0x3F800000, v10;
	vm0 =	vmand vm6, vm5  }
0x14b: {  	v6 =	vmax.f32 v6, v45;
	[tilespmem:$0x6E0] =	vst v4;
	v0 =	vsel vm0, $0x0, v0;
	v48 =	vsel vm0, $0x3F800000, v2  }
0x14c: {  	[tilespmem:$0x760] =	vst v47;
	vm8 =	veq.f32 v0, $1.000000000e+00;
	v3 =	vmax.f32 v3, v48;
	vm9 =	veq.f32 v0, $2.000000000e+00  }
0x14d: {  	[tilespmem:$0x7E0] =	vst v6;
	vm11 =	veq.f32 v0, $3.000000000e+00;
	vm12 =	veq.f32 v0, $4.000000000e+00;
	v50 =	vsel vm8, $0x3F800000, v2  }
0x14e: {  	vm13 =	veq.f32 v0, $5.000000000e+00;
	v52 =	vsel vm9, $0x3F800000, v2;
	[tilespmem:$0x470] =	vst v3;
	v3 =	vmax.f32 v49, v50  }
0x14f: {  	vm14 =	veq.f32 v0, $6.000000000e+00;
	v54 =	vsel vm11, $0x3F800000, v2;
	v55 =	vmax.f32 v51, v52;
	[tilespmem:$0x4F0] =	vst v3  }
0x150: {  	v58 =	vsel vm12, $0x3F800000, v2;
	v56 =	vmax.f32 v53, v54;
	v3 =	vsel vm7, $0x0, v1;
	[tilespmem:$0x570] =	vst v55  }
0x151: {  	vm15 =	veq.f32 v0, $7.000000000e+00;
	v60 =	vsel vm13, $0x3F800000, v2;
	[tilespmem:$0x5F0] =	vst v56;
	v3 =	vmax.f32 v3, v58  }
0x152: {  	v62 =	vsel vm14, $0x3F800000, v2;
	v61 =	vmax.f32 v59, v60;
	[tilespmem:$0x670] =	vst v3;
	v3 =	vsel vm10, $0x0, v1  }
0x153: {  	v63 =	vsel vm15, $0x3F800000, v2;
	[tilespmem:$0x6F0] =	vst v61;
	v0 =	vmax.f32 v3, v62;
	v3 =	vsel vm1, $0x0, v1  }
0x154: {  	s5 =	sadd.s32 $0xFFFFFFFF, s5;
	[tilespmem:$0x770] =	vst v0;
	v0 =	vmax.f32 v3, v63  }
0x155: {  	s7 =	simm.s32 @!p0 $0x0;
	s8 =	simm.s32 @!p0 $0x400;
	p1 =	sne.s32 s5, $0x0;
	[tilespmem:$0x7F0] =	vst v0  }
0x156: {  	[hbm4b:s4+s7] =	stream.linear.scatter @!p0 [tilespmem:s8], [sflag:$0x1], $0x400, $0x38;
	[tilespmem:$0x800] =	vst v63  }
.Ltmp0:
0x157: {  	_ = 	snop;
	(pc) =	sbr.rel @p1 .LBB2_1-.Ltmp0, $4  }
0x158: {  	s7 =	simm.s32 @!p0 $0x1  }
0x159: {  	_ =	swait.ge @!p0 [sflag:s7], $0x400  }
0x15a: {  	[sflag:s7] =	ssyncset.done @!p0 $0x0  }
0x15b: {  	[sflag:s7] =	ssyncadd.s32 @!p0 $0xFFFFFC00  }
0x15c: {  	_ =	sfence.sel $0x180000  }
0x15d: {  	[bflag:$0x0] =	sbarrier.arrive $0xFFFF  }
0x15e: {  	p0 =	sne.s32 s0, $0x0;
	_ =	strace $0x90000047  }
0x15f: {  	s0 =	sadd.s32 @!p0 $0x100000, s1;
	[bflag:$0x2] =	sbarrier.arrive $0xFFFF  }
0x160: {  	[sflag:s0] =	ssyncadd.tile.s32 @!p0 $0x1;
	_ =	shalt  }
.Lfunc_end2:
_tile_overlayer_lowered:
.L_overlay_start_2:
0x161: {  	(tag) =	ssettag $0x2  }
0x162: {  	s0 =	rddreg [dreg:$0x0];
	s2 =	stileid.u32  }
0x163: {  	s1 =	rddreg [dreg:$0x1];
	p0 =	sne.s32 s2, $0x0  }
0x164: {  	s3 =	rddreg [dreg:$0x2];
	[bflag:$0x3] =	sbarrier.arrive $0xFFFF;
	s2 =	simm.s32 @!p0 $0x1C01  }
0x165: {  	[timem:s3], [sflag:s2] =	dma.local @!p0 [hbm:s0], s1  }
0x166: {  	s0 =	simm.s32 @!p0 $0x1  }
0x167: {  	_ =	swait.ge @!p0 [sflag:s0], s1  }
0x168: {  	s1 =	ssub.s32 @!p0 $0x0, s1;
	[sflag:s0] =	ssyncset.done @!p0 $0x0  }
0x169: {  	[sflag:s0] =	ssyncadd.s32 @!p0 s1  }
0x16a: {  	[bflag:$0x3] =	sbarrier.arrive $0xFFFF  }
0x16b: {  	_ =	shalt  }

</sc_bundles>
